<compile_context>
chip_gen: v7x
topology: tpu7x:2x2x1
jax: 0.10.2.dev20260603
libtpu: 0.0.44.dev20260713+nightly
codegen_flags: <defaults>
</compile_context>

<pallas_src>
import jax
import jax.numpy as jnp
from jax import lax
from jax.experimental import pallas as pl
from jax.experimental.pallas import tpu as pltpu
from jax.experimental.pallas import tpu_sc as plsc

N = 10000
E = 320000
D = 128
NT = 16
EPT = E // NT
VPT = EPT // 16
M = 10240
SPT = M // NT

_HI = lax.Precision.HIGHEST


def _prologue_body(x_ref, w_ref, aat_ref, o_ref, m_ref, mscr):
    i = pl.program_id(0)
    h_blk = jnp.dot(x_ref[...], w_ref[...])
    s1 = jnp.sum(h_blk * aat_ref[0:1, :], axis=1, keepdims=True)
    s2 = jnp.sum(h_blk * aat_ref[1:2, :], axis=1, keepdims=True)
    blk = jnp.concatenate([s1, s2], axis=1)
    o_ref[...] = blk
    bm = jnp.max(blk, axis=0, keepdims=True)

    @pl.when(i == 0)
    def _():
        mscr[...] = bm

    @pl.when(i > 0)
    def _():
        mscr[...] = jnp.maximum(mscr[...], bm)

    @pl.when(i == pl.num_programs(0) - 1)
    def _():
        m_ref[...] = mscr[...]


def _prologue(x, w, aat):
    bn = 2000
    return pl.pallas_call(
        _prologue_body,
        grid=(N // bn,),
        in_specs=[
            pl.BlockSpec((bn, D), lambda i: (i, 0)),
            pl.BlockSpec((D, D), lambda i: (0, 0)),
            pl.BlockSpec((2, D), lambda i: (0, 0)),
        ],
        out_specs=[
            pl.BlockSpec((bn, 2), lambda i: (i, 0)),
            pl.BlockSpec((1, 2), lambda i: (0, 0)),
        ],
        out_shape=[
            jax.ShapeDtypeStruct((N, 2), jnp.float32),
            jax.ShapeDtypeStruct((1, 2), jnp.float32),
        ],
        scratch_shapes=[pltpu.VMEM((1, 2), jnp.float32)],
    )(x, w, aat)


_BIG = 157 * 128
_SML = 156 * 128


def _sc_body(tabs, lei, rei, mvec, c_out,
             as_t, ad_t, ei_v, ee_v, den_v, c_v, m_v,
             dself_v, red_v, big_v, dma_sem, sh_part, sh_red):
    g = lax.axis_index("c")
    s = lax.axis_index("s")
    e_off = 128 * (156 * s + jnp.minimum(s, 4))

    for gv, ei in ((0, lei), (1, rei)):
        @pl.when((g == gv) & (s < 4))
        def _():
            pltpu.async_copy(ei.at[:, pl.ds(e_off, _BIG)], ei_v, dma_sem)

        @pl.when((g == gv) & (s >= 4))
        def _():
            pltpu.async_copy(ei.at[:, pl.ds(e_off, _SML)],
                             ei_v.at[:, pl.ds(0, _SML)], dma_sem)

    pltpu.sync_copy(tabs.at[g, 0], as_t)
    pltpu.sync_copy(tabs.at[g, 1], ad_t)
    pltpu.sync_copy(mvec.at[g], m_v)

    zero = jnp.zeros((16,), jnp.float32)

    @plsc.parallel_loop(0, M // 16, unroll=8)
    def _(i):
        den_v[pl.ds(i * 16, 16)] = zero
        c_v[pl.ds(i * 16, 16)] = zero

    @pl.when(s < 4)
    def _():
        pltpu.make_async_copy(lei.at[:, pl.ds(0, _BIG)], ei_v, dma_sem).wait()

    @pl.when(s >= 4)
    def _():
        pltpu.make_async_copy(lei.at[:, pl.ds(0, _SML)],
                              ei_v.at[:, pl.ds(0, _SML)], dma_sem).wait()

    m_s = m_v[...]

    def pass1(nv):
        @plsc.parallel_loop(0, nv, unroll=8)
        def _(i):
            i_s = ei_v[0, pl.ds(i * 16, 16)]
            i_d = ei_v[1, pl.ds(i * 16, 16)]
            a_s = plsc.load_gather(as_t, [i_s])
            a_d = plsc.load_gather(ad_t, [i_d])
            sv = a_s + a_d
            e = jnp.maximum(sv, sv * 0.2)
            ub = jnp.maximum(a_d + m_s, 0.0)
            eev = jnp.exp(e - ub)
            ee_v[pl.ds(i * 16, 16)] = eev
            plsc.addupdate_scatter(den_v, [i_d], eev)

    @pl.when(s < 4)
    def _():
        pass1(_BIG // 16)

    @pl.when(s >= 4)
    def _():
        pass1(_SML // 16)

    @plsc.parallel_loop(0, SPT // 16, unroll=4)
    def _(j):
        off = s * SPT + j * 16
        a_d = ad_t[pl.ds(off, 16)]
        sv = as_t[pl.ds(off, 16)] + a_d
        ub = jnp.maximum(a_d + m_s, 0.0)
        dself = jnp.exp(jnp.maximum(sv, sv * 0.2) - ub)
        dself_v[pl.ds(j * 16, 16)] = dself
        den_v[pl.ds(off, 16)] = den_v[pl.ds(off, 16)] + dself

    pltpu.sync_copy(den_v, sh_part.at[s])
    plsc.subcore_barrier()
    pltpu.sync_copy(sh_part.at[:, pl.ds(s * SPT, SPT)], big_v)

    def _reduce_cols():
        @plsc.parallel_loop(0, SPT // 16, unroll=4)
        def _(j):
            acc = big_v[0, pl.ds(j * 16, 16)]
            for r in range(1, NT):
                acc = acc + big_v[r, pl.ds(j * 16, 16)]
            red_v[pl.ds(j * 16, 16)] = acc

    _reduce_cols()
    pltpu.sync_copy(red_v, sh_red.at[pl.ds(s * SPT, SPT)])
    plsc.subcore_barrier()
    pltpu.sync_copy(sh_red, den_v)

    @plsc.parallel_loop(0, SPT // 16, unroll=4)
    def _(j):
        off = s * SPT + j * 16
        dtot = den_v[pl.ds(off, 16)]
        c_v[pl.ds(off, 16)] = dself_v[pl.ds(j * 16, 16)] / (dtot + 1e-16)

    def pass2(nv):
        @plsc.parallel_loop(0, nv, unroll=8)
        def _(i):
            i_s = ei_v[0, pl.ds(i * 16, 16)]
            i_d = ei_v[1, pl.ds(i * 16, 16)]
            eev = ee_v[pl.ds(i * 16, 16)]
            dv = plsc.load_gather(den_v, [i_d])
            al = eev / (dv + 1e-16)
            plsc.addupdate_scatter(c_v, [i_s], al)

    @pl.when(s < 4)
    def _():
        pass2(_BIG // 16)

    @pl.when(s >= 4)
    def _():
        pass2(_SML // 16)

    pltpu.sync_copy(c_v, sh_part.at[s])
    plsc.subcore_barrier()
    pltpu.sync_copy(sh_part.at[:, pl.ds(s * SPT, SPT)], big_v)
    _reduce_cols()
    pltpu.sync_copy(red_v, c_out.at[g, pl.ds(s * SPT, SPT)])


def _sc_kernel(tabs, lei, rei, mvec):
    k = pl.kernel(
        _sc_body,
        out_type=jax.ShapeDtypeStruct((2, M), jnp.float32),
        mesh=plsc.VectorSubcoreMesh(core_axis_name="c", subcore_axis_name="s"),
        compiler_params=pltpu.CompilerParams(needs_layout_passes=False),
        scratch_types=[
            pltpu.VMEM((M,), jnp.float32),
            pltpu.VMEM((M,), jnp.float32),
            pltpu.VMEM((2, _BIG), jnp.int32),
            pltpu.VMEM((_BIG,), jnp.float32),
            pltpu.VMEM((M,), jnp.float32),
            pltpu.VMEM((M,), jnp.float32),
            pltpu.VMEM((16,), jnp.float32),
            pltpu.VMEM((SPT,), jnp.float32),
            pltpu.VMEM((SPT,), jnp.float32),
            pltpu.VMEM((NT, SPT), jnp.float32),
            pltpu.SemaphoreType.DMA,
            pltpu.VMEM_SHARED((NT, M), jnp.float32),
            pltpu.VMEM_SHARED((M,), jnp.float32),
        ],
    )
    return k(tabs, lei, rei, mvec)


def _tail_body(c2t_ref, xl_ref, xr_ref, wl_ref, wr_ref, bvec_ref, w1_ref,
               b1_ref, w2_ref, w3_ref, b2_ref, b3_ref, out_ref,
               cxl_s, cxr_s, feat_s):
    i = pl.program_id(0)
    nblk = N // 1000

    @pl.when(i < nblk)
    def _():
        hl_m = jnp.dot(xl_ref[...], wl_ref[...])
        hr_m = jnp.dot(xr_ref[...], wr_ref[...])
        pl_ = jnp.sum(hl_m * c2t_ref[:, 0:1], axis=0, keepdims=True)
        pr_ = jnp.sum(hr_m * c2t_ref[:, 1:2], axis=0, keepdims=True)

        @pl.when(i == 0)
        def _():
            cxl_s[...] = pl_
            cxr_s[...] = pr_

        @pl.when(i > 0)
        def _():
            cxl_s[...] = cxl_s[...] + pl_
            cxr_s[...] = cxr_s[...] + pr_

        @pl.when(i == nblk - 1)
        def _():
            suma = cxl_s[...] + float(N) * bvec_ref[0:1, :]
            sumb = cxr_s[...] + float(N) * bvec_ref[1:2, :]
            feat_s[...] = jnp.concatenate([suma, sumb], axis=1)

    @pl.when(i == nblk)
    def _():
        h1 = jnp.dot(feat_s[...], w1_ref[...]) + b1_ref[...]
        h2 = jnp.dot(h1, w2_ref[...]) + b2_ref[...]
        out_ref[...] = jnp.dot(h2, w3_ref[...]) + b3_ref[...]


def _tail(c2t, xl, xr, wl, wr, bvec, w1, b1r, w2, w3, b2r, b3r):
    bn = 1000
    nblk = N // bn
    kh = w1.shape[1]

    def fid(i):
        return jnp.minimum(i, nblk - 1)

    return pl.pallas_call(
        _tail_body,
        grid=(nblk + 1,),
        in_specs=[
            pl.BlockSpec((bn, 2), lambda i: (fid(i), 0)),
            pl.BlockSpec((bn, D), lambda i: (fid(i), 0)),
            pl.BlockSpec((bn, D), lambda i: (fid(i), 0)),
            pl.BlockSpec((D, D), lambda i: (0, 0)),
            pl.BlockSpec((D, D), lambda i: (0, 0)),
            pl.BlockSpec((2, D), lambda i: (0, 0)),
            pl.BlockSpec((2 * D, kh), lambda i: (0, 0)),
            pl.BlockSpec((1, kh), lambda i: (0, 0)),
            pl.BlockSpec((kh, D), lambda i: (0, 0)),
            pl.BlockSpec((D, 1), lambda i: (0, 0)),
            pl.BlockSpec((1, D), lambda i: (0, 0)),
            pl.BlockSpec((1, 1), lambda i: (0, 0)),
        ],
        out_specs=pl.BlockSpec((1, 1), lambda i: (0, 0)),
        out_shape=jax.ShapeDtypeStruct((1, 1), jnp.float32),
        scratch_shapes=[pltpu.VMEM((1, D), jnp.float32),
                        pltpu.VMEM((1, D), jnp.float32),
                        pltpu.VMEM((1, 2 * D), jnp.float32)],
    )(c2t, xl, xr, wl, wr, bvec, w1, b1r, w2, w3, b2r, b3r)


def kernel(l_x, l_edge_index, r_x, r_edge_index, Wl, att_src_l, att_dst_l, bl,
           Wr, att_src_r, att_dst_r, br, W1, b1, W2, b2, W3, b3):
    aat_l = jnp.stack([att_src_l, att_dst_l])
    aat_r = jnp.stack([att_src_r, att_dst_r])
    asad_l, mm_l = _prologue(l_x, Wl, aat_l)
    asad_r, mm_r = _prologue(r_x, Wr, aat_r)

    tabs = jnp.stack([
        jnp.pad(asad_l, ((0, M - N), (0, 0))).T,
        jnp.pad(asad_r, ((0, M - N), (0, 0))).T,
    ])
    mvec = jnp.broadcast_to(jnp.stack([mm_l[0, 0], mm_r[0, 0]])[:, None],
                            (2, 16))
    mvec = jnp.asarray(mvec, jnp.float32)

    c2 = _sc_kernel(tabs, l_edge_index, r_edge_index, mvec)

    bvec = jnp.stack([bl, br])
    out = _tail(c2.T, l_x, r_x, Wl, Wr, bvec, W1, b1.reshape(1, -1), W2, W3,
                b2.reshape(1, -1), b3.reshape(1, 1))
    return out.reshape(1)

# --- scband reference (transcript-rebuilt; emitter-appended) ---
"""Pipeline reference for scband-part-of-net-9191230013673 (READ-ONLY COPY).

The authoritative reference and input builder live on the scoring server;
editing this copy changes nothing except your own understanding.
"""

import jax, jax.numpy as jnp
import numpy as np

N = 10000
E = 320000
D = 128


def setup_inputs(seed: int = 0) -> dict:
    key = jax.random.key(seed)
    ks = jax.random.split(key, 20)
    inp = {}
    inp["l_x"] = jax.random.normal(ks[0], (N, D), dtype=jnp.float32)
    inp["l_edge_index"] = jax.random.randint(ks[1], (2, E), 0, N)
    inp["r_x"] = jax.random.normal(ks[2], (N, D), dtype=jnp.float32)
    inp["r_edge_index"] = jax.random.randint(ks[3], (2, E), 0, N)
    # GATConv (heads=1, concat=True) params for left and right nets
    inp["Wl"] = jax.random.normal(ks[4], (D, D), dtype=jnp.float32) * 0.1
    inp["att_src_l"] = jax.random.normal(ks[5], (D,), dtype=jnp.float32) * 0.1
    inp["att_dst_l"] = jax.random.normal(ks[6], (D,), dtype=jnp.float32) * 0.1
    inp["bl"] = jnp.zeros((D,), dtype=jnp.float32)
    inp["Wr"] = jax.random.normal(ks[7], (D, D), dtype=jnp.float32) * 0.1
    inp["att_src_r"] = jax.random.normal(ks[8], (D,), dtype=jnp.float32) * 0.1
    inp["att_dst_r"] = jax.random.normal(ks[9], (D,), dtype=jnp.float32) * 0.1
    inp["br"] = jnp.zeros((D,), dtype=jnp.float32)
    # output_net: Linear(2D, D*D) -> Linear(D*D, D) -> Linear(D, 1)
    inp["W1"] = jax.random.normal(ks[10], (2 * D, D * D), dtype=jnp.float32) * 0.02
    inp["b1"] = jnp.zeros((D * D,), dtype=jnp.float32)
    inp["W2"] = jax.random.normal(ks[11], (D * D, D), dtype=jnp.float32) * 0.02
    inp["b2"] = jnp.zeros((D,), dtype=jnp.float32)
    inp["W3"] = jax.random.normal(ks[12], (D, 1), dtype=jnp.float32) * 0.02
    inp["b3"] = jnp.zeros((1,), dtype=jnp.float32)
    return inp


def _gat(x, ei, W, a_src, a_dst, b):
    # PyG GATConv, heads=1, concat=True, negative_slope=0.2, add_self_loops=True
    n = x.shape[0]
    h = x @ W  # [n, D]
    loop = jnp.arange(n, dtype=ei.dtype)
    src = jnp.concatenate([ei[0], loop])
    dst = jnp.concatenate([ei[1], loop])
    alpha_src = (h * a_src).sum(-1)  # [n]
    alpha_dst = (h * a_dst).sum(-1)  # [n]
    e = jax.nn.leaky_relu(alpha_src[src] + alpha_dst[dst], 0.2)
    emax = jax.ops.segment_max(e, dst, num_segments=n)
    ee = jnp.exp(e - emax[dst])
    den = jax.ops.segment_sum(ee, dst, num_segments=n)
    alpha = ee / (den[dst] + 1e-16)
    out = jax.ops.segment_sum(h[src] * alpha[:, None], dst, num_segments=n)
    return out + b


def reference(l_x, l_edge_index, r_x, r_edge_index, Wl, att_src_l, att_dst_l, bl, Wr, att_src_r, att_dst_r, br, W1, b1, W2, b2, W3, b3):
    a = _gat(l_x, l_edge_index, Wl, att_src_l, att_dst_l, bl)
    b = _gat(r_x, r_edge_index, Wr, att_src_r, att_dst_r, br)
    feat = jnp.concatenate([a.sum(axis=0), b.sum(axis=0)], axis=0)  # [2D]
    h1 = feat @ W1 + b1
    h2 = h1 @ W2 + b2
    return h2 @ W3 + b3  # [1]

if __name__ == "__main__":
    import jax
    _d = setup_inputs()
    print(jax.jit(kernel)(*tuple(_d.values())))

</pallas_src>

<mosaic_0001>
#map = affine_map<(d0, d1) -> (0, 0, 0)>
#map1 = affine_map<(d0, d1) -> (0, 0)>
module attributes {stable_mosaic.version = 14 : i64} {
  func.func @_sc_body(%arg0: i32, %arg1: i32, %arg2: memref<2x2x10240xf32, #tpu.memory_space<hbm>>, %arg3: memref<2x320000xi32, #tpu.memory_space<hbm>>, %arg4: memref<2x320000xi32, #tpu.memory_space<hbm>>, %arg5: memref<2x16xf32, #tpu.memory_space<hbm>>, %arg6: memref<2x10240xf32, #tpu.memory_space<hbm>>, %arg7: memref<10240xf32, #tpu.memory_space<vmem>>, %arg8: memref<10240xf32, #tpu.memory_space<vmem>>, %arg9: memref<2x20096xi32, #tpu.memory_space<vmem>>, %arg10: memref<20096xf32, #tpu.memory_space<vmem>>, %arg11: memref<10240xf32, #tpu.memory_space<vmem>>, %arg12: memref<10240xf32, #tpu.memory_space<vmem>>, %arg13: memref<16xf32, #tpu.memory_space<vmem>>, %arg14: memref<640xf32, #tpu.memory_space<vmem>>, %arg15: memref<640xf32, #tpu.memory_space<vmem>>, %arg16: memref<16x640xf32, #tpu.memory_space<vmem>>, %arg17: memref<!tpu.dma_semaphore, #tpu.memory_space<semaphore_mem>>, %arg18: memref<16x10240xf32, #tpu.memory_space<vmem_shared>>, %arg19: memref<10240xf32, #tpu.memory_space<vmem_shared>>) attributes {dimension_semantics = [#tpu.dimension_semantics<core_parallel>, #tpu.dimension_semantics<subcore_parallel>], iteration_bounds = array<i64: 2, 16>, scalar_prefetch = 0 : i64, scratch_operands = 13 : i64, tpu.core_type = #tpu.core_type<sc_vector_subcore>, window_params = [{transform_indices = #map}, {transform_indices = #map1}, {transform_indices = #map1}, {transform_indices = #map1}, {transform_indices = #map1}]} {
    %mul3A = arith.constant 156 : i32
    %mul3A_0 = arith.muli %mul3A, %arg1 : i32
    %min3A = arith.constant 4 : i32
    %min3A_1 = arith.minsi %arg1, %min3A : i32
    %add3A = arith.addi %mul3A_0, %min3A_1 : i32
    %mul3A_2 = arith.constant 128 : i32
    %mul3A_3 = arith.muli %mul3A_2, %add3A : i32
    %eq3A = arith.constant 0 : i32
    %eq3A_4 = arith.cmpi eq, %arg0, %eq3A : i32
    %lt3A = arith.constant 4 : i32
    %lt3A_5 = arith.cmpi slt, %arg1, %lt3A : i32
    %and3A = arith.andi %eq3A_4, %lt3A_5 : i1
    %convert_element_type3A = arith.extui %and3A : i1 to i32
    %cond3A = arith.constant 0 : i32
    %cond3A_6 = arith.cmpi ne, %convert_element_type3A, %cond3A : i32
    scf.if %cond3A_6 {
      %dma_start3A = arith.constant 0 : i32
      %dma_start3A_87 = tpu.memref_slice %arg3[%dma_start3A, %mul3A_3] : memref<2x320000xi32, #tpu.memory_space<hbm>> -> memref<2x20096xi32, #tpu.memory_space<hbm>>
      %dma_start3A_88 = arith.constant 0 : i32
      %dma_start3A_89 = tpu.memref_slice %arg3[%dma_start3A_88, %mul3A_3] : memref<2x320000xi32, #tpu.memory_space<hbm>> -> memref<2x20096xi32, #tpu.memory_space<hbm>>
      tpu.enqueue_dma source(%dma_start3A_89 : memref<2x20096xi32, #tpu.memory_space<hbm>>) target(%arg9 : memref<2x20096xi32, #tpu.memory_space<vmem>>) target_semaphore(%arg17 : memref<!tpu.dma_semaphore, #tpu.memory_space<semaphore_mem>>)
    } else {
    }
    %eq3A_7 = arith.constant 0 : i32
    %eq3A_8 = arith.cmpi eq, %arg0, %eq3A_7 : i32
    %ge3A = arith.constant 4 : i32
    %ge3A_9 = arith.cmpi sge, %arg1, %ge3A : i32
    %and3A_10 = arith.andi %eq3A_8, %ge3A_9 : i1
    %convert_element_type3A_11 = arith.extui %and3A_10 : i1 to i32
    %cond3A_12 = arith.constant 0 : i32
    %cond3A_13 = arith.cmpi ne, %convert_element_type3A_11, %cond3A_12 : i32
    scf.if %cond3A_13 {
      %dma_start3A = arith.constant 0 : i32
      %dma_start3A_87 = arith.constant 0 : i32
      %dma_start3A_88 = tpu.memref_slice %arg9[%dma_start3A, %dma_start3A_87] : memref<2x20096xi32, #tpu.memory_space<vmem>> -> memref<2x19968xi32, #tpu.memory_space<vmem>>
      %dma_start3A_89 = arith.constant 0 : i32
      %dma_start3A_90 = tpu.memref_slice %arg3[%dma_start3A_89, %mul3A_3] : memref<2x320000xi32, #tpu.memory_space<hbm>> -> memref<2x19968xi32, #tpu.memory_space<hbm>>
      %dma_start3A_91 = arith.constant 0 : i32
      %dma_start3A_92 = arith.constant 0 : i32
      %dma_start3A_93 = tpu.memref_slice %arg9[%dma_start3A_91, %dma_start3A_92] : memref<2x20096xi32, #tpu.memory_space<vmem>> -> memref<2x19968xi32, #tpu.memory_space<vmem>>
      %dma_start3A_94 = arith.constant 0 : i32
      %dma_start3A_95 = tpu.memref_slice %arg3[%dma_start3A_94, %mul3A_3] : memref<2x320000xi32, #tpu.memory_space<hbm>> -> memref<2x19968xi32, #tpu.memory_space<hbm>>
      tpu.enqueue_dma source(%dma_start3A_95 : memref<2x19968xi32, #tpu.memory_space<hbm>>) target(%dma_start3A_93 : memref<2x19968xi32, #tpu.memory_space<vmem>>) target_semaphore(%arg17 : memref<!tpu.dma_semaphore, #tpu.memory_space<semaphore_mem>>)
    } else {
    }
    %eq3A_14 = arith.constant 1 : i32
    %eq3A_15 = arith.cmpi eq, %arg0, %eq3A_14 : i32
    %lt3A_16 = arith.constant 4 : i32
    %lt3A_17 = arith.cmpi slt, %arg1, %lt3A_16 : i32
    %and3A_18 = arith.andi %eq3A_15, %lt3A_17 : i1
    %convert_element_type3A_19 = arith.extui %and3A_18 : i1 to i32
    %cond3A_20 = arith.constant 0 : i32
    %cond3A_21 = arith.cmpi ne, %convert_element_type3A_19, %cond3A_20 : i32
    scf.if %cond3A_21 {
      %dma_start3A = arith.constant 0 : i32
      %dma_start3A_87 = tpu.memref_slice %arg4[%dma_start3A, %mul3A_3] : memref<2x320000xi32, #tpu.memory_space<hbm>> -> memref<2x20096xi32, #tpu.memory_space<hbm>>
      %dma_start3A_88 = arith.constant 0 : i32
      %dma_start3A_89 = tpu.memref_slice %arg4[%dma_start3A_88, %mul3A_3] : memref<2x320000xi32, #tpu.memory_space<hbm>> -> memref<2x20096xi32, #tpu.memory_space<hbm>>
      tpu.enqueue_dma source(%dma_start3A_89 : memref<2x20096xi32, #tpu.memory_space<hbm>>) target(%arg9 : memref<2x20096xi32, #tpu.memory_space<vmem>>) target_semaphore(%arg17 : memref<!tpu.dma_semaphore, #tpu.memory_space<semaphore_mem>>)
    } else {
    }
    %eq3A_22 = arith.constant 1 : i32
    %eq3A_23 = arith.cmpi eq, %arg0, %eq3A_22 : i32
    %ge3A_24 = arith.constant 4 : i32
    %ge3A_25 = arith.cmpi sge, %arg1, %ge3A_24 : i32
    %and3A_26 = arith.andi %eq3A_23, %ge3A_25 : i1
    %convert_element_type3A_27 = arith.extui %and3A_26 : i1 to i32
    %cond3A_28 = arith.constant 0 : i32
    %cond3A_29 = arith.cmpi ne, %convert_element_type3A_27, %cond3A_28 : i32
    scf.if %cond3A_29 {
      %dma_start3A = arith.constant 0 : i32
      %dma_start3A_87 = arith.constant 0 : i32
      %dma_start3A_88 = tpu.memref_slice %arg9[%dma_start3A, %dma_start3A_87] : memref<2x20096xi32, #tpu.memory_space<vmem>> -> memref<2x19968xi32, #tpu.memory_space<vmem>>
      %dma_start3A_89 = arith.constant 0 : i32
      %dma_start3A_90 = tpu.memref_slice %arg4[%dma_start3A_89, %mul3A_3] : memref<2x320000xi32, #tpu.memory_space<hbm>> -> memref<2x19968xi32, #tpu.memory_space<hbm>>
      %dma_start3A_91 = arith.constant 0 : i32
      %dma_start3A_92 = arith.constant 0 : i32
      %dma_start3A_93 = tpu.memref_slice %arg9[%dma_start3A_91, %dma_start3A_92] : memref<2x20096xi32, #tpu.memory_space<vmem>> -> memref<2x19968xi32, #tpu.memory_space<vmem>>
      %dma_start3A_94 = arith.constant 0 : i32
      %dma_start3A_95 = tpu.memref_slice %arg4[%dma_start3A_94, %mul3A_3] : memref<2x320000xi32, #tpu.memory_space<hbm>> -> memref<2x19968xi32, #tpu.memory_space<hbm>>
      tpu.enqueue_dma source(%dma_start3A_95 : memref<2x19968xi32, #tpu.memory_space<hbm>>) target(%dma_start3A_93 : memref<2x19968xi32, #tpu.memory_space<vmem>>) target_semaphore(%arg17 : memref<!tpu.dma_semaphore, #tpu.memory_space<semaphore_mem>>)
    } else {
    }
    %run_scoped3A = arith.constant 0 : i32
    "tpu.region"() ({
      %run_scoped3A_87 = tpu.sem_alloc : memref<!tpu.dma_semaphore, #tpu.memory_space<semaphore_mem>>
      %dma_start3A = arith.constant 0 : i32
      %dma_start3A_88 = tpu.memref_slice %arg2[%arg0, %run_scoped3A, %dma_start3A] : memref<2x2x10240xf32, #tpu.memory_space<hbm>> -> memref<1x1x10240xf32, #tpu.memory_space<hbm>>
      %dma_start3A_89 = tpu.memref_squeeze %dma_start3A_88 : memref<1x1x10240xf32, #tpu.memory_space<hbm>> -> memref<10240xf32, #tpu.memory_space<hbm>>
      %dma_start3A_90 = arith.constant 0 : i32
      %dma_start3A_91 = tpu.memref_slice %arg2[%arg0, %run_scoped3A, %dma_start3A_90] : memref<2x2x10240xf32, #tpu.memory_space<hbm>> -> memref<1x1x10240xf32, #tpu.memory_space<hbm>>
      %dma_start3A_92 = tpu.memref_squeeze %dma_start3A_91 : memref<1x1x10240xf32, #tpu.memory_space<hbm>> -> memref<10240xf32, #tpu.memory_space<hbm>>
      tpu.enqueue_dma source(%dma_start3A_92 : memref<10240xf32, #tpu.memory_space<hbm>>) target(%arg7 : memref<10240xf32, #tpu.memory_space<vmem>>) target_semaphore(%run_scoped3A_87 : memref<!tpu.dma_semaphore, #tpu.memory_space<semaphore_mem>>)
      %dma_wait3A = arith.constant 0 : i32
      %dma_wait3A_93 = tpu.memref_slice %arg2[%arg0, %run_scoped3A, %dma_wait3A] : memref<2x2x10240xf32, #tpu.memory_space<hbm>> -> memref<1x1x10240xf32, #tpu.memory_space<hbm>>
      %dma_wait3A_94 = tpu.memref_squeeze %dma_wait3A_93 : memref<1x1x10240xf32, #tpu.memory_space<hbm>> -> memref<10240xf32, #tpu.memory_space<hbm>>
      %dma_wait3A_95 = arith.constant 0 : i32
      %dma_wait3A_96 = tpu.memref_slice %arg2[%arg0, %run_scoped3A, %dma_wait3A_95] : memref<2x2x10240xf32, #tpu.memory_space<hbm>> -> memref<1x1x10240xf32, #tpu.memory_space<hbm>>
      %dma_wait3A_97 = tpu.memref_squeeze %dma_wait3A_96 : memref<1x1x10240xf32, #tpu.memory_space<hbm>> -> memref<10240xf32, #tpu.memory_space<hbm>>
      tpu.wait_dma2 semaphore(%run_scoped3A_87 : memref<!tpu.dma_semaphore, #tpu.memory_space<semaphore_mem>>) src(%dma_wait3A_97 : memref<10240xf32, #tpu.memory_space<hbm>>) dst(%arg7 : memref<10240xf32, #tpu.memory_space<vmem>>)
      tpu.yield
    }) : () -> ()
    %run_scoped3A_30 = arith.constant 1 : i32
    "tpu.region"() ({
      %run_scoped3A_87 = tpu.sem_alloc : memref<!tpu.dma_semaphore, #tpu.memory_space<semaphore_mem>>
      %dma_start3A = arith.constant 0 : i32
      %dma_start3A_88 = tpu.memref_slice %arg2[%arg0, %run_scoped3A_30, %dma_start3A] : memref<2x2x10240xf32, #tpu.memory_space<hbm>> -> memref<1x1x10240xf32, #tpu.memory_space<hbm>>
      %dma_start3A_89 = tpu.memref_squeeze %dma_start3A_88 : memref<1x1x10240xf32, #tpu.memory_space<hbm>> -> memref<10240xf32, #tpu.memory_space<hbm>>
      %dma_start3A_90 = arith.constant 0 : i32
      %dma_start3A_91 = tpu.memref_slice %arg2[%arg0, %run_scoped3A_30, %dma_start3A_90] : memref<2x2x10240xf32, #tpu.memory_space<hbm>> -> memref<1x1x10240xf32, #tpu.memory_space<hbm>>
      %dma_start3A_92 = tpu.memref_squeeze %dma_start3A_91 : memref<1x1x10240xf32, #tpu.memory_space<hbm>> -> memref<10240xf32, #tpu.memory_space<hbm>>
      tpu.enqueue_dma source(%dma_start3A_92 : memref<10240xf32, #tpu.memory_space<hbm>>) target(%arg8 : memref<10240xf32, #tpu.memory_space<vmem>>) target_semaphore(%run_scoped3A_87 : memref<!tpu.dma_semaphore, #tpu.memory_space<semaphore_mem>>)
      %dma_wait3A = arith.constant 0 : i32
      %dma_wait3A_93 = tpu.memref_slice %arg2[%arg0, %run_scoped3A_30, %dma_wait3A] : memref<2x2x10240xf32, #tpu.memory_space<hbm>> -> memref<1x1x10240xf32, #tpu.memory_space<hbm>>
      %dma_wait3A_94 = tpu.memref_squeeze %dma_wait3A_93 : memref<1x1x10240xf32, #tpu.memory_space<hbm>> -> memref<10240xf32, #tpu.memory_space<hbm>>
      %dma_wait3A_95 = arith.constant 0 : i32
      %dma_wait3A_96 = tpu.memref_slice %arg2[%arg0, %run_scoped3A_30, %dma_wait3A_95] : memref<2x2x10240xf32, #tpu.memory_space<hbm>> -> memref<1x1x10240xf32, #tpu.memory_space<hbm>>
      %dma_wait3A_97 = tpu.memref_squeeze %dma_wait3A_96 : memref<1x1x10240xf32, #tpu.memory_space<hbm>> -> memref<10240xf32, #tpu.memory_space<hbm>>
      tpu.wait_dma2 semaphore(%run_scoped3A_87 : memref<!tpu.dma_semaphore, #tpu.memory_space<semaphore_mem>>) src(%dma_wait3A_97 : memref<10240xf32, #tpu.memory_space<hbm>>) dst(%arg8 : memref<10240xf32, #tpu.memory_space<vmem>>)
      tpu.yield
    }) : () -> ()
    "tpu.region"() ({
      %run_scoped3A_87 = tpu.sem_alloc : memref<!tpu.dma_semaphore, #tpu.memory_space<semaphore_mem>>
      %dma_start3A = arith.constant 0 : i32
      %dma_start3A_88 = tpu.memref_slice %arg5[%arg0, %dma_start3A] : memref<2x16xf32, #tpu.memory_space<hbm>> -> memref<1x16xf32, #tpu.memory_space<hbm>>
      %dma_start3A_89 = tpu.memref_squeeze %dma_start3A_88 : memref<1x16xf32, #tpu.memory_space<hbm>> -> memref<16xf32, #tpu.memory_space<hbm>>
      %dma_start3A_90 = arith.constant 0 : i32
      %dma_start3A_91 = tpu.memref_slice %arg5[%arg0, %dma_start3A_90] : memref<2x16xf32, #tpu.memory_space<hbm>> -> memref<1x16xf32, #tpu.memory_space<hbm>>
      %dma_start3A_92 = tpu.memref_squeeze %dma_start3A_91 : memref<1x16xf32, #tpu.memory_space<hbm>> -> memref<16xf32, #tpu.memory_space<hbm>>
      tpu.enqueue_dma source(%dma_start3A_92 : memref<16xf32, #tpu.memory_space<hbm>>) target(%arg13 : memref<16xf32, #tpu.memory_space<vmem>>) target_semaphore(%run_scoped3A_87 : memref<!tpu.dma_semaphore, #tpu.memory_space<semaphore_mem>>)
      %dma_wait3A = arith.constant 0 : i32
      %dma_wait3A_93 = tpu.memref_slice %arg5[%arg0, %dma_wait3A] : memref<2x16xf32, #tpu.memory_space<hbm>> -> memref<1x16xf32, #tpu.memory_space<hbm>>
      %dma_wait3A_94 = tpu.memref_squeeze %dma_wait3A_93 : memref<1x16xf32, #tpu.memory_space<hbm>> -> memref<16xf32, #tpu.memory_space<hbm>>
      %dma_wait3A_95 = arith.constant 0 : i32
      %dma_wait3A_96 = tpu.memref_slice %arg5[%arg0, %dma_wait3A_95] : memref<2x16xf32, #tpu.memory_space<hbm>> -> memref<1x16xf32, #tpu.memory_space<hbm>>
      %dma_wait3A_97 = tpu.memref_squeeze %dma_wait3A_96 : memref<1x16xf32, #tpu.memory_space<hbm>> -> memref<16xf32, #tpu.memory_space<hbm>>
      tpu.wait_dma2 semaphore(%run_scoped3A_87 : memref<!tpu.dma_semaphore, #tpu.memory_space<semaphore_mem>>) src(%dma_wait3A_97 : memref<16xf32, #tpu.memory_space<hbm>>) dst(%arg13 : memref<16xf32, #tpu.memory_space<vmem>>)
      tpu.yield
    }) : () -> ()
    %broadcast_in_dim3A = arith.constant 0.000000e+00 : f32
    %broadcast_in_dim3A_31 = vector.broadcast %broadcast_in_dim3A : f32 to vector<16xf32>
    %parallel_loop3A = arith.constant 0 : i32
    %parallel_loop3A_32 = arith.constant 640 : i32
    %parallel_loop3A_33 = arith.constant 1 : i32
    scf.for %parallel_loop3A_87 = %parallel_loop3A to %parallel_loop3A_32 step %parallel_loop3A_33  : i32 {
      %parallel_loop3A_88 = arith.constant 16 : i32
      %parallel_loop3A_89 = arith.muli %parallel_loop3A_87, %parallel_loop3A_88 : i32
      %parallel_loop3A_90 = arith.index_cast %parallel_loop3A_89 : i32 to index
      %parallel_loop3A_91 = tpu.vector_load %arg11[%parallel_loop3A_90] {strides = array<i32>} : memref<10240xf32, #tpu.memory_space<vmem>>, vector<16xf32>,
      tpu.vector_store %arg11[%parallel_loop3A_90], %broadcast_in_dim3A_31 {strides = array<i32>} : memref<10240xf32, #tpu.memory_space<vmem>>, vector<16xf32>,
      %parallel_loop3A_92 = arith.constant 16 : i32
      %parallel_loop3A_93 = arith.muli %parallel_loop3A_87, %parallel_loop3A_92 : i32
      %parallel_loop3A_94 = arith.index_cast %parallel_loop3A_93 : i32 to index
      %parallel_loop3A_95 = tpu.vector_load %arg12[%parallel_loop3A_94] {strides = array<i32>} : memref<10240xf32, #tpu.memory_space<vmem>>, vector<16xf32>,
      tpu.vector_store %arg12[%parallel_loop3A_94], %broadcast_in_dim3A_31 {strides = array<i32>} : memref<10240xf32, #tpu.memory_space<vmem>>, vector<16xf32>,
    } {sc.loop_unroll_factor = 8 : i64, sc.parallel_access}
    %lt3A_34 = arith.constant 4 : i32
    %lt3A_35 = arith.cmpi slt, %arg1, %lt3A_34 : i32
    %convert_element_type3A_36 = arith.extui %lt3A_35 : i1 to i32
    %cond3A_37 = arith.constant 0 : i32
    %cond3A_38 = arith.cmpi ne, %convert_element_type3A_36, %cond3A_37 : i32
    scf.if %cond3A_38 {
      %dma_wait3A = arith.constant 0 : i32
      %dma_wait3A_87 = arith.constant 0 : i32
      %dma_wait3A_88 = tpu.memref_slice %arg3[%dma_wait3A, %dma_wait3A_87] : memref<2x320000xi32, #tpu.memory_space<hbm>> -> memref<2x20096xi32, #tpu.memory_space<hbm>>
      %dma_wait3A_89 = arith.constant 0 : i32
      %dma_wait3A_90 = arith.constant 0 : i32
      %dma_wait3A_91 = tpu.memref_slice %arg3[%dma_wait3A_89, %dma_wait3A_90] : memref<2x320000xi32, #tpu.memory_space<hbm>> -> memref<2x20096xi32, #tpu.memory_space<hbm>>
      tpu.wait_dma2 semaphore(%arg17 : memref<!tpu.dma_semaphore, #tpu.memory_space<semaphore_mem>>) src(%dma_wait3A_91 : memref<2x20096xi32, #tpu.memory_space<hbm>>) dst(%arg9 : memref<2x20096xi32, #tpu.memory_space<vmem>>)
    } else {
    }
    %ge3A_39 = arith.constant 4 : i32
    %ge3A_40 = arith.cmpi sge, %arg1, %ge3A_39 : i32
    %convert_element_type3A_41 = arith.extui %ge3A_40 : i1 to i32
    %cond3A_42 = arith.constant 0 : i32
    %cond3A_43 = arith.cmpi ne, %convert_element_type3A_41, %cond3A_42 : i32
    scf.if %cond3A_43 {
      %dma_wait3A = arith.constant 0 : i32
      %dma_wait3A_87 = arith.constant 0 : i32
      %dma_wait3A_88 = tpu.memref_slice %arg9[%dma_wait3A, %dma_wait3A_87] : memref<2x20096xi32, #tpu.memory_space<vmem>> -> memref<2x19968xi32, #tpu.memory_space<vmem>>
      %dma_wait3A_89 = arith.constant 0 : i32
      %dma_wait3A_90 = arith.constant 0 : i32
      %dma_wait3A_91 = tpu.memref_slice %arg3[%dma_wait3A_89, %dma_wait3A_90] : memref<2x320000xi32, #tpu.memory_space<hbm>> -> memref<2x19968xi32, #tpu.memory_space<hbm>>
      %dma_wait3A_92 = arith.constant 0 : i32
      %dma_wait3A_93 = arith.constant 0 : i32
      %dma_wait3A_94 = tpu.memref_slice %arg9[%dma_wait3A_92, %dma_wait3A_93] : memref<2x20096xi32, #tpu.memory_space<vmem>> -> memref<2x19968xi32, #tpu.memory_space<vmem>>
      %dma_wait3A_95 = arith.constant 0 : i32
      %dma_wait3A_96 = arith.constant 0 : i32
      %dma_wait3A_97 = tpu.memref_slice %arg3[%dma_wait3A_95, %dma_wait3A_96] : memref<2x320000xi32, #tpu.memory_space<hbm>> -> memref<2x19968xi32, #tpu.memory_space<hbm>>
      tpu.wait_dma2 semaphore(%arg17 : memref<!tpu.dma_semaphore, #tpu.memory_space<semaphore_mem>>) src(%dma_wait3A_97 : memref<2x19968xi32, #tpu.memory_space<hbm>>) dst(%dma_wait3A_94 : memref<2x19968xi32, #tpu.memory_space<vmem>>)
    } else {
    }
    %get3A = arith.constant 0 : index
    %get3A_44 = tpu.vector_load %arg13[%get3A] {strides = array<i32>} : memref<16xf32, #tpu.memory_space<vmem>>, vector<16xf32>,
    %lt3A_45 = arith.constant 4 : i32
    %lt3A_46 = arith.cmpi slt, %arg1, %lt3A_45 : i32
    %convert_element_type3A_47 = arith.extui %lt3A_46 : i1 to i32
    %cond3A_48 = arith.constant 0 : i32
    %cond3A_49 = arith.cmpi ne, %convert_element_type3A_47, %cond3A_48 : i32
    scf.if %cond3A_49 {
      %parallel_loop3A_87 = arith.constant 0 : i32
      %parallel_loop3A_88 = arith.constant 1256 : i32
      %parallel_loop3A_89 = arith.constant 1 : i32
      scf.for %parallel_loop3A_90 = %parallel_loop3A_87 to %parallel_loop3A_88 step %parallel_loop3A_89  : i32 {
        %parallel_loop3A_91 = arith.constant 16 : i32
        %parallel_loop3A_92 = arith.muli %parallel_loop3A_90, %parallel_loop3A_91 : i32
        %parallel_loop3A_93 = arith.constant 0 : i32
        %parallel_loop3A_94 = arith.index_cast %parallel_loop3A_93 : i32 to index
        %parallel_loop3A_95 = arith.index_cast %parallel_loop3A_92 : i32 to index
        %parallel_loop3A_96 = tpu.vector_load %arg9[%parallel_loop3A_94, %parallel_loop3A_95] {strides = array<i32>} : memref<2x20096xi32, #tpu.memory_space<vmem>>, vector<16xi32>,
        %parallel_loop3A_97 = arith.constant 16 : i32
        %parallel_loop3A_98 = arith.muli %parallel_loop3A_90, %parallel_loop3A_97 : i32
        %parallel_loop3A_99 = arith.constant 1 : i32
        %parallel_loop3A_100 = arith.index_cast %parallel_loop3A_99 : i32 to index
        %parallel_loop3A_101 = arith.index_cast %parallel_loop3A_98 : i32 to index
        %parallel_loop3A_102 = tpu.vector_load %arg9[%parallel_loop3A_100, %parallel_loop3A_101] {strides = array<i32>} : memref<2x20096xi32, #tpu.memory_space<vmem>>, vector<16xi32>,
        %parallel_loop3A_103 = tpu.vector_load_idx %arg7[%parallel_loop3A_96] : memref<10240xf32, #tpu.memory_space<vmem>>[vector<16xi32>], vector<16xf32>,
        %parallel_loop3A_104 = tpu.vector_load_idx %arg8[%parallel_loop3A_102] : memref<10240xf32, #tpu.memory_space<vmem>>[vector<16xi32>], vector<16xf32>,
        %parallel_loop3A_105 = arith.addf %parallel_loop3A_103, %parallel_loop3A_104 : vector<16xf32>
        %parallel_loop3A_106 = arith.constant 2.000000e-01 : f32
        %parallel_loop3A_107 = vector.broadcast %parallel_loop3A_106 : f32 to vector<16xf32>
        %parallel_loop3A_108 = arith.mulf %parallel_loop3A_105, %parallel_loop3A_107 : vector<16xf32>
        %parallel_loop3A_109 = arith.maximumf %parallel_loop3A_105, %parallel_loop3A_108 : vector<16xf32>
        %parallel_loop3A_110 = arith.addf %parallel_loop3A_104, %get3A_44 : vector<16xf32>
        %parallel_loop3A_111 = arith.constant 0.000000e+00 : f32
        %parallel_loop3A_112 = vector.broadcast %parallel_loop3A_111 : f32 to vector<16xf32>
        %parallel_loop3A_113 = arith.maximumf %parallel_loop3A_110, %parallel_loop3A_112 : vector<16xf32>
        %parallel_loop3A_114 = arith.subf %parallel_loop3A_109, %parallel_loop3A_113 : vector<16xf32>
        %parallel_loop3A_115 = math.exp %parallel_loop3A_114 : vector<16xf32>
        %parallel_loop3A_116 = arith.constant 16 : i32
        %parallel_loop3A_117 = arith.muli %parallel_loop3A_90, %parallel_loop3A_116 : i32
        %parallel_loop3A_118 = arith.index_cast %parallel_loop3A_117 : i32 to index
        %parallel_loop3A_119 = tpu.vector_load %arg10[%parallel_loop3A_118] {strides = array<i32>} : memref<20096xf32, #tpu.memory_space<vmem>>, vector<16xf32>,
        tpu.vector_store %arg10[%parallel_loop3A_118], %parallel_loop3A_115 {strides = array<i32>} : memref<20096xf32, #tpu.memory_space<vmem>>, vector<16xf32>,
        tpu.vector_store_idx %arg11[%parallel_loop3A_102], %parallel_loop3A_115 {add = true} : memref<10240xf32, #tpu.memory_space<vmem>>[vector<16xi32>], vector<16xf32>,
      } {sc.loop_unroll_factor = 8 : i64, sc.parallel_access}
    } else {
    }
    %ge3A_50 = arith.constant 4 : i32
    %ge3A_51 = arith.cmpi sge, %arg1, %ge3A_50 : i32
    %convert_element_type3A_52 = arith.extui %ge3A_51 : i1 to i32
    %cond3A_53 = arith.constant 0 : i32
    %cond3A_54 = arith.cmpi ne, %convert_element_type3A_52, %cond3A_53 : i32
    scf.if %cond3A_54 {
      %parallel_loop3A_87 = arith.constant 0 : i32
      %parallel_loop3A_88 = arith.constant 1248 : i32
      %parallel_loop3A_89 = arith.constant 1 : i32
      scf.for %parallel_loop3A_90 = %parallel_loop3A_87 to %parallel_loop3A_88 step %parallel_loop3A_89  : i32 {
        %parallel_loop3A_91 = arith.constant 16 : i32
        %parallel_loop3A_92 = arith.muli %parallel_loop3A_90, %parallel_loop3A_91 : i32
        %parallel_loop3A_93 = arith.constant 0 : i32
        %parallel_loop3A_94 = arith.index_cast %parallel_loop3A_93 : i32 to index
        %parallel_loop3A_95 = arith.index_cast %parallel_loop3A_92 : i32 to index
        %parallel_loop3A_96 = tpu.vector_load %arg9[%parallel_loop3A_94, %parallel_loop3A_95] {strides = array<i32>} : memref<2x20096xi32, #tpu.memory_space<vmem>>, vector<16xi32>,
        %parallel_loop3A_97 = arith.constant 16 : i32
        %parallel_loop3A_98 = arith.muli %parallel_loop3A_90, %parallel_loop3A_97 : i32
        %parallel_loop3A_99 = arith.constant 1 : i32
        %parallel_loop3A_100 = arith.index_cast %parallel_loop3A_99 : i32 to index
        %parallel_loop3A_101 = arith.index_cast %parallel_loop3A_98 : i32 to index
        %parallel_loop3A_102 = tpu.vector_load %arg9[%parallel_loop3A_100, %parallel_loop3A_101] {strides = array<i32>} : memref<2x20096xi32, #tpu.memory_space<vmem>>, vector<16xi32>,
        %parallel_loop3A_103 = tpu.vector_load_idx %arg7[%parallel_loop3A_96] : memref<10240xf32, #tpu.memory_space<vmem>>[vector<16xi32>], vector<16xf32>,
        %parallel_loop3A_104 = tpu.vector_load_idx %arg8[%parallel_loop3A_102] : memref<10240xf32, #tpu.memory_space<vmem>>[vector<16xi32>], vector<16xf32>,
        %parallel_loop3A_105 = arith.addf %parallel_loop3A_103, %parallel_loop3A_104 : vector<16xf32>
        %parallel_loop3A_106 = arith.constant 2.000000e-01 : f32
        %parallel_loop3A_107 = vector.broadcast %parallel_loop3A_106 : f32 to vector<16xf32>
        %parallel_loop3A_108 = arith.mulf %parallel_loop3A_105, %parallel_loop3A_107 : vector<16xf32>
        %parallel_loop3A_109 = arith.maximumf %parallel_loop3A_105, %parallel_loop3A_108 : vector<16xf32>
        %parallel_loop3A_110 = arith.addf %parallel_loop3A_104, %get3A_44 : vector<16xf32>
        %parallel_loop3A_111 = arith.constant 0.000000e+00 : f32
        %parallel_loop3A_112 = vector.broadcast %parallel_loop3A_111 : f32 to vector<16xf32>
        %parallel_loop3A_113 = arith.maximumf %parallel_loop3A_110, %parallel_loop3A_112 : vector<16xf32>
        %parallel_loop3A_114 = arith.subf %parallel_loop3A_109, %parallel_loop3A_113 : vector<16xf32>
        %parallel_loop3A_115 = math.exp %parallel_loop3A_114 : vector<16xf32>
        %parallel_loop3A_116 = arith.constant 16 : i32
        %parallel_loop3A_117 = arith.muli %parallel_loop3A_90, %parallel_loop3A_116 : i32
        %parallel_loop3A_118 = arith.index_cast %parallel_loop3A_117 : i32 to index
        %parallel_loop3A_119 = tpu.vector_load %arg10[%parallel_loop3A_118] {strides = array<i32>} : memref<20096xf32, #tpu.memory_space<vmem>>, vector<16xf32>,
        tpu.vector_store %arg10[%parallel_loop3A_118], %parallel_loop3A_115 {strides = array<i32>} : memref<20096xf32, #tpu.memory_space<vmem>>, vector<16xf32>,
        tpu.vector_store_idx %arg11[%parallel_loop3A_102], %parallel_loop3A_115 {add = true} : memref<10240xf32, #tpu.memory_space<vmem>>[vector<16xi32>], vector<16xf32>,
      } {sc.loop_unroll_factor = 8 : i64, sc.parallel_access}
    } else {
    }
    %parallel_loop3A_55 = arith.constant 0 : i32
    %parallel_loop3A_56 = arith.constant 40 : i32
    %parallel_loop3A_57 = arith.constant 1 : i32
    scf.for %parallel_loop3A_87 = %parallel_loop3A_55 to %parallel_loop3A_56 step %parallel_loop3A_57  : i32 {
      %parallel_loop3A_88 = arith.constant 640 : i32
      %parallel_loop3A_89 = arith.muli %arg1, %parallel_loop3A_88 : i32
      %parallel_loop3A_90 = arith.constant 16 : i32
      %parallel_loop3A_91 = arith.muli %parallel_loop3A_87, %parallel_loop3A_90 : i32
      %parallel_loop3A_92 = arith.addi %parallel_loop3A_89, %parallel_loop3A_91 : i32
      %parallel_loop3A_93 = arith.index_cast %parallel_loop3A_92 : i32 to index
      %parallel_loop3A_94 = tpu.vector_load %arg8[%parallel_loop3A_93] {strides = array<i32>} : memref<10240xf32, #tpu.memory_space<vmem>>, vector<16xf32>,
      %parallel_loop3A_95 = arith.index_cast %parallel_loop3A_92 : i32 to index
      %parallel_loop3A_96 = tpu.vector_load %arg7[%parallel_loop3A_95] {strides = array<i32>} : memref<10240xf32, #tpu.memory_space<vmem>>, vector<16xf32>,
      %parallel_loop3A_97 = arith.addf %parallel_loop3A_96, %parallel_loop3A_94 : vector<16xf32>
      %parallel_loop3A_98 = arith.addf %parallel_loop3A_94, %get3A_44 : vector<16xf32>
      %parallel_loop3A_99 = arith.constant 0.000000e+00 : f32
      %parallel_loop3A_100 = vector.broadcast %parallel_loop3A_99 : f32 to vector<16xf32>
      %parallel_loop3A_101 = arith.maximumf %parallel_loop3A_98, %parallel_loop3A_100 : vector<16xf32>
      %parallel_loop3A_102 = arith.constant 2.000000e-01 : f32
      %parallel_loop3A_103 = vector.broadcast %parallel_loop3A_102 : f32 to vector<16xf32>
      %parallel_loop3A_104 = arith.mulf %parallel_loop3A_97, %parallel_loop3A_103 : vector<16xf32>
      %parallel_loop3A_105 = arith.maximumf %parallel_loop3A_97, %parallel_loop3A_104 : vector<16xf32>
      %parallel_loop3A_106 = arith.subf %parallel_loop3A_105, %parallel_loop3A_101 : vector<16xf32>
      %parallel_loop3A_107 = math.exp %parallel_loop3A_106 : vector<16xf32>
      %parallel_loop3A_108 = arith.constant 16 : i32
      %parallel_loop3A_109 = arith.muli %parallel_loop3A_87, %parallel_loop3A_108 : i32
      %parallel_loop3A_110 = arith.index_cast %parallel_loop3A_109 : i32 to index
      %parallel_loop3A_111 = tpu.vector_load %arg14[%parallel_loop3A_110] {strides = array<i32>} : memref<640xf32, #tpu.memory_space<vmem>>, vector<16xf32>,
      tpu.vector_store %arg14[%parallel_loop3A_110], %parallel_loop3A_107 {strides = array<i32>} : memref<640xf32, #tpu.memory_space<vmem>>, vector<16xf32>,
      %parallel_loop3A_112 = arith.index_cast %parallel_loop3A_92 : i32 to index
      %parallel_loop3A_113 = tpu.vector_load %arg11[%parallel_loop3A_112] {strides = array<i32>} : memref<10240xf32, #tpu.memory_space<vmem>>, vector<16xf32>,
      %parallel_loop3A_114 = arith.addf %parallel_loop3A_113, %parallel_loop3A_107 : vector<16xf32>
      %parallel_loop3A_115 = arith.index_cast %parallel_loop3A_92 : i32 to index
      %parallel_loop3A_116 = tpu.vector_load %arg11[%parallel_loop3A_115] {strides = array<i32>} : memref<10240xf32, #tpu.memory_space<vmem>>, vector<16xf32>,
      tpu.vector_store %arg11[%parallel_loop3A_115], %parallel_loop3A_114 {strides = array<i32>} : memref<10240xf32, #tpu.memory_space<vmem>>, vector<16xf32>,
    } {sc.loop_unroll_factor = 4 : i64, sc.parallel_access}
    "tpu.region"() ({
      %run_scoped3A_87 = tpu.sem_alloc : memref<!tpu.dma_semaphore, #tpu.memory_space<semaphore_mem>>
      %dma_start3A = arith.constant 0 : i32
      %dma_start3A_88 = tpu.memref_slice %arg18[%arg1, %dma_start3A] : memref<16x10240xf32, #tpu.memory_space<vmem_shared>> -> memref<1x10240xf32, #tpu.memory_space<vmem_shared>>
      %dma_start3A_89 = tpu.memref_squeeze %dma_start3A_88 : memref<1x10240xf32, #tpu.memory_space<vmem_shared>> -> memref<10240xf32, #tpu.memory_space<vmem_shared>>
      %dma_start3A_90 = arith.constant 0 : i32
      %dma_start3A_91 = tpu.memref_slice %arg18[%arg1, %dma_start3A_90] : memref<16x10240xf32, #tpu.memory_space<vmem_shared>> -> memref<1x10240xf32, #tpu.memory_space<vmem_shared>>
      %dma_start3A_92 = tpu.memref_squeeze %dma_start3A_91 : memref<1x10240xf32, #tpu.memory_space<vmem_shared>> -> memref<10240xf32, #tpu.memory_space<vmem_shared>>
      tpu.enqueue_dma source(%arg11 : memref<10240xf32, #tpu.memory_space<vmem>>) target(%dma_start3A_92 : memref<10240xf32, #tpu.memory_space<vmem_shared>>) target_semaphore(%run_scoped3A_87 : memref<!tpu.dma_semaphore, #tpu.memory_space<semaphore_mem>>)
      %dma_wait3A = arith.constant 0 : i32
      %dma_wait3A_93 = tpu.memref_slice %arg18[%arg1, %dma_wait3A] : memref<16x10240xf32, #tpu.memory_space<vmem_shared>> -> memref<1x10240xf32, #tpu.memory_space<vmem_shared>>
      %dma_wait3A_94 = tpu.memref_squeeze %dma_wait3A_93 : memref<1x10240xf32, #tpu.memory_space<vmem_shared>> -> memref<10240xf32, #tpu.memory_space<vmem_shared>>
      %dma_wait3A_95 = arith.constant 0 : i32
      %dma_wait3A_96 = tpu.memref_slice %arg18[%arg1, %dma_wait3A_95] : memref<16x10240xf32, #tpu.memory_space<vmem_shared>> -> memref<1x10240xf32, #tpu.memory_space<vmem_shared>>
      %dma_wait3A_97 = tpu.memref_squeeze %dma_wait3A_96 : memref<1x10240xf32, #tpu.memory_space<vmem_shared>> -> memref<10240xf32, #tpu.memory_space<vmem_shared>>
      tpu.wait_dma2 semaphore(%run_scoped3A_87 : memref<!tpu.dma_semaphore, #tpu.memory_space<semaphore_mem>>) src(%arg11 : memref<10240xf32, #tpu.memory_space<vmem>>) dst(%dma_wait3A_97 : memref<10240xf32, #tpu.memory_space<vmem_shared>>)
      tpu.yield
    }) : () -> ()
    %barrier3A = arith.constant 0 : index
    tpu.barrier barrier_id(%barrier3A)
    %mul3A_58 = arith.constant 640 : i32
    %mul3A_59 = arith.muli %arg1, %mul3A_58 : i32
    "tpu.region"() ({
      %run_scoped3A_87 = tpu.sem_alloc : memref<!tpu.dma_semaphore, #tpu.memory_space<semaphore_mem>>
      %dma_start3A = arith.constant 0 : i32
      %dma_start3A_88 = tpu.memref_slice %arg18[%dma_start3A, %mul3A_59] : memref<16x10240xf32, #tpu.memory_space<vmem_shared>> -> memref<16x640xf32, #tpu.memory_space<vmem_shared>>
      %dma_start3A_89 = arith.constant 0 : i32
      %dma_start3A_90 = tpu.memref_slice %arg18[%dma_start3A_89, %mul3A_59] : memref<16x10240xf32, #tpu.memory_space<vmem_shared>> -> memref<16x640xf32, #tpu.memory_space<vmem_shared>>
      tpu.enqueue_dma source(%dma_start3A_90 : memref<16x640xf32, #tpu.memory_space<vmem_shared>>) target(%arg16 : memref<16x640xf32, #tpu.memory_space<vmem>>) target_semaphore(%run_scoped3A_87 : memref<!tpu.dma_semaphore, #tpu.memory_space<semaphore_mem>>)
      %dma_wait3A = arith.constant 0 : i32
      %dma_wait3A_91 = tpu.memref_slice %arg18[%dma_wait3A, %mul3A_59] : memref<16x10240xf32, #tpu.memory_space<vmem_shared>> -> memref<16x640xf32, #tpu.memory_space<vmem_shared>>
      %dma_wait3A_92 = arith.constant 0 : i32
      %dma_wait3A_93 = tpu.memref_slice %arg18[%dma_wait3A_92, %mul3A_59] : memref<16x10240xf32, #tpu.memory_space<vmem_shared>> -> memref<16x640xf32, #tpu.memory_space<vmem_shared>>
      tpu.wait_dma2 semaphore(%run_scoped3A_87 : memref<!tpu.dma_semaphore, #tpu.memory_space<semaphore_mem>>) src(%dma_wait3A_93 : memref<16x640xf32, #tpu.memory_space<vmem_shared>>) dst(%arg16 : memref<16x640xf32, #tpu.memory_space<vmem>>)
      tpu.yield
    }) : () -> ()
    %parallel_loop3A_60 = arith.constant 0 : i32
    %parallel_loop3A_61 = arith.constant 40 : i32
    %parallel_loop3A_62 = arith.constant 1 : i32
    scf.for %parallel_loop3A_87 = %parallel_loop3A_60 to %parallel_loop3A_61 step %parallel_loop3A_62  : i32 {
      %parallel_loop3A_88 = arith.constant 16 : i32
      %parallel_loop3A_89 = arith.muli %parallel_loop3A_87, %parallel_loop3A_88 : i32
      %parallel_loop3A_90 = arith.constant 0 : i32
      %parallel_loop3A_91 = arith.index_cast %parallel_loop3A_90 : i32 to index
      %parallel_loop3A_92 = arith.index_cast %parallel_loop3A_89 : i32 to index
      %parallel_loop3A_93 = tpu.vector_load %arg16[%parallel_loop3A_91, %parallel_loop3A_92] {strides = array<i32>} : memref<16x640xf32, #tpu.memory_space<vmem>>, vector<16xf32>,
      %parallel_loop3A_94 = arith.constant 16 : i32
      %parallel_loop3A_95 = arith.muli %parallel_loop3A_87, %parallel_loop3A_94 : i32
      %parallel_loop3A_96 = arith.constant 1 : i32
      %parallel_loop3A_97 = arith.index_cast %parallel_loop3A_96 : i32 to index
      %parallel_loop3A_98 = arith.index_cast %parallel_loop3A_95 : i32 to index
      %parallel_loop3A_99 = tpu.vector_load %arg16[%parallel_loop3A_97, %parallel_loop3A_98] {strides = array<i32>} : memref<16x640xf32, #tpu.memory_space<vmem>>, vector<16xf32>,
      %parallel_loop3A_100 = arith.addf %parallel_loop3A_93, %parallel_loop3A_99 : vector<16xf32>
      %parallel_loop3A_101 = arith.constant 16 : i32
      %parallel_loop3A_102 = arith.muli %parallel_loop3A_87, %parallel_loop3A_101 : i32
      %parallel_loop3A_103 = arith.constant 2 : i32
      %parallel_loop3A_104 = arith.index_cast %parallel_loop3A_103 : i32 to index
      %parallel_loop3A_105 = arith.index_cast %parallel_loop3A_102 : i32 to index
      %parallel_loop3A_106 = tpu.vector_load %arg16[%parallel_loop3A_104, %parallel_loop3A_105] {strides = array<i32>} : memref<16x640xf32, #tpu.memory_space<vmem>>, vector<16xf32>,
      %parallel_loop3A_107 = arith.addf %parallel_loop3A_100, %parallel_loop3A_106 : vector<16xf32>
      %parallel_loop3A_108 = arith.constant 16 : i32
      %parallel_loop3A_109 = arith.muli %parallel_loop3A_87, %parallel_loop3A_108 : i32
      %parallel_loop3A_110 = arith.constant 3 : i32
      %parallel_loop3A_111 = arith.index_cast %parallel_loop3A_110 : i32 to index
      %parallel_loop3A_112 = arith.index_cast %parallel_loop3A_109 : i32 to index
      %parallel_loop3A_113 = tpu.vector_load %arg16[%parallel_loop3A_111, %parallel_loop3A_112] {strides = array<i32>} : memref<16x640xf32, #tpu.memory_space<vmem>>, vector<16xf32>,
      %parallel_loop3A_114 = arith.addf %parallel_loop3A_107, %parallel_loop3A_113 : vector<16xf32>
      %parallel_loop3A_115 = arith.constant 16 : i32
      %parallel_loop3A_116 = arith.muli %parallel_loop3A_87, %parallel_loop3A_115 : i32
      %parallel_loop3A_117 = arith.constant 4 : i32
      %parallel_loop3A_118 = arith.index_cast %parallel_loop3A_117 : i32 to index
      %parallel_loop3A_119 = arith.index_cast %parallel_loop3A_116 : i32 to index
      %parallel_loop3A_120 = tpu.vector_load %arg16[%parallel_loop3A_118, %parallel_loop3A_119] {strides = array<i32>} : memref<16x640xf32, #tpu.memory_space<vmem>>, vector<16xf32>,
      %parallel_loop3A_121 = arith.addf %parallel_loop3A_114, %parallel_loop3A_120 : vector<16xf32>
      %parallel_loop3A_122 = arith.constant 16 : i32
      %parallel_loop3A_123 = arith.muli %parallel_loop3A_87, %parallel_loop3A_122 : i32
      %parallel_loop3A_124 = arith.constant 5 : i32
      %parallel_loop3A_125 = arith.index_cast %parallel_loop3A_124 : i32 to index
      %parallel_loop3A_126 = arith.index_cast %parallel_loop3A_123 : i32 to index
      %parallel_loop3A_127 = tpu.vector_load %arg16[%parallel_loop3A_125, %parallel_loop3A_126] {strides = array<i32>} : memref<16x640xf32, #tpu.memory_space<vmem>>, vector<16xf32>,
      %parallel_loop3A_128 = arith.addf %parallel_loop3A_121, %parallel_loop3A_127 : vector<16xf32>
      %parallel_loop3A_129 = arith.constant 16 : i32
      %parallel_loop3A_130 = arith.muli %parallel_loop3A_87, %parallel_loop3A_129 : i32
      %parallel_loop3A_131 = arith.constant 6 : i32
      %parallel_loop3A_132 = arith.index_cast %parallel_loop3A_131 : i32 to index
      %parallel_loop3A_133 = arith.index_cast %parallel_loop3A_130 : i32 to index
      %parallel_loop3A_134 = tpu.vector_load %arg16[%parallel_loop3A_132, %parallel_loop3A_133] {strides = array<i32>} : memref<16x640xf32, #tpu.memory_space<vmem>>, vector<16xf32>,
      %parallel_loop3A_135 = arith.addf %parallel_loop3A_128, %parallel_loop3A_134 : vector<16xf32>
      %parallel_loop3A_136 = arith.constant 16 : i32
      %parallel_loop3A_137 = arith.muli %parallel_loop3A_87, %parallel_loop3A_136 : i32
      %parallel_loop3A_138 = arith.constant 7 : i32
      %parallel_loop3A_139 = arith.index_cast %parallel_loop3A_138 : i32 to index
      %parallel_loop3A_140 = arith.index_cast %parallel_loop3A_137 : i32 to index
      %parallel_loop3A_141 = tpu.vector_load %arg16[%parallel_loop3A_139, %parallel_loop3A_140] {strides = array<i32>} : memref<16x640xf32, #tpu.memory_space<vmem>>, vector<16xf32>,
      %parallel_loop3A_142 = arith.addf %parallel_loop3A_135, %parallel_loop3A_141 : vector<16xf32>
      %parallel_loop3A_143 = arith.constant 16 : i32
      %parallel_loop3A_144 = arith.muli %parallel_loop3A_87, %parallel_loop3A_143 : i32
      %parallel_loop3A_145 = arith.constant 8 : i32
      %parallel_loop3A_146 = arith.index_cast %parallel_loop3A_145 : i32 to index
      %parallel_loop3A_147 = arith.index_cast %parallel_loop3A_144 : i32 to index
      %parallel_loop3A_148 = tpu.vector_load %arg16[%parallel_loop3A_146, %parallel_loop3A_147] {strides = array<i32>} : memref<16x640xf32, #tpu.memory_space<vmem>>, vector<16xf32>,
      %parallel_loop3A_149 = arith.addf %parallel_loop3A_142, %parallel_loop3A_148 : vector<16xf32>
      %parallel_loop3A_150 = arith.constant 16 : i32
      %parallel_loop3A_151 = arith.muli %parallel_loop3A_87, %parallel_loop3A_150 : i32
      %parallel_loop3A_152 = arith.constant 9 : i32
      %parallel_loop3A_153 = arith.index_cast %parallel_loop3A_152 : i32 to index
      %parallel_loop3A_154 = arith.index_cast %parallel_loop3A_151 : i32 to index
      %parallel_loop3A_155 = tpu.vector_load %arg16[%parallel_loop3A_153, %parallel_loop3A_154] {strides = array<i32>} : memref<16x640xf32, #tpu.memory_space<vmem>>, vector<16xf32>,
      %parallel_loop3A_156 = arith.addf %parallel_loop3A_149, %parallel_loop3A_155 : vector<16xf32>
      %parallel_loop3A_157 = arith.constant 16 : i32
      %parallel_loop3A_158 = arith.muli %parallel_loop3A_87, %parallel_loop3A_157 : i32
      %parallel_loop3A_159 = arith.constant 10 : i32
      %parallel_loop3A_160 = arith.index_cast %parallel_loop3A_159 : i32 to index
      %parallel_loop3A_161 = arith.index_cast %parallel_loop3A_158 : i32 to index
      %parallel_loop3A_162 = tpu.vector_load %arg16[%parallel_loop3A_160, %parallel_loop3A_161] {strides = array<i32>} : memref<16x640xf32, #tpu.memory_space<vmem>>, vector<16xf32>,
      %parallel_loop3A_163 = arith.addf %parallel_loop3A_156, %parallel_loop3A_162 : vector<16xf32>
      %parallel_loop3A_164 = arith.constant 16 : i32
      %parallel_loop3A_165 = arith.muli %parallel_loop3A_87, %parallel_loop3A_164 : i32
      %parallel_loop3A_166 = arith.constant 11 : i32
      %parallel_loop3A_167 = arith.index_cast %parallel_loop3A_166 : i32 to index
      %parallel_loop3A_168 = arith.index_cast %parallel_loop3A_165 : i32 to index
      %parallel_loop3A_169 = tpu.vector_load %arg16[%parallel_loop3A_167, %parallel_loop3A_168] {strides = array<i32>} : memref<16x640xf32, #tpu.memory_space<vmem>>, vector<16xf32>,
      %parallel_loop3A_170 = arith.addf %parallel_loop3A_163, %parallel_loop3A_169 : vector<16xf32>
      %parallel_loop3A_171 = arith.constant 16 : i32
      %parallel_loop3A_172 = arith.muli %parallel_loop3A_87, %parallel_loop3A_171 : i32
      %parallel_loop3A_173 = arith.constant 12 : i32
      %parallel_loop3A_174 = arith.index_cast %parallel_loop3A_173 : i32 to index
      %parallel_loop3A_175 = arith.index_cast %parallel_loop3A_172 : i32 to index
      %parallel_loop3A_176 = tpu.vector_load %arg16[%parallel_loop3A_174, %parallel_loop3A_175] {strides = array<i32>} : memref<16x640xf32, #tpu.memory_space<vmem>>, vector<16xf32>,
      %parallel_loop3A_177 = arith.addf %parallel_loop3A_170, %parallel_loop3A_176 : vector<16xf32>
      %parallel_loop3A_178 = arith.constant 16 : i32
      %parallel_loop3A_179 = arith.muli %parallel_loop3A_87, %parallel_loop3A_178 : i32
      %parallel_loop3A_180 = arith.constant 13 : i32
      %parallel_loop3A_181 = arith.index_cast %parallel_loop3A_180 : i32 to index
      %parallel_loop3A_182 = arith.index_cast %parallel_loop3A_179 : i32 to index
      %parallel_loop3A_183 = tpu.vector_load %arg16[%parallel_loop3A_181, %parallel_loop3A_182] {strides = array<i32>} : memref<16x640xf32, #tpu.memory_space<vmem>>, vector<16xf32>,
      %parallel_loop3A_184 = arith.addf %parallel_loop3A_177, %parallel_loop3A_183 : vector<16xf32>
      %parallel_loop3A_185 = arith.constant 16 : i32
      %parallel_loop3A_186 = arith.muli %parallel_loop3A_87, %parallel_loop3A_185 : i32
      %parallel_loop3A_187 = arith.constant 14 : i32
      %parallel_loop3A_188 = arith.index_cast %parallel_loop3A_187 : i32 to index
      %parallel_loop3A_189 = arith.index_cast %parallel_loop3A_186 : i32 to index
      %parallel_loop3A_190 = tpu.vector_load %arg16[%parallel_loop3A_188, %parallel_loop3A_189] {strides = array<i32>} : memref<16x640xf32, #tpu.memory_space<vmem>>, vector<16xf32>,
      %parallel_loop3A_191 = arith.addf %parallel_loop3A_184, %parallel_loop3A_190 : vector<16xf32>
      %parallel_loop3A_192 = arith.constant 16 : i32
      %parallel_loop3A_193 = arith.muli %parallel_loop3A_87, %parallel_loop3A_192 : i32
      %parallel_loop3A_194 = arith.constant 15 : i32
      %parallel_loop3A_195 = arith.index_cast %parallel_loop3A_194 : i32 to index
      %parallel_loop3A_196 = arith.index_cast %parallel_loop3A_193 : i32 to index
      %parallel_loop3A_197 = tpu.vector_load %arg16[%parallel_loop3A_195, %parallel_loop3A_196] {strides = array<i32>} : memref<16x640xf32, #tpu.memory_space<vmem>>, vector<16xf32>,
      %parallel_loop3A_198 = arith.addf %parallel_loop3A_191, %parallel_loop3A_197 : vector<16xf32>
      %parallel_loop3A_199 = arith.constant 16 : i32
      %parallel_loop3A_200 = arith.muli %parallel_loop3A_87, %parallel_loop3A_199 : i32
      %parallel_loop3A_201 = arith.index_cast %parallel_loop3A_200 : i32 to index
      %parallel_loop3A_202 = tpu.vector_load %arg15[%parallel_loop3A_201] {strides = array<i32>} : memref<640xf32, #tpu.memory_space<vmem>>, vector<16xf32>,
      tpu.vector_store %arg15[%parallel_loop3A_201], %parallel_loop3A_198 {strides = array<i32>} : memref<640xf32, #tpu.memory_space<vmem>>, vector<16xf32>,
    } {sc.loop_unroll_factor = 4 : i64, sc.parallel_access}
    %mul3A_63 = arith.constant 640 : i32
    %mul3A_64 = arith.muli %arg1, %mul3A_63 : i32
    "tpu.region"() ({
      %run_scoped3A_87 = tpu.sem_alloc : memref<!tpu.dma_semaphore, #tpu.memory_space<semaphore_mem>>
      %dma_start3A = tpu.memref_slice %arg19[%mul3A_64] : memref<10240xf32, #tpu.memory_space<vmem_shared>> -> memref<640xf32, #tpu.memory_space<vmem_shared>>
      %dma_start3A_88 = tpu.memref_slice %arg19[%mul3A_64] : memref<10240xf32, #tpu.memory_space<vmem_shared>> -> memref<640xf32, #tpu.memory_space<vmem_shared>>
      tpu.enqueue_dma source(%arg15 : memref<640xf32, #tpu.memory_space<vmem>>) target(%dma_start3A_88 : memref<640xf32, #tpu.memory_space<vmem_shared>>) target_semaphore(%run_scoped3A_87 : memref<!tpu.dma_semaphore, #tpu.memory_space<semaphore_mem>>)
      %dma_wait3A = tpu.memref_slice %arg19[%mul3A_64] : memref<10240xf32, #tpu.memory_space<vmem_shared>> -> memref<640xf32, #tpu.memory_space<vmem_shared>>
      %dma_wait3A_89 = tpu.memref_slice %arg19[%mul3A_64] : memref<10240xf32, #tpu.memory_space<vmem_shared>> -> memref<640xf32, #tpu.memory_space<vmem_shared>>
      tpu.wait_dma2 semaphore(%run_scoped3A_87 : memref<!tpu.dma_semaphore, #tpu.memory_space<semaphore_mem>>) src(%arg15 : memref<640xf32, #tpu.memory_space<vmem>>) dst(%dma_wait3A_89 : memref<640xf32, #tpu.memory_space<vmem_shared>>)
      tpu.yield
    }) : () -> ()
    %barrier3A_65 = arith.constant 0 : index
    tpu.barrier barrier_id(%barrier3A_65)
    "tpu.region"() ({
      %run_scoped3A_87 = tpu.sem_alloc : memref<!tpu.dma_semaphore, #tpu.memory_space<semaphore_mem>>
      tpu.enqueue_dma source(%arg19 : memref<10240xf32, #tpu.memory_space<vmem_shared>>) target(%arg11 : memref<10240xf32, #tpu.memory_space<vmem>>) target_semaphore(%run_scoped3A_87 : memref<!tpu.dma_semaphore, #tpu.memory_space<semaphore_mem>>)
      tpu.wait_dma2 semaphore(%run_scoped3A_87 : memref<!tpu.dma_semaphore, #tpu.memory_space<semaphore_mem>>) src(%arg19 : memref<10240xf32, #tpu.memory_space<vmem_shared>>) dst(%arg11 : memref<10240xf32, #tpu.memory_space<vmem>>)
      tpu.yield
    }) : () -> ()
    %parallel_loop3A_66 = arith.constant 0 : i32
    %parallel_loop3A_67 = arith.constant 40 : i32
    %parallel_loop3A_68 = arith.constant 1 : i32
    scf.for %parallel_loop3A_87 = %parallel_loop3A_66 to %parallel_loop3A_67 step %parallel_loop3A_68  : i32 {
      %parallel_loop3A_88 = arith.constant 640 : i32
      %parallel_loop3A_89 = arith.muli %arg1, %parallel_loop3A_88 : i32
      %parallel_loop3A_90 = arith.constant 16 : i32
      %parallel_loop3A_91 = arith.muli %parallel_loop3A_87, %parallel_loop3A_90 : i32
      %parallel_loop3A_92 = arith.addi %parallel_loop3A_89, %parallel_loop3A_91 : i32
      %parallel_loop3A_93 = arith.index_cast %parallel_loop3A_92 : i32 to index
      %parallel_loop3A_94 = tpu.vector_load %arg11[%parallel_loop3A_93] {strides = array<i32>} : memref<10240xf32, #tpu.memory_space<vmem>>, vector<16xf32>,
      %parallel_loop3A_95 = arith.constant 16 : i32
      %parallel_loop3A_96 = arith.muli %parallel_loop3A_87, %parallel_loop3A_95 : i32
      %parallel_loop3A_97 = arith.index_cast %parallel_loop3A_96 : i32 to index
      %parallel_loop3A_98 = tpu.vector_load %arg14[%parallel_loop3A_97] {strides = array<i32>} : memref<640xf32, #tpu.memory_space<vmem>>, vector<16xf32>,
      %parallel_loop3A_99 = arith.constant 1.000000e-16 : f32
      %parallel_loop3A_100 = vector.broadcast %parallel_loop3A_99 : f32 to vector<16xf32>
      %parallel_loop3A_101 = arith.addf %parallel_loop3A_94, %parallel_loop3A_100 : vector<16xf32>
      %parallel_loop3A_102 = arith.divf %parallel_loop3A_98, %parallel_loop3A_101 : vector<16xf32>
      %parallel_loop3A_103 = arith.index_cast %parallel_loop3A_92 : i32 to index
      %parallel_loop3A_104 = tpu.vector_load %arg12[%parallel_loop3A_103] {strides = array<i32>} : memref<10240xf32, #tpu.memory_space<vmem>>, vector<16xf32>,
      tpu.vector_store %arg12[%parallel_loop3A_103], %parallel_loop3A_102 {strides = array<i32>} : memref<10240xf32, #tpu.memory_space<vmem>>, vector<16xf32>,
    } {sc.loop_unroll_factor = 4 : i64, sc.parallel_access}
    %lt3A_69 = arith.constant 4 : i32
    %lt3A_70 = arith.cmpi slt, %arg1, %lt3A_69 : i32
    %convert_element_type3A_71 = arith.extui %lt3A_70 : i1 to i32
    %cond3A_72 = arith.constant 0 : i32
    %cond3A_73 = arith.cmpi ne, %convert_element_type3A_71, %cond3A_72 : i32
    scf.if %cond3A_73 {
      %parallel_loop3A_87 = arith.constant 0 : i32
      %parallel_loop3A_88 = arith.constant 1256 : i32
      %parallel_loop3A_89 = arith.constant 1 : i32
      scf.for %parallel_loop3A_90 = %parallel_loop3A_87 to %parallel_loop3A_88 step %parallel_loop3A_89  : i32 {
        %parallel_loop3A_91 = arith.constant 16 : i32
        %parallel_loop3A_92 = arith.muli %parallel_loop3A_90, %parallel_loop3A_91 : i32
        %parallel_loop3A_93 = arith.constant 0 : i32
        %parallel_loop3A_94 = arith.index_cast %parallel_loop3A_93 : i32 to index
        %parallel_loop3A_95 = arith.index_cast %parallel_loop3A_92 : i32 to index
        %parallel_loop3A_96 = tpu.vector_load %arg9[%parallel_loop3A_94, %parallel_loop3A_95] {strides = array<i32>} : memref<2x20096xi32, #tpu.memory_space<vmem>>, vector<16xi32>,
        %parallel_loop3A_97 = arith.constant 16 : i32
        %parallel_loop3A_98 = arith.muli %parallel_loop3A_90, %parallel_loop3A_97 : i32
        %parallel_loop3A_99 = arith.constant 1 : i32
        %parallel_loop3A_100 = arith.index_cast %parallel_loop3A_99 : i32 to index
        %parallel_loop3A_101 = arith.index_cast %parallel_loop3A_98 : i32 to index
        %parallel_loop3A_102 = tpu.vector_load %arg9[%parallel_loop3A_100, %parallel_loop3A_101] {strides = array<i32>} : memref<2x20096xi32, #tpu.memory_space<vmem>>, vector<16xi32>,
        %parallel_loop3A_103 = arith.constant 16 : i32
        %parallel_loop3A_104 = arith.muli %parallel_loop3A_90, %parallel_loop3A_103 : i32
        %parallel_loop3A_105 = arith.index_cast %parallel_loop3A_104 : i32 to index
        %parallel_loop3A_106 = tpu.vector_load %arg10[%parallel_loop3A_105] {strides = array<i32>} : memref<20096xf32, #tpu.memory_space<vmem>>, vector<16xf32>,
        %parallel_loop3A_107 = tpu.vector_load_idx %arg11[%parallel_loop3A_102] : memref<10240xf32, #tpu.memory_space<vmem>>[vector<16xi32>], vector<16xf32>,
        %parallel_loop3A_108 = arith.constant 1.000000e-16 : f32
        %parallel_loop3A_109 = vector.broadcast %parallel_loop3A_108 : f32 to vector<16xf32>
        %parallel_loop3A_110 = arith.addf %parallel_loop3A_107, %parallel_loop3A_109 : vector<16xf32>
        %parallel_loop3A_111 = arith.divf %parallel_loop3A_106, %parallel_loop3A_110 : vector<16xf32>
        tpu.vector_store_idx %arg12[%parallel_loop3A_96], %parallel_loop3A_111 {add = true} : memref<10240xf32, #tpu.memory_space<vmem>>[vector<16xi32>], vector<16xf32>,
      } {sc.loop_unroll_factor = 8 : i64, sc.parallel_access}
    } else {
    }
    %ge3A_74 = arith.constant 4 : i32
    %ge3A_75 = arith.cmpi sge, %arg1, %ge3A_74 : i32
    %convert_element_type3A_76 = arith.extui %ge3A_75 : i1 to i32
    %cond3A_77 = arith.constant 0 : i32
    %cond3A_78 = arith.cmpi ne, %convert_element_type3A_76, %cond3A_77 : i32
    scf.if %cond3A_78 {
      %parallel_loop3A_87 = arith.constant 0 : i32
      %parallel_loop3A_88 = arith.constant 1248 : i32
      %parallel_loop3A_89 = arith.constant 1 : i32
      scf.for %parallel_loop3A_90 = %parallel_loop3A_87 to %parallel_loop3A_88 step %parallel_loop3A_89  : i32 {
        %parallel_loop3A_91 = arith.constant 16 : i32
        %parallel_loop3A_92 = arith.muli %parallel_loop3A_90, %parallel_loop3A_91 : i32
        %parallel_loop3A_93 = arith.constant 0 : i32
        %parallel_loop3A_94 = arith.index_cast %parallel_loop3A_93 : i32 to index
        %parallel_loop3A_95 = arith.index_cast %parallel_loop3A_92 : i32 to index
        %parallel_loop3A_96 = tpu.vector_load %arg9[%parallel_loop3A_94, %parallel_loop3A_95] {strides = array<i32>} : memref<2x20096xi32, #tpu.memory_space<vmem>>, vector<16xi32>,
        %parallel_loop3A_97 = arith.constant 16 : i32
        %parallel_loop3A_98 = arith.muli %parallel_loop3A_90, %parallel_loop3A_97 : i32
        %parallel_loop3A_99 = arith.constant 1 : i32
        %parallel_loop3A_100 = arith.index_cast %parallel_loop3A_99 : i32 to index
        %parallel_loop3A_101 = arith.index_cast %parallel_loop3A_98 : i32 to index
        %parallel_loop3A_102 = tpu.vector_load %arg9[%parallel_loop3A_100, %parallel_loop3A_101] {strides = array<i32>} : memref<2x20096xi32, #tpu.memory_space<vmem>>, vector<16xi32>,
        %parallel_loop3A_103 = arith.constant 16 : i32
        %parallel_loop3A_104 = arith.muli %parallel_loop3A_90, %parallel_loop3A_103 : i32
        %parallel_loop3A_105 = arith.index_cast %parallel_loop3A_104 : i32 to index
        %parallel_loop3A_106 = tpu.vector_load %arg10[%parallel_loop3A_105] {strides = array<i32>} : memref<20096xf32, #tpu.memory_space<vmem>>, vector<16xf32>,
        %parallel_loop3A_107 = tpu.vector_load_idx %arg11[%parallel_loop3A_102] : memref<10240xf32, #tpu.memory_space<vmem>>[vector<16xi32>], vector<16xf32>,
        %parallel_loop3A_108 = arith.constant 1.000000e-16 : f32
        %parallel_loop3A_109 = vector.broadcast %parallel_loop3A_108 : f32 to vector<16xf32>
        %parallel_loop3A_110 = arith.addf %parallel_loop3A_107, %parallel_loop3A_109 : vector<16xf32>
        %parallel_loop3A_111 = arith.divf %parallel_loop3A_106, %parallel_loop3A_110 : vector<16xf32>
        tpu.vector_store_idx %arg12[%parallel_loop3A_96], %parallel_loop3A_111 {add = true} : memref<10240xf32, #tpu.memory_space<vmem>>[vector<16xi32>], vector<16xf32>,
      } {sc.loop_unroll_factor = 8 : i64, sc.parallel_access}
    } else {
    }
    "tpu.region"() ({
      %run_scoped3A_87 = tpu.sem_alloc : memref<!tpu.dma_semaphore, #tpu.memory_space<semaphore_mem>>
      %dma_start3A = arith.constant 0 : i32
      %dma_start3A_88 = tpu.memref_slice %arg18[%arg1, %dma_start3A] : memref<16x10240xf32, #tpu.memory_space<vmem_shared>> -> memref<1x10240xf32, #tpu.memory_space<vmem_shared>>
      %dma_start3A_89 = tpu.memref_squeeze %dma_start3A_88 : memref<1x10240xf32, #tpu.memory_space<vmem_shared>> -> memref<10240xf32, #tpu.memory_space<vmem_shared>>
      %dma_start3A_90 = arith.constant 0 : i32
      %dma_start3A_91 = tpu.memref_slice %arg18[%arg1, %dma_start3A_90] : memref<16x10240xf32, #tpu.memory_space<vmem_shared>> -> memref<1x10240xf32, #tpu.memory_space<vmem_shared>>
      %dma_start3A_92 = tpu.memref_squeeze %dma_start3A_91 : memref<1x10240xf32, #tpu.memory_space<vmem_shared>> -> memref<10240xf32, #tpu.memory_space<vmem_shared>>
      tpu.enqueue_dma source(%arg12 : memref<10240xf32, #tpu.memory_space<vmem>>) target(%dma_start3A_92 : memref<10240xf32, #tpu.memory_space<vmem_shared>>) target_semaphore(%run_scoped3A_87 : memref<!tpu.dma_semaphore, #tpu.memory_space<semaphore_mem>>)
      %dma_wait3A = arith.constant 0 : i32
      %dma_wait3A_93 = tpu.memref_slice %arg18[%arg1, %dma_wait3A] : memref<16x10240xf32, #tpu.memory_space<vmem_shared>> -> memref<1x10240xf32, #tpu.memory_space<vmem_shared>>
      %dma_wait3A_94 = tpu.memref_squeeze %dma_wait3A_93 : memref<1x10240xf32, #tpu.memory_space<vmem_shared>> -> memref<10240xf32, #tpu.memory_space<vmem_shared>>
      %dma_wait3A_95 = arith.constant 0 : i32
      %dma_wait3A_96 = tpu.memref_slice %arg18[%arg1, %dma_wait3A_95] : memref<16x10240xf32, #tpu.memory_space<vmem_shared>> -> memref<1x10240xf32, #tpu.memory_space<vmem_shared>>
      %dma_wait3A_97 = tpu.memref_squeeze %dma_wait3A_96 : memref<1x10240xf32, #tpu.memory_space<vmem_shared>> -> memref<10240xf32, #tpu.memory_space<vmem_shared>>
      tpu.wait_dma2 semaphore(%run_scoped3A_87 : memref<!tpu.dma_semaphore, #tpu.memory_space<semaphore_mem>>) src(%arg12 : memref<10240xf32, #tpu.memory_space<vmem>>) dst(%dma_wait3A_97 : memref<10240xf32, #tpu.memory_space<vmem_shared>>)
      tpu.yield
    }) : () -> ()
    %barrier3A_79 = arith.constant 0 : index
    tpu.barrier barrier_id(%barrier3A_79)
    %mul3A_80 = arith.constant 640 : i32
    %mul3A_81 = arith.muli %arg1, %mul3A_80 : i32
    "tpu.region"() ({
      %run_scoped3A_87 = tpu.sem_alloc : memref<!tpu.dma_semaphore, #tpu.memory_space<semaphore_mem>>
      %dma_start3A = arith.constant 0 : i32
      %dma_start3A_88 = tpu.memref_slice %arg18[%dma_start3A, %mul3A_81] : memref<16x10240xf32, #tpu.memory_space<vmem_shared>> -> memref<16x640xf32, #tpu.memory_space<vmem_shared>>
      %dma_start3A_89 = arith.constant 0 : i32
      %dma_start3A_90 = tpu.memref_slice %arg18[%dma_start3A_89, %mul3A_81] : memref<16x10240xf32, #tpu.memory_space<vmem_shared>> -> memref<16x640xf32, #tpu.memory_space<vmem_shared>>
      tpu.enqueue_dma source(%dma_start3A_90 : memref<16x640xf32, #tpu.memory_space<vmem_shared>>) target(%arg16 : memref<16x640xf32, #tpu.memory_space<vmem>>) target_semaphore(%run_scoped3A_87 : memref<!tpu.dma_semaphore, #tpu.memory_space<semaphore_mem>>)
      %dma_wait3A = arith.constant 0 : i32
      %dma_wait3A_91 = tpu.memref_slice %arg18[%dma_wait3A, %mul3A_81] : memref<16x10240xf32, #tpu.memory_space<vmem_shared>> -> memref<16x640xf32, #tpu.memory_space<vmem_shared>>
      %dma_wait3A_92 = arith.constant 0 : i32
      %dma_wait3A_93 = tpu.memref_slice %arg18[%dma_wait3A_92, %mul3A_81] : memref<16x10240xf32, #tpu.memory_space<vmem_shared>> -> memref<16x640xf32, #tpu.memory_space<vmem_shared>>
      tpu.wait_dma2 semaphore(%run_scoped3A_87 : memref<!tpu.dma_semaphore, #tpu.memory_space<semaphore_mem>>) src(%dma_wait3A_93 : memref<16x640xf32, #tpu.memory_space<vmem_shared>>) dst(%arg16 : memref<16x640xf32, #tpu.memory_space<vmem>>)
      tpu.yield
    }) : () -> ()
    %parallel_loop3A_82 = arith.constant 0 : i32
    %parallel_loop3A_83 = arith.constant 40 : i32
    %parallel_loop3A_84 = arith.constant 1 : i32
    scf.for %parallel_loop3A_87 = %parallel_loop3A_82 to %parallel_loop3A_83 step %parallel_loop3A_84  : i32 {
      %parallel_loop3A_88 = arith.constant 16 : i32
      %parallel_loop3A_89 = arith.muli %parallel_loop3A_87, %parallel_loop3A_88 : i32
      %parallel_loop3A_90 = arith.constant 0 : i32
      %parallel_loop3A_91 = arith.index_cast %parallel_loop3A_90 : i32 to index
      %parallel_loop3A_92 = arith.index_cast %parallel_loop3A_89 : i32 to index
      %parallel_loop3A_93 = tpu.vector_load %arg16[%parallel_loop3A_91, %parallel_loop3A_92] {strides = array<i32>} : memref<16x640xf32, #tpu.memory_space<vmem>>, vector<16xf32>,
      %parallel_loop3A_94 = arith.constant 16 : i32
      %parallel_loop3A_95 = arith.muli %parallel_loop3A_87, %parallel_loop3A_94 : i32
      %parallel_loop3A_96 = arith.constant 1 : i32
      %parallel_loop3A_97 = arith.index_cast %parallel_loop3A_96 : i32 to index
      %parallel_loop3A_98 = arith.index_cast %parallel_loop3A_95 : i32 to index
      %parallel_loop3A_99 = tpu.vector_load %arg16[%parallel_loop3A_97, %parallel_loop3A_98] {strides = array<i32>} : memref<16x640xf32, #tpu.memory_space<vmem>>, vector<16xf32>,
      %parallel_loop3A_100 = arith.addf %parallel_loop3A_93, %parallel_loop3A_99 : vector<16xf32>
      %parallel_loop3A_101 = arith.constant 16 : i32
      %parallel_loop3A_102 = arith.muli %parallel_loop3A_87, %parallel_loop3A_101 : i32
      %parallel_loop3A_103 = arith.constant 2 : i32
      %parallel_loop3A_104 = arith.index_cast %parallel_loop3A_103 : i32 to index
      %parallel_loop3A_105 = arith.index_cast %parallel_loop3A_102 : i32 to index
      %parallel_loop3A_106 = tpu.vector_load %arg16[%parallel_loop3A_104, %parallel_loop3A_105] {strides = array<i32>} : memref<16x640xf32, #tpu.memory_space<vmem>>, vector<16xf32>,
      %parallel_loop3A_107 = arith.addf %parallel_loop3A_100, %parallel_loop3A_106 : vector<16xf32>
      %parallel_loop3A_108 = arith.constant 16 : i32
      %parallel_loop3A_109 = arith.muli %parallel_loop3A_87, %parallel_loop3A_108 : i32
      %parallel_loop3A_110 = arith.constant 3 : i32
      %parallel_loop3A_111 = arith.index_cast %parallel_loop3A_110 : i32 to index
      %parallel_loop3A_112 = arith.index_cast %parallel_loop3A_109 : i32 to index
      %parallel_loop3A_113 = tpu.vector_load %arg16[%parallel_loop3A_111, %parallel_loop3A_112] {strides = array<i32>} : memref<16x640xf32, #tpu.memory_space<vmem>>, vector<16xf32>,
      %parallel_loop3A_114 = arith.addf %parallel_loop3A_107, %parallel_loop3A_113 : vector<16xf32>
      %parallel_loop3A_115 = arith.constant 16 : i32
      %parallel_loop3A_116 = arith.muli %parallel_loop3A_87, %parallel_loop3A_115 : i32
      %parallel_loop3A_117 = arith.constant 4 : i32
      %parallel_loop3A_118 = arith.index_cast %parallel_loop3A_117 : i32 to index
      %parallel_loop3A_119 = arith.index_cast %parallel_loop3A_116 : i32 to index
      %parallel_loop3A_120 = tpu.vector_load %arg16[%parallel_loop3A_118, %parallel_loop3A_119] {strides = array<i32>} : memref<16x640xf32, #tpu.memory_space<vmem>>, vector<16xf32>,
      %parallel_loop3A_121 = arith.addf %parallel_loop3A_114, %parallel_loop3A_120 : vector<16xf32>
      %parallel_loop3A_122 = arith.constant 16 : i32
      %parallel_loop3A_123 = arith.muli %parallel_loop3A_87, %parallel_loop3A_122 : i32
      %parallel_loop3A_124 = arith.constant 5 : i32
      %parallel_loop3A_125 = arith.index_cast %parallel_loop3A_124 : i32 to index
      %parallel_loop3A_126 = arith.index_cast %parallel_loop3A_123 : i32 to index
      %parallel_loop3A_127 = tpu.vector_load %arg16[%parallel_loop3A_125, %parallel_loop3A_126] {strides = array<i32>} : memref<16x640xf32, #tpu.memory_space<vmem>>, vector<16xf32>,
      %parallel_loop3A_128 = arith.addf %parallel_loop3A_121, %parallel_loop3A_127 : vector<16xf32>
      %parallel_loop3A_129 = arith.constant 16 : i32
      %parallel_loop3A_130 = arith.muli %parallel_loop3A_87, %parallel_loop3A_129 : i32
      %parallel_loop3A_131 = arith.constant 6 : i32
      %parallel_loop3A_132 = arith.index_cast %parallel_loop3A_131 : i32 to index
      %parallel_loop3A_133 = arith.index_cast %parallel_loop3A_130 : i32 to index
      %parallel_loop3A_134 = tpu.vector_load %arg16[%parallel_loop3A_132, %parallel_loop3A_133] {strides = array<i32>} : memref<16x640xf32, #tpu.memory_space<vmem>>, vector<16xf32>,
      %parallel_loop3A_135 = arith.addf %parallel_loop3A_128, %parallel_loop3A_134 : vector<16xf32>
      %parallel_loop3A_136 = arith.constant 16 : i32
      %parallel_loop3A_137 = arith.muli %parallel_loop3A_87, %parallel_loop3A_136 : i32
      %parallel_loop3A_138 = arith.constant 7 : i32
      %parallel_loop3A_139 = arith.index_cast %parallel_loop3A_138 : i32 to index
      %parallel_loop3A_140 = arith.index_cast %parallel_loop3A_137 : i32 to index
      %parallel_loop3A_141 = tpu.vector_load %arg16[%parallel_loop3A_139, %parallel_loop3A_140] {strides = array<i32>} : memref<16x640xf32, #tpu.memory_space<vmem>>, vector<16xf32>,
      %parallel_loop3A_142 = arith.addf %parallel_loop3A_135, %parallel_loop3A_141 : vector<16xf32>
      %parallel_loop3A_143 = arith.constant 16 : i32
      %parallel_loop3A_144 = arith.muli %parallel_loop3A_87, %parallel_loop3A_143 : i32
      %parallel_loop3A_145 = arith.constant 8 : i32
      %parallel_loop3A_146 = arith.index_cast %parallel_loop3A_145 : i32 to index
      %parallel_loop3A_147 = arith.index_cast %parallel_loop3A_144 : i32 to index
      %parallel_loop3A_148 = tpu.vector_load %arg16[%parallel_loop3A_146, %parallel_loop3A_147] {strides = array<i32>} : memref<16x640xf32, #tpu.memory_space<vmem>>, vector<16xf32>,
      %parallel_loop3A_149 = arith.addf %parallel_loop3A_142, %parallel_loop3A_148 : vector<16xf32>
      %parallel_loop3A_150 = arith.constant 16 : i32
      %parallel_loop3A_151 = arith.muli %parallel_loop3A_87, %parallel_loop3A_150 : i32
      %parallel_loop3A_152 = arith.constant 9 : i32
      %parallel_loop3A_153 = arith.index_cast %parallel_loop3A_152 : i32 to index
      %parallel_loop3A_154 = arith.index_cast %parallel_loop3A_151 : i32 to index
      %parallel_loop3A_155 = tpu.vector_load %arg16[%parallel_loop3A_153, %parallel_loop3A_154] {strides = array<i32>} : memref<16x640xf32, #tpu.memory_space<vmem>>, vector<16xf32>,
      %parallel_loop3A_156 = arith.addf %parallel_loop3A_149, %parallel_loop3A_155 : vector<16xf32>
      %parallel_loop3A_157 = arith.constant 16 : i32
      %parallel_loop3A_158 = arith.muli %parallel_loop3A_87, %parallel_loop3A_157 : i32
      %parallel_loop3A_159 = arith.constant 10 : i32
      %parallel_loop3A_160 = arith.index_cast %parallel_loop3A_159 : i32 to index
      %parallel_loop3A_161 = arith.index_cast %parallel_loop3A_158 : i32 to index
      %parallel_loop3A_162 = tpu.vector_load %arg16[%parallel_loop3A_160, %parallel_loop3A_161] {strides = array<i32>} : memref<16x640xf32, #tpu.memory_space<vmem>>, vector<16xf32>,
      %parallel_loop3A_163 = arith.addf %parallel_loop3A_156, %parallel_loop3A_162 : vector<16xf32>
      %parallel_loop3A_164 = arith.constant 16 : i32
      %parallel_loop3A_165 = arith.muli %parallel_loop3A_87, %parallel_loop3A_164 : i32
      %parallel_loop3A_166 = arith.constant 11 : i32
      %parallel_loop3A_167 = arith.index_cast %parallel_loop3A_166 : i32 to index
      %parallel_loop3A_168 = arith.index_cast %parallel_loop3A_165 : i32 to index
      %parallel_loop3A_169 = tpu.vector_load %arg16[%parallel_loop3A_167, %parallel_loop3A_168] {strides = array<i32>} : memref<16x640xf32, #tpu.memory_space<vmem>>, vector<16xf32>,
      %parallel_loop3A_170 = arith.addf %parallel_loop3A_163, %parallel_loop3A_169 : vector<16xf32>
      %parallel_loop3A_171 = arith.constant 16 : i32
      %parallel_loop3A_172 = arith.muli %parallel_loop3A_87, %parallel_loop3A_171 : i32
      %parallel_loop3A_173 = arith.constant 12 : i32
      %parallel_loop3A_174 = arith.index_cast %parallel_loop3A_173 : i32 to index
      %parallel_loop3A_175 = arith.index_cast %parallel_loop3A_172 : i32 to index
      %parallel_loop3A_176 = tpu.vector_load %arg16[%parallel_loop3A_174, %parallel_loop3A_175] {strides = array<i32>} : memref<16x640xf32, #tpu.memory_space<vmem>>, vector<16xf32>,
      %parallel_loop3A_177 = arith.addf %parallel_loop3A_170, %parallel_loop3A_176 : vector<16xf32>
      %parallel_loop3A_178 = arith.constant 16 : i32
      %parallel_loop3A_179 = arith.muli %parallel_loop3A_87, %parallel_loop3A_178 : i32
      %parallel_loop3A_180 = arith.constant 13 : i32
      %parallel_loop3A_181 = arith.index_cast %parallel_loop3A_180 : i32 to index
      %parallel_loop3A_182 = arith.index_cast %parallel_loop3A_179 : i32 to index
      %parallel_loop3A_183 = tpu.vector_load %arg16[%parallel_loop3A_181, %parallel_loop3A_182] {strides = array<i32>} : memref<16x640xf32, #tpu.memory_space<vmem>>, vector<16xf32>,
      %parallel_loop3A_184 = arith.addf %parallel_loop3A_177, %parallel_loop3A_183 : vector<16xf32>
      %parallel_loop3A_185 = arith.constant 16 : i32
      %parallel_loop3A_186 = arith.muli %parallel_loop3A_87, %parallel_loop3A_185 : i32
      %parallel_loop3A_187 = arith.constant 14 : i32
      %parallel_loop3A_188 = arith.index_cast %parallel_loop3A_187 : i32 to index
      %parallel_loop3A_189 = arith.index_cast %parallel_loop3A_186 : i32 to index
      %parallel_loop3A_190 = tpu.vector_load %arg16[%parallel_loop3A_188, %parallel_loop3A_189] {strides = array<i32>} : memref<16x640xf32, #tpu.memory_space<vmem>>, vector<16xf32>,
      %parallel_loop3A_191 = arith.addf %parallel_loop3A_184, %parallel_loop3A_190 : vector<16xf32>
      %parallel_loop3A_192 = arith.constant 16 : i32
      %parallel_loop3A_193 = arith.muli %parallel_loop3A_87, %parallel_loop3A_192 : i32
      %parallel_loop3A_194 = arith.constant 15 : i32
      %parallel_loop3A_195 = arith.index_cast %parallel_loop3A_194 : i32 to index
      %parallel_loop3A_196 = arith.index_cast %parallel_loop3A_193 : i32 to index
      %parallel_loop3A_197 = tpu.vector_load %arg16[%parallel_loop3A_195, %parallel_loop3A_196] {strides = array<i32>} : memref<16x640xf32, #tpu.memory_space<vmem>>, vector<16xf32>,
      %parallel_loop3A_198 = arith.addf %parallel_loop3A_191, %parallel_loop3A_197 : vector<16xf32>
      %parallel_loop3A_199 = arith.constant 16 : i32
      %parallel_loop3A_200 = arith.muli %parallel_loop3A_87, %parallel_loop3A_199 : i32
      %parallel_loop3A_201 = arith.index_cast %parallel_loop3A_200 : i32 to index
      %parallel_loop3A_202 = tpu.vector_load %arg15[%parallel_loop3A_201] {strides = array<i32>} : memref<640xf32, #tpu.memory_space<vmem>>, vector<16xf32>,
      tpu.vector_store %arg15[%parallel_loop3A_201], %parallel_loop3A_198 {strides = array<i32>} : memref<640xf32, #tpu.memory_space<vmem>>, vector<16xf32>,
    } {sc.loop_unroll_factor = 4 : i64, sc.parallel_access}
    %mul3A_85 = arith.constant 640 : i32
    %mul3A_86 = arith.muli %arg1, %mul3A_85 : i32
    "tpu.region"() ({
      %run_scoped3A_87 = tpu.sem_alloc : memref<!tpu.dma_semaphore, #tpu.memory_space<semaphore_mem>>
      %dma_start3A = tpu.memref_slice %arg6[%arg0, %mul3A_86] : memref<2x10240xf32, #tpu.memory_space<hbm>> -> memref<1x640xf32, #tpu.memory_space<hbm>>
      %dma_start3A_88 = tpu.memref_squeeze %dma_start3A : memref<1x640xf32, #tpu.memory_space<hbm>> -> memref<640xf32, #tpu.memory_space<hbm>>
      %dma_start3A_89 = tpu.memref_slice %arg6[%arg0, %mul3A_86] : memref<2x10240xf32, #tpu.memory_space<hbm>> -> memref<1x640xf32, #tpu.memory_space<hbm>>
      %dma_start3A_90 = tpu.memref_squeeze %dma_start3A_89 : memref<1x640xf32, #tpu.memory_space<hbm>> -> memref<640xf32, #tpu.memory_space<hbm>>
      tpu.enqueue_dma source(%arg15 : memref<640xf32, #tpu.memory_space<vmem>>) target(%dma_start3A_90 : memref<640xf32, #tpu.memory_space<hbm>>) target_semaphore(%run_scoped3A_87 : memref<!tpu.dma_semaphore, #tpu.memory_space<semaphore_mem>>)
      %dma_wait3A = tpu.memref_slice %arg6[%arg0, %mul3A_86] : memref<2x10240xf32, #tpu.memory_space<hbm>> -> memref<1x640xf32, #tpu.memory_space<hbm>>
      %dma_wait3A_91 = tpu.memref_squeeze %dma_wait3A : memref<1x640xf32, #tpu.memory_space<hbm>> -> memref<640xf32, #tpu.memory_space<hbm>>
      %dma_wait3A_92 = tpu.memref_slice %arg6[%arg0, %mul3A_86] : memref<2x10240xf32, #tpu.memory_space<hbm>> -> memref<1x640xf32, #tpu.memory_space<hbm>>
      %dma_wait3A_93 = tpu.memref_squeeze %dma_wait3A_92 : memref<1x640xf32, #tpu.memory_space<hbm>> -> memref<640xf32, #tpu.memory_space<hbm>>
      tpu.wait_dma2 semaphore(%run_scoped3A_87 : memref<!tpu.dma_semaphore, #tpu.memory_space<semaphore_mem>>) src(%arg15 : memref<640xf32, #tpu.memory_space<vmem>>) dst(%dma_wait3A_93 : memref<640xf32, #tpu.memory_space<hbm>>)
      tpu.yield
    }) : () -> ()
    return
  }
}

module attributes {stable_mosaic.version = 14 : i64} {
  func.func @_prologue_body(%arg0: i32, %arg1: memref<2000x128xf32, #tpu.memory_space<vmem>>, %arg2: memref<128x128xf32, #tpu.memory_space<vmem>>, %arg3: memref<2x128xf32, #tpu.memory_space<vmem>>, %arg4: memref<2000x2xf32, #tpu.memory_space<vmem>>, %arg5: memref<1x2xf32, #tpu.memory_space<vmem>>, %arg6: memref<1x2xf32, #tpu.memory_space<vmem>>) attributes {dimension_semantics = [#tpu.dimension_semantics<arbitrary>], iteration_bounds = array<i64: 5>, scalar_prefetch = 0 : i64, scratch_operands = 1 : i64, tpu.core_type = #tpu.core_type<tc>, window_params = [{transform_indices = @transform_0, window_bounds = array<i64: 2000, 128>}, {pipeline_mode = #tpu.pipeline_mode<synchronous>, transform_indices = @transform_1, window_bounds = array<i64: 128, 128>}, {pipeline_mode = #tpu.pipeline_mode<synchronous>, transform_indices = @transform_2, window_bounds = array<i64: 2, 128>}, {transform_indices = @transform_3, window_bounds = array<i64: 2000, 2>}, {pipeline_mode = #tpu.pipeline_mode<synchronous>, transform_indices = @transform_4, window_bounds = array<i64: 1, 2>}]} {
    %get3A = arith.constant 0 : index
    %get3A_0 = arith.constant 0 : index
    %get3A_1 = vector.load %arg1[%get3A, %get3A_0] : memref<2000x128xf32, #tpu.memory_space<vmem>>, vector<2000x128xf32>
    %get3A_2 = arith.constant 0 : index
    %get3A_3 = arith.constant 0 : index
    %get3A_4 = vector.load %arg2[%get3A_2, %get3A_3] : memref<128x128xf32, #tpu.memory_space<vmem>>, vector<128x128xf32>
    %dot_general3A = arith.constant dense<0.000000e+00> : vector<2000x128xf32>
    %dot_general3A_5 = tpu.matmul %get3A_1, %get3A_4, %dot_general3A {dimension_numbers = #tpu.dot_dimension_numbers<[1], [0], [0], [1], [0, 0, 1, 1], [], []>, transpose_lhs_hint = false} : vector<2000x128xf32>, vector<128x128xf32>, vector<2000x128xf32> -> vector<2000x128xf32>
    %get3A_6 = arith.constant 0 : index
    %get3A_7 = arith.constant 0 : index
    %get3A_8 = vector.load %arg3[%get3A_6, %get3A_7] : memref<2x128xf32, #tpu.memory_space<vmem>>, vector<1x128xf32>
    %mul3A = vector.broadcast %get3A_8 : vector<1x128xf32> to vector<2000x128xf32>
    %mul3A_9 = arith.mulf %dot_general3A_5, %mul3A : vector<2000x128xf32>
    %reduce_sum3A = arith.constant dense<0.000000e+00> : vector<2000xf32>
    %reduce_sum3A_10 = vector.multi_reduction <add>, %mul3A_9, %reduce_sum3A [1] : vector<2000x128xf32> to vector<2000xf32>
    %broadcast_in_dim3A = vector.shape_cast %reduce_sum3A_10 : vector<2000xf32> to vector<2000x1xf32>
    %get3A_11 = arith.constant 1 : index
    %get3A_12 = arith.constant 0 : index
    %get3A_13 = vector.load %arg3[%get3A_11, %get3A_12] : memref<2x128xf32, #tpu.memory_space<vmem>>, vector<1x128xf32>
    %mul3A_14 = vector.broadcast %get3A_13 : vector<1x128xf32> to vector<2000x128xf32>
    %mul3A_15 = arith.mulf %dot_general3A_5, %mul3A_14 : vector<2000x128xf32>
    %reduce_sum3A_16 = arith.constant dense<0.000000e+00> : vector<2000xf32>
    %reduce_sum3A_17 = vector.multi_reduction <add>, %mul3A_15, %reduce_sum3A_16 [1] : vector<2000x128xf32> to vector<2000xf32>
    %broadcast_in_dim3A_18 = vector.shape_cast %reduce_sum3A_17 : vector<2000xf32> to vector<2000x1xf32>
    %concatenate3A = tpu.concatenate %broadcast_in_dim3A, %broadcast_in_dim3A_18 in 1 : vector<2000x1xf32>, vector<2000x1xf32> -> vector<2000x2xf32>
    %swap3A = arith.constant 0 : index
    %swap3A_19 = arith.constant 0 : index
    %swap3A_20 = vector.load %arg4[%swap3A, %swap3A_19] : memref<2000x2xf32, #tpu.memory_space<vmem>>, vector<2000x2xf32>
    tpu.vector_store %arg4[%swap3A, %swap3A_19], %concatenate3A {strides = array<i32>} : memref<2000x2xf32, #tpu.memory_space<vmem>>, vector<2000x2xf32>,
    %reduce_max3A = arith.constant dense<0xFF800000> : vector<2xf32>
    %reduce_max3A_21 = vector.multi_reduction <maximumf>, %concatenate3A, %reduce_max3A [0] : vector<2000x2xf32> to vector<2xf32>
    %broadcast_in_dim3A_22 = vector.shape_cast %reduce_max3A_21 : vector<2xf32> to vector<1x2xf32>
    %eq3A = arith.constant 0 : i32
    %eq3A_23 = arith.cmpi eq, %arg0, %eq3A : i32
    %convert_element_type3A = arith.extui %eq3A_23 : i1 to i32
    %cond3A = arith.constant 0 : i32
    %cond3A_24 = arith.cmpi ne, %convert_element_type3A, %cond3A : i32
    scf.if %cond3A_24 {
      %swap3A_34 = arith.constant 0 : index
      %swap3A_35 = arith.constant 0 : index
      %swap3A_36 = vector.load %arg6[%swap3A_34, %swap3A_35] : memref<1x2xf32, #tpu.memory_space<vmem>>, vector<1x2xf32>
      tpu.vector_store %arg6[%swap3A_34, %swap3A_35], %broadcast_in_dim3A_22 {strides = array<i32>} : memref<1x2xf32, #tpu.memory_space<vmem>>, vector<1x2xf32>,
    } else {
    }
    %gt3A = arith.constant 0 : i32
    %gt3A_25 = arith.cmpi sgt, %arg0, %gt3A : i32
    %convert_element_type3A_26 = arith.extui %gt3A_25 : i1 to i32
    %cond3A_27 = arith.constant 0 : i32
    %cond3A_28 = arith.cmpi ne, %convert_element_type3A_26, %cond3A_27 : i32
    scf.if %cond3A_28 {
      %get3A_34 = arith.constant 0 : index
      %get3A_35 = arith.constant 0 : index
      %get3A_36 = vector.load %arg6[%get3A_34, %get3A_35] : memref<1x2xf32, #tpu.memory_space<vmem>>, vector<1x2xf32>
      %max3A = arith.maximumf %get3A_36, %broadcast_in_dim3A_22 : vector<1x2xf32>
      %swap3A_37 = arith.constant 0 : index
      %swap3A_38 = arith.constant 0 : index
      %swap3A_39 = vector.load %arg6[%swap3A_37, %swap3A_38] : memref<1x2xf32, #tpu.memory_space<vmem>>, vector<1x2xf32>
      tpu.vector_store %arg6[%swap3A_37, %swap3A_38], %max3A {strides = array<i32>} : memref<1x2xf32, #tpu.memory_space<vmem>>, vector<1x2xf32>,
    } else {
    }
    %eq3A_29 = arith.constant 4 : i32
    %eq3A_30 = arith.cmpi eq, %arg0, %eq3A_29 : i32
    %convert_element_type3A_31 = arith.extui %eq3A_30 : i1 to i32
    %cond3A_32 = arith.constant 0 : i32
    %cond3A_33 = arith.cmpi ne, %convert_element_type3A_31, %cond3A_32 : i32
    scf.if %cond3A_33 {
      %get3A_34 = arith.constant 0 : index
      %get3A_35 = arith.constant 0 : index
      %get3A_36 = vector.load %arg6[%get3A_34, %get3A_35] : memref<1x2xf32, #tpu.memory_space<vmem>>, vector<1x2xf32>
      %swap3A_37 = arith.constant 0 : index
      %swap3A_38 = arith.constant 0 : index
      %swap3A_39 = vector.load %arg5[%swap3A_37, %swap3A_38] : memref<1x2xf32, #tpu.memory_space<vmem>>, vector<1x2xf32>
      tpu.vector_store %arg5[%swap3A_37, %swap3A_38], %get3A_36 {strides = array<i32>} : memref<1x2xf32, #tpu.memory_space<vmem>>, vector<1x2xf32>,
    } else {
    }
    return
  }
  func.func @transform_0(%arg0: i32) -> (i32, i32) {
    %c0_i32 = arith.constant 0 : i32
    %c0_i32_0 = arith.constant 0 : i32
    return %arg0, %c0_i32 : i32, i32
  }
  func.func @transform_1(%arg0: i32) -> (i32, i32) {
    %c0_i32 = arith.constant 0 : i32
    %c0_i32_0 = arith.constant 0 : i32
    %c0_i32_1 = arith.constant 0 : i32
    return %c0_i32, %c0_i32_0 : i32, i32
  }
  func.func @transform_2(%arg0: i32) -> (i32, i32) {
    %c0_i32 = arith.constant 0 : i32
    %c0_i32_0 = arith.constant 0 : i32
    %c0_i32_1 = arith.constant 0 : i32
    return %c0_i32, %c0_i32_0 : i32, i32
  }
  func.func @transform_3(%arg0: i32) -> (i32, i32) {
    %c0_i32 = arith.constant 0 : i32
    %c0_i32_0 = arith.constant 0 : i32
    return %arg0, %c0_i32 : i32, i32
  }
  func.func @transform_4(%arg0: i32) -> (i32, i32) {
    %c0_i32 = arith.constant 0 : i32
    %c0_i32_0 = arith.constant 0 : i32
    %c0_i32_1 = arith.constant 0 : i32
    return %c0_i32, %c0_i32_0 : i32, i32
  }
}

module attributes {stable_mosaic.version = 14 : i64} {
  func.func @_tail_body(%arg0: i32, %arg1: memref<1000x2xf32, #tpu.memory_space<vmem>>, %arg2: memref<1000x128xf32, #tpu.memory_space<vmem>>, %arg3: memref<1000x128xf32, #tpu.memory_space<vmem>>, %arg4: memref<128x128xf32, #tpu.memory_space<vmem>>, %arg5: memref<128x128xf32, #tpu.memory_space<vmem>>, %arg6: memref<2x128xf32, #tpu.memory_space<vmem>>, %arg7: memref<256x16384xf32, #tpu.memory_space<vmem>>, %arg8: memref<1x16384xf32, #tpu.memory_space<vmem>>, %arg9: memref<16384x128xf32, #tpu.memory_space<vmem>>, %arg10: memref<128x1xf32, #tpu.memory_space<vmem>>, %arg11: memref<1x128xf32, #tpu.memory_space<vmem>>, %arg12: memref<1x1xf32, #tpu.memory_space<vmem>>, %arg13: memref<1x1xf32, #tpu.memory_space<vmem>>, %arg14: memref<1x128xf32, #tpu.memory_space<vmem>>, %arg15: memref<1x128xf32, #tpu.memory_space<vmem>>, %arg16: memref<1x256xf32, #tpu.memory_space<vmem>>) attributes {dimension_semantics = [#tpu.dimension_semantics<arbitrary>], iteration_bounds = array<i64: 11>, scalar_prefetch = 0 : i64, scratch_operands = 3 : i64, tpu.core_type = #tpu.core_type<tc>, window_params = [{transform_indices = @transform_0, window_bounds = array<i64: 1000, 2>}, {transform_indices = @transform_1, window_bounds = array<i64: 1000, 128>}, {transform_indices = @transform_2, window_bounds = array<i64: 1000, 128>}, {pipeline_mode = #tpu.pipeline_mode<synchronous>, transform_indices = @transform_3, window_bounds = array<i64: 128, 128>}, {pipeline_mode = #tpu.pipeline_mode<synchronous>, transform_indices = @transform_4, window_bounds = array<i64: 128, 128>}, {pipeline_mode = #tpu.pipeline_mode<synchronous>, transform_indices = @transform_5, window_bounds = array<i64: 2, 128>}, {pipeline_mode = #tpu.pipeline_mode<synchronous>, transform_indices = @transform_6, window_bounds = array<i64: 256, 16384>}, {pipeline_mode = #tpu.pipeline_mode<synchronous>, transform_indices = @transform_7, window_bounds = array<i64: 1, 16384>}, {pipeline_mode = #tpu.pipeline_mode<synchronous>, transform_indices = @transform_8, window_bounds = array<i64: 16384, 128>}, {pipeline_mode = #tpu.pipeline_mode<synchronous>, transform_indices = @transform_9, window_bounds = array<i64: 128, 1>}, {pipeline_mode = #tpu.pipeline_mode<synchronous>, transform_indices = @transform_10, window_bounds = array<i64: 1, 128>}, {pipeline_mode = #tpu.pipeline_mode<synchronous>, transform_indices = @transform_11, window_bounds = array<i64: 1, 1>}, {pipeline_mode = #tpu.pipeline_mode<synchronous>, transform_indices = @transform_12, window_bounds = array<i64: 1, 1>}]} {
    %lt3A = arith.constant 10 : i32
    %lt3A_0 = arith.cmpi slt, %arg0, %lt3A : i32
    %convert_element_type3A = arith.extui %lt3A_0 : i1 to i32
    %cond3A = arith.constant 0 : i32
    %cond3A_1 = arith.cmpi ne, %convert_element_type3A, %cond3A : i32
    scf.if %cond3A_1 {
      %get3A = arith.constant 0 : index
      %get3A_6 = arith.constant 0 : index
      %get3A_7 = vector.load %arg2[%get3A, %get3A_6] : memref<1000x128xf32, #tpu.memory_space<vmem>>, vector<1000x128xf32>
      %get3A_8 = arith.constant 0 : index
      %get3A_9 = arith.constant 0 : index
      %get3A_10 = vector.load %arg4[%get3A_8, %get3A_9] : memref<128x128xf32, #tpu.memory_space<vmem>>, vector<128x128xf32>
      %dot_general3A = arith.constant dense<0.000000e+00> : vector<1000x128xf32>
      %dot_general3A_11 = tpu.matmul %get3A_7, %get3A_10, %dot_general3A {dimension_numbers = #tpu.dot_dimension_numbers<[1], [0], [0], [1], [0, 0, 1, 1], [], []>, transpose_lhs_hint = false} : vector<1000x128xf32>, vector<128x128xf32>, vector<1000x128xf32> -> vector<1000x128xf32>
      %get3A_12 = arith.constant 0 : index
      %get3A_13 = arith.constant 0 : index
      %get3A_14 = vector.load %arg3[%get3A_12, %get3A_13] : memref<1000x128xf32, #tpu.memory_space<vmem>>, vector<1000x128xf32>
      %get3A_15 = arith.constant 0 : index
      %get3A_16 = arith.constant 0 : index
      %get3A_17 = vector.load %arg5[%get3A_15, %get3A_16] : memref<128x128xf32, #tpu.memory_space<vmem>>, vector<128x128xf32>
      %dot_general3A_18 = arith.constant dense<0.000000e+00> : vector<1000x128xf32>
      %dot_general3A_19 = tpu.matmul %get3A_14, %get3A_17, %dot_general3A_18 {dimension_numbers = #tpu.dot_dimension_numbers<[1], [0], [0], [1], [0, 0, 1, 1], [], []>, transpose_lhs_hint = false} : vector<1000x128xf32>, vector<128x128xf32>, vector<1000x128xf32> -> vector<1000x128xf32>
      %get3A_20 = arith.constant 0 : index
      %get3A_21 = arith.constant 0 : index
      %get3A_22 = vector.load %arg1[%get3A_20, %get3A_21] : memref<1000x2xf32, #tpu.memory_space<vmem>>, vector<1000x1xf32>
      %mul3A = vector.broadcast %get3A_22 : vector<1000x1xf32> to vector<1000x128xf32>
      %mul3A_23 = arith.mulf %dot_general3A_11, %mul3A : vector<1000x128xf32>
      %reduce_sum3A = arith.constant dense<0.000000e+00> : vector<128xf32>
      %reduce_sum3A_24 = vector.multi_reduction <add>, %mul3A_23, %reduce_sum3A [0] : vector<1000x128xf32> to vector<128xf32>
      %broadcast_in_dim3A = vector.shape_cast %reduce_sum3A_24 : vector<128xf32> to vector<1x128xf32>
      %get3A_25 = arith.constant 0 : index
      %get3A_26 = arith.constant 1 : index
      %get3A_27 = vector.load %arg1[%get3A_25, %get3A_26] : memref<1000x2xf32, #tpu.memory_space<vmem>>, vector<1000x1xf32>
      %mul3A_28 = vector.broadcast %get3A_27 : vector<1000x1xf32> to vector<1000x128xf32>
      %mul3A_29 = arith.mulf %dot_general3A_19, %mul3A_28 : vector<1000x128xf32>
      %reduce_sum3A_30 = arith.constant dense<0.000000e+00> : vector<128xf32>
      %reduce_sum3A_31 = vector.multi_reduction <add>, %mul3A_29, %reduce_sum3A_30 [0] : vector<1000x128xf32> to vector<128xf32>
      %broadcast_in_dim3A_32 = vector.shape_cast %reduce_sum3A_31 : vector<128xf32> to vector<1x128xf32>
      %eq3A_33 = arith.constant 0 : i32
      %eq3A_34 = arith.cmpi eq, %arg0, %eq3A_33 : i32
      %convert_element_type3A_35 = arith.extui %eq3A_34 : i1 to i32
      %cond3A_36 = arith.constant 0 : i32
      %cond3A_37 = arith.cmpi ne, %convert_element_type3A_35, %cond3A_36 : i32
      scf.if %cond3A_37 {
        %swap3A = arith.constant 0 : index
        %swap3A_47 = arith.constant 0 : index
        %swap3A_48 = vector.load %arg14[%swap3A, %swap3A_47] : memref<1x128xf32, #tpu.memory_space<vmem>>, vector<1x128xf32>
        tpu.vector_store %arg14[%swap3A, %swap3A_47], %broadcast_in_dim3A {strides = array<i32>} : memref<1x128xf32, #tpu.memory_space<vmem>>, vector<1x128xf32>,
        %swap3A_49 = arith.constant 0 : index
        %swap3A_50 = arith.constant 0 : index
        %swap3A_51 = vector.load %arg15[%swap3A_49, %swap3A_50] : memref<1x128xf32, #tpu.memory_space<vmem>>, vector<1x128xf32>
        tpu.vector_store %arg15[%swap3A_49, %swap3A_50], %broadcast_in_dim3A_32 {strides = array<i32>} : memref<1x128xf32, #tpu.memory_space<vmem>>, vector<1x128xf32>,
      } else {
      }
      %gt3A = arith.constant 0 : i32
      %gt3A_38 = arith.cmpi sgt, %arg0, %gt3A : i32
      %convert_element_type3A_39 = arith.extui %gt3A_38 : i1 to i32
      %cond3A_40 = arith.constant 0 : i32
      %cond3A_41 = arith.cmpi ne, %convert_element_type3A_39, %cond3A_40 : i32
      scf.if %cond3A_41 {
        %get3A_47 = arith.constant 0 : index
        %get3A_48 = arith.constant 0 : index
        %get3A_49 = vector.load %arg14[%get3A_47, %get3A_48] : memref<1x128xf32, #tpu.memory_space<vmem>>, vector<1x128xf32>
        %add3A = arith.addf %get3A_49, %broadcast_in_dim3A : vector<1x128xf32>
        %swap3A = arith.constant 0 : index
        %swap3A_50 = arith.constant 0 : index
        %swap3A_51 = vector.load %arg14[%swap3A, %swap3A_50] : memref<1x128xf32, #tpu.memory_space<vmem>>, vector<1x128xf32>
        tpu.vector_store %arg14[%swap3A, %swap3A_50], %add3A {strides = array<i32>} : memref<1x128xf32, #tpu.memory_space<vmem>>, vector<1x128xf32>,
        %get3A_52 = arith.constant 0 : index
        %get3A_53 = arith.constant 0 : index
        %get3A_54 = vector.load %arg15[%get3A_52, %get3A_53] : memref<1x128xf32, #tpu.memory_space<vmem>>, vector<1x128xf32>
        %add3A_55 = arith.addf %get3A_54, %broadcast_in_dim3A_32 : vector<1x128xf32>
        %swap3A_56 = arith.constant 0 : index
        %swap3A_57 = arith.constant 0 : index
        %swap3A_58 = vector.load %arg15[%swap3A_56, %swap3A_57] : memref<1x128xf32, #tpu.memory_space<vmem>>, vector<1x128xf32>
        tpu.vector_store %arg15[%swap3A_56, %swap3A_57], %add3A_55 {strides = array<i32>} : memref<1x128xf32, #tpu.memory_space<vmem>>, vector<1x128xf32>,
      } else {
      }
      %eq3A_42 = arith.constant 9 : i32
      %eq3A_43 = arith.cmpi eq, %arg0, %eq3A_42 : i32
      %convert_element_type3A_44 = arith.extui %eq3A_43 : i1 to i32
      %cond3A_45 = arith.constant 0 : i32
      %cond3A_46 = arith.cmpi ne, %convert_element_type3A_44, %cond3A_45 : i32
      scf.if %cond3A_46 {
        %get3A_47 = arith.constant 0 : index
        %get3A_48 = arith.constant 0 : index
        %get3A_49 = vector.load %arg14[%get3A_47, %get3A_48] : memref<1x128xf32, #tpu.memory_space<vmem>>, vector<1x128xf32>
        %get3A_50 = arith.constant 0 : index
        %get3A_51 = arith.constant 0 : index
        %get3A_52 = vector.load %arg6[%get3A_50, %get3A_51] : memref<2x128xf32, #tpu.memory_space<vmem>>, vector<1x128xf32>
        %mul3A_53 = arith.constant 1.000000e+04 : f32
        %mul3A_54 = vector.broadcast %mul3A_53 : f32 to vector<1x128xf32>
        %mul3A_55 = arith.mulf %mul3A_54, %get3A_52 : vector<1x128xf32>
        %add3A = arith.addf %get3A_49, %mul3A_55 : vector<1x128xf32>
        %get3A_56 = arith.constant 0 : index
        %get3A_57 = arith.constant 0 : index
        %get3A_58 = vector.load %arg15[%get3A_56, %get3A_57] : memref<1x128xf32, #tpu.memory_space<vmem>>, vector<1x128xf32>
        %get3A_59 = arith.constant 1 : index
        %get3A_60 = arith.constant 0 : index
        %get3A_61 = vector.load %arg6[%get3A_59, %get3A_60] : memref<2x128xf32, #tpu.memory_space<vmem>>, vector<1x128xf32>
        %mul3A_62 = arith.constant 1.000000e+04 : f32
        %mul3A_63 = vector.broadcast %mul3A_62 : f32 to vector<1x128xf32>
        %mul3A_64 = arith.mulf %mul3A_63, %get3A_61 : vector<1x128xf32>
        %add3A_65 = arith.addf %get3A_58, %mul3A_64 : vector<1x128xf32>
        %concatenate3A = tpu.concatenate %add3A, %add3A_65 in 1 : vector<1x128xf32>, vector<1x128xf32> -> vector<1x256xf32>
        %swap3A = arith.constant 0 : index
        %swap3A_66 = arith.constant 0 : index
        %swap3A_67 = vector.load %arg16[%swap3A, %swap3A_66] : memref<1x256xf32, #tpu.memory_space<vmem>>, vector<1x256xf32>
        tpu.vector_store %arg16[%swap3A, %swap3A_66], %concatenate3A {strides = array<i32>} : memref<1x256xf32, #tpu.memory_space<vmem>>, vector<1x256xf32>,
      } else {
      }
    } else {
    }
    %eq3A = arith.constant 10 : i32
    %eq3A_2 = arith.cmpi eq, %arg0, %eq3A : i32
    %convert_element_type3A_3 = arith.extui %eq3A_2 : i1 to i32
    %cond3A_4 = arith.constant 0 : i32
    %cond3A_5 = arith.cmpi ne, %convert_element_type3A_3, %cond3A_4 : i32
    scf.if %cond3A_5 {
      %get3A = arith.constant 0 : index
      %get3A_6 = arith.constant 0 : index
      %get3A_7 = vector.load %arg16[%get3A, %get3A_6] : memref<1x256xf32, #tpu.memory_space<vmem>>, vector<1x256xf32>
      %get3A_8 = arith.constant 0 : index
      %get3A_9 = arith.constant 0 : index
      %get3A_10 = vector.load %arg7[%get3A_8, %get3A_9] : memref<256x16384xf32, #tpu.memory_space<vmem>>, vector<256x16384xf32>
      %dot_general3A = arith.constant dense<0.000000e+00> : vector<1x16384xf32>
      %dot_general3A_11 = tpu.matmul %get3A_7, %get3A_10, %dot_general3A {dimension_numbers = #tpu.dot_dimension_numbers<[1], [0], [0], [1], [0, 0, 1, 1], [], []>, transpose_lhs_hint = false} : vector<1x256xf32>, vector<256x16384xf32>, vector<1x16384xf32> -> vector<1x16384xf32>
      %get3A_12 = arith.constant 0 : index
      %get3A_13 = arith.constant 0 : index
      %get3A_14 = vector.load %arg8[%get3A_12, %get3A_13] : memref<1x16384xf32, #tpu.memory_space<vmem>>, vector<1x16384xf32>
      %add3A = arith.addf %dot_general3A_11, %get3A_14 : vector<1x16384xf32>
      %get3A_15 = arith.constant 0 : index
      %get3A_16 = arith.constant 0 : index
      %get3A_17 = vector.load %arg9[%get3A_15, %get3A_16] : memref<16384x128xf32, #tpu.memory_space<vmem>>, vector<16384x128xf32>
      %dot_general3A_18 = arith.constant dense<0.000000e+00> : vector<1x128xf32>
      %dot_general3A_19 = tpu.matmul %add3A, %get3A_17, %dot_general3A_18 {dimension_numbers = #tpu.dot_dimension_numbers<[1], [0], [0], [1], [0, 0, 1, 1], [], []>, transpose_lhs_hint = false} : vector<1x16384xf32>, vector<16384x128xf32>, vector<1x128xf32> -> vector<1x128xf32>
      %get3A_20 = arith.constant 0 : index
      %get3A_21 = arith.constant 0 : index
      %get3A_22 = vector.load %arg11[%get3A_20, %get3A_21] : memref<1x128xf32, #tpu.memory_space<vmem>>, vector<1x128xf32>
      %add3A_23 = arith.addf %dot_general3A_19, %get3A_22 : vector<1x128xf32>
      %get3A_24 = arith.constant 0 : index
      %get3A_25 = arith.constant 0 : index
      %get3A_26 = vector.load %arg10[%get3A_24, %get3A_25] : memref<128x1xf32, #tpu.memory_space<vmem>>, vector<128x1xf32>
      %dot_general3A_27 = arith.constant dense<0.000000e+00> : vector<1x1xf32>
      %dot_general3A_28 = tpu.matmul %add3A_23, %get3A_26, %dot_general3A_27 {dimension_numbers = #tpu.dot_dimension_numbers<[1], [0], [0], [1], [0, 0, 1, 1], [], []>, transpose_lhs_hint = false} : vector<1x128xf32>, vector<128x1xf32>, vector<1x1xf32> -> vector<1x1xf32>
      %get3A_29 = arith.constant 0 : index
      %get3A_30 = arith.constant 0 : index
      %get3A_31 = vector.load %arg12[%get3A_29, %get3A_30] : memref<1x1xf32, #tpu.memory_space<vmem>>, vector<1x1xf32>
      %add3A_32 = arith.addf %dot_general3A_28, %get3A_31 : vector<1x1xf32>
      %swap3A = arith.constant 0 : index
      %swap3A_33 = arith.constant 0 : index
      %swap3A_34 = vector.load %arg13[%swap3A, %swap3A_33] : memref<1x1xf32, #tpu.memory_space<vmem>>, vector<1x1xf32>
      tpu.vector_store %arg13[%swap3A, %swap3A_33], %add3A_32 {strides = array<i32>} : memref<1x1xf32, #tpu.memory_space<vmem>>, vector<1x1xf32>,
    } else {
    }
    return
  }
  func.func @transform_0(%arg0: i32) -> (i32, i32) {
    %min3A = arith.constant 9 : i32
    %min3A_0 = arith.minsi %arg0, %min3A : i32
    %c0_i32 = arith.constant 0 : i32
    %c0_i32_1 = arith.constant 0 : i32
    return %min3A_0, %c0_i32 : i32, i32
  }
  func.func @transform_1(%arg0: i32) -> (i32, i32) {
    %min3A = arith.constant 9 : i32
    %min3A_0 = arith.minsi %arg0, %min3A : i32
    %c0_i32 = arith.constant 0 : i32
    %c0_i32_1 = arith.constant 0 : i32
    return %min3A_0, %c0_i32 : i32, i32
  }
  func.func @transform_2(%arg0: i32) -> (i32, i32) {
    %min3A = arith.constant 9 : i32
    %min3A_0 = arith.minsi %arg0, %min3A : i32
    %c0_i32 = arith.constant 0 : i32
    %c0_i32_1 = arith.constant 0 : i32
    return %min3A_0, %c0_i32 : i32, i32
  }
  func.func @transform_3(%arg0: i32) -> (i32, i32) {
    %c0_i32 = arith.constant 0 : i32
    %c0_i32_0 = arith.constant 0 : i32
    %c0_i32_1 = arith.constant 0 : i32
    return %c0_i32, %c0_i32_0 : i32, i32
  }
  func.func @transform_4(%arg0: i32) -> (i32, i32) {
    %c0_i32 = arith.constant 0 : i32
    %c0_i32_0 = arith.constant 0 : i32
    %c0_i32_1 = arith.constant 0 : i32
    return %c0_i32, %c0_i32_0 : i32, i32
  }
  func.func @transform_5(%arg0: i32) -> (i32, i32) {
    %c0_i32 = arith.constant 0 : i32
    %c0_i32_0 = arith.constant 0 : i32
    %c0_i32_1 = arith.constant 0 : i32
    return %c0_i32, %c0_i32_0 : i32, i32
  }
  func.func @transform_6(%arg0: i32) -> (i32, i32) {
    %c0_i32 = arith.constant 0 : i32
    %c0_i32_0 = arith.constant 0 : i32
    %c0_i32_1 = arith.constant 0 : i32
    return %c0_i32, %c0_i32_0 : i32, i32
  }
  func.func @transform_7(%arg0: i32) -> (i32, i32) {
    %c0_i32 = arith.constant 0 : i32
    %c0_i32_0 = arith.constant 0 : i32
    %c0_i32_1 = arith.constant 0 : i32
    return %c0_i32, %c0_i32_0 : i32, i32
  }
  func.func @transform_8(%arg0: i32) -> (i32, i32) {
    %c0_i32 = arith.constant 0 : i32
    %c0_i32_0 = arith.constant 0 : i32
    %c0_i32_1 = arith.constant 0 : i32
    return %c0_i32, %c0_i32_0 : i32, i32
  }
  func.func @transform_9(%arg0: i32) -> (i32, i32) {
    %c0_i32 = arith.constant 0 : i32
    %c0_i32_0 = arith.constant 0 : i32
    %c0_i32_1 = arith.constant 0 : i32
    return %c0_i32, %c0_i32_0 : i32, i32
  }
  func.func @transform_10(%arg0: i32) -> (i32, i32) {
    %c0_i32 = arith.constant 0 : i32
    %c0_i32_0 = arith.constant 0 : i32
    %c0_i32_1 = arith.constant 0 : i32
    return %c0_i32, %c0_i32_0 : i32, i32
  }
  func.func @transform_11(%arg0: i32) -> (i32, i32) {
    %c0_i32 = arith.constant 0 : i32
    %c0_i32_0 = arith.constant 0 : i32
    %c0_i32_1 = arith.constant 0 : i32
    return %c0_i32, %c0_i32_0 : i32, i32
  }
  func.func @transform_12(%arg0: i32) -> (i32, i32) {
    %c0_i32 = arith.constant 0 : i32
    %c0_i32_0 = arith.constant 0 : i32
    %c0_i32_1 = arith.constant 0 : i32
    return %c0_i32, %c0_i32_0 : i32, i32
  }
}

</mosaic_0001>

<sc_bundles>
// kernel: kernel.6.cloned.1.call-start
scs
__scs_entry_jumppad:
0x0: {  	(pc) =	sbr.rel $0x88, $3  }
0x1: {  	(tag) =	ssettag $0x0;
	lr =	simm.s32 $0x1  }
0x2: {  	[smem:$0x3F8F] =	sst lr;
	_ =	strace $0xD0000000  }
0x3: {  	_ = 	snop  }
0x4: {  	_ = 	snop  }
0x5: {  	_ = 	snop  }
0x6: {  	_ = 	snop  }
0x7: {  	_ = 	snop  }
__scs_overlays_trampoline_lowered:
0x8: {  	[smem:$0x3F9E] =	sst s0  }
0x9: {  	[smem:$0x3F9F] =	sst s1  }
0xa: {  	[smem:$0x3FA0] =	sst s2  }
0xb: {  	[smem:$0x3FA1] =	sst s3  }
0xc: {  	[smem:$0x3FA2] =	sst s4  }
0xd: {  	[smem:$0x3FA3] =	sst s5  }
0xe: {  	[smem:$0x3FA4] =	sst s6  }
0xf: {  	[smem:$0x3FA5] =	sst s7  }
0x10: {  	[smem:$0x3FA6] =	sst s8  }
0x11: {  	[smem:$0x3FA7] =	sst s9;
	s0 =	simm.s32 @!p0 $0x0  }
0x12: {  	s1 =	sld [smem:$0x3F8D];
	s0 =	simm.s32 @p0 $0x1  }
0x13: {  	[smem:$0x3FA8] =	sst s0;
	s0 =	simm.s32 @!p1 $0x0  }
0x14: {  	s2 =	sld [smem:$0x3F8C];
	s0 =	simm.s32 @p1 $0x1  }
0x15: {  	[smem:$0x3FA9] =	sst s0;
	s0 =	simm.s32 @!p2 $0x0  }
0x16: {  	s3 =	sld [smem:$0x3FDB];
	s0 =	simm.s32 @p2 $0x1  }
0x17: {  	s4 =	simm.s32 $0x1BF5;
	[smem:$0x3FAB] =	sst s0  }
0x18: {  	s0 =	sld [smem:$0x3F8E];
	_ =	swait.ge [sflag:s4], $0x0  }
0x19: {  	s7 =	sld [smem:$0x3F8F]  }
0x1a: {  	s8 =	sadd.s32 $0xFFFFE003, lr  }
0x1b: {  	s9 =	sadd.s32 $0xFFFFFEF7, lr;
	s5 =	simm.s32 $0xFFFFFFFF;
	p2 =	slt.u32 s8, $0xFFFFF086  }
0x1c: {  	p1 =	slt.u32 s9, $0xF7A;
	s5 =	simm.s32 @!p2 $0x0  }
0x1d: {  	s5 =	simm.s32 @p1 $0x1;
	p0 =	seq.s32 s7, s2  }
0x1e: {  	s7 =	smul.u32 @!p0 $0xF7A, s2;
	p2 =	seq.s32 @!p0 s5, $0x0  }
0x1f: {  	s9 =	smul.u32 $0xF7A, s1;
	s8 =	simm.s32 @!p0 $0x1BF5;
	p2 =	por !p2, p0  }
0x20: {  	[sflag:s8] =	ssyncset.s32 @!p0 $0xFFFFF086;
	s6 =	sadd.s32 @!p0 s3, s7;
	s7 =	simm.s32 @!p0 $0x108  }
0x21: {  	s3 =	sadd.s32 s3, s9;
	s6 =	sadd.s32 @!p0 $0x88, s6;
	s7 =	simm.s32 @p2 $0x1082  }
0x22: {  	[simem:s7], [sflag:s8] =	dma.local @!p0 [hbm:s6], $0xF7A  }
0x23: {  	s9 =	sor.u32 $0xD0000000, s2;
	s6 =	simm.s32 $0x108;
	_ =	swait.ge @!p0 [sflag:s8], $0x0  }
0x24: {  	s3 =	sadd.s32 $0x88, s3;
	s6 =	simm.s32 @!p1 $0x1082;
	[sflag:s4] =	ssyncset.s32 $0xFFFFF086  }
0x25: {  	[simem:s6], [sflag:s4] =	dma.local [hbm:s3], $0xF7A  }
0x26: {  	[smem:$0x3F8F] =	sst s1;
	(tag) =	ssettag s2;
	_ =	strace s9  }
0x27: {  	s1 =	sld [smem:$0x3F9F]  }
0x28: {  	s2 =	sld [smem:$0x3FA0]  }
0x29: {  	s4 =	sld [smem:$0x3FA2]  }
0x2a: {  	p0 =	seq.s32 s5, $0x0;
	s5 =	sld [smem:$0x3FA3]  }
0x2b: {  	s6 =	sld [smem:$0x3FA4]  }
0x2c: {  	s7 =	sld [smem:$0x3FA5]  }
0x2d: {  	s3 =	simm.s32 $0x108;
	s8 =	sld [smem:$0x3FA6]  }
0x2e: {  	s3 =	simm.s32 @!p0 $0x1082;
	s9 =	sld [smem:$0x3FA7]  }
0x2f: {  	lr =	sadd.s32 s0, s3;
	s0 =	sld [smem:$0x3F9E]  }
0x30: {  	s3 =	sld [smem:$0x3FA1]  }
0x31: {  	[smem:$0x3FAA] =	sst s10  }
0x32: {  	s10 =	sld [smem:$0x3FA8];
	_ =	sdelay $0x3  }
0x33: {  	p0 =	seq.s32 s10, $0x1;
	s10 =	sld [smem:$0x3FAA];
	_ =	sdelay $0x3  }
0x34: {  	[smem:$0x3FAA] =	sst s10  }
0x35: {  	s10 =	sld [smem:$0x3FA9];
	_ =	sdelay $0x3  }
0x36: {  	p1 =	seq.s32 s10, $0x1;
	s10 =	sld [smem:$0x3FAA];
	_ =	sdelay $0x3  }
0x37: {  	[smem:$0x3FAA] =	sst s10  }
0x38: {  	s10 =	sld [smem:$0x3FAB]  }
0x39: {  	_ = 	snop;
	(pc) =	sbr.ind lr, $3  }
0x3a: {  	_ = 	snop  }
0x3b: {  	_ = 	snop  }
0x3c: {  	p2 =	seq.s32 s10, $0x1;
	s10 =	sld [smem:$0x3FAA]  }
0x3d: {  	_ =	shalt  }
0x3e: {  	_ =	shalt  }
0x3f: {  	_ =	shalt  }
0x40: {  	_ =	shalt  }
0x41: {  	_ =	shalt  }
0x42: {  	_ =	shalt  }
0x43: {  	_ =	shalt  }
0x44: {  	_ =	shalt  }
0x45: {  	_ =	shalt  }
0x46: {  	_ =	shalt  }
0x47: {  	_ =	shalt  }
0x48: {  	_ =	shalt  }
0x49: {  	_ =	shalt  }
0x4a: {  	_ =	shalt  }
0x4b: {  	_ =	shalt  }
0x4c: {  	_ =	shalt  }
0x4d: {  	_ =	shalt  }
0x4e: {  	_ =	shalt  }
0x4f: {  	_ =	shalt  }
0x50: {  	_ =	shalt  }
0x51: {  	_ =	shalt  }
0x52: {  	_ =	shalt  }
0x53: {  	_ =	shalt  }
0x54: {  	_ =	shalt  }
0x55: {  	_ =	shalt  }
0x56: {  	_ =	shalt  }
0x57: {  	_ =	shalt  }
0x58: {  	_ =	shalt  }
0x59: {  	_ =	shalt  }
0x5a: {  	_ =	shalt  }
0x5b: {  	_ =	shalt  }
0x5c: {  	_ =	shalt  }
0x5d: {  	_ =	shalt  }
0x5e: {  	_ =	shalt  }
0x5f: {  	_ =	shalt  }
0x60: {  	_ =	shalt  }
0x61: {  	_ =	shalt  }
0x62: {  	_ =	shalt  }
0x63: {  	_ =	shalt  }
0x64: {  	_ =	shalt  }
0x65: {  	_ =	shalt  }
0x66: {  	_ =	shalt  }
0x67: {  	_ =	shalt  }
0x68: {  	_ =	shalt  }
0x69: {  	_ =	shalt  }
0x6a: {  	_ =	shalt  }
0x6b: {  	_ =	shalt  }
0x6c: {  	_ =	shalt  }
0x6d: {  	_ =	shalt  }
0x6e: {  	_ =	shalt  }
0x6f: {  	_ =	shalt  }
0x70: {  	_ =	shalt  }
0x71: {  	_ =	shalt  }
0x72: {  	_ =	shalt  }
0x73: {  	_ =	shalt  }
0x74: {  	_ =	shalt  }
0x75: {  	_ =	shalt  }
0x76: {  	_ =	shalt  }
0x77: {  	_ =	shalt  }
0x78: {  	_ =	shalt  }
0x79: {  	_ =	shalt  }
0x7a: {  	_ =	shalt  }
0x7b: {  	_ =	shalt  }
0x7c: {  	_ =	shalt  }
0x7d: {  	_ =	shalt  }
0x7e: {  	_ =	shalt  }
0x7f: {  	_ =	shalt  }
0x80: {  	_ =	shalt  }
0x81: {  	_ =	shalt  }
0x82: {  	_ =	shalt  }
0x83: {  	_ =	shalt  }
0x84: {  	_ =	shalt  }
0x85: {  	_ =	shalt  }
0x86: {  	_ =	shalt  }
0x87: {  	_ =	shalt  }
.Lfunc_end0:
.L_simem_size_0:
called_computation_lowered:
.L_overlay_start_0:
0x88: {  	s2 =	sld [smem:$0x3FD9]  }
0x89: {  	s3 =	sld [smem:$0x3FFE];
	_ =	sdelay $0x1  }
0x8a: {  	s1 =	srdreg.scid  }
0x8b: {  	s0 =	sand.u32 $0x1, s1  }
0x8c: {  	s17 =	sshll.u32 s0, $0xA;
	s2 =	sadd.s32 s3, s2  }
0x8d: {  	s2 =	sadd.s32 s2, s17  }
0x8e: {  	[smem:$0x3FB6] =	sst s2  }
0x8f: {  	_ = 	snop  }
0x90: {  	s2 =	sld [smem:$0x3FC8]  }
0x91: {  	s18 =	sld [smem:$0x3FC6];
	(tm) =	ssettm $0x1  }
0x92: {  	s4 =	sld [smem:$0x3FFB];
	_ =	sdelay $0x3  }
0x93: {  	_ =	strace s4  }
0x94: {  	s4 =	sld [smem:$0x3FFC];
	_ =	sdelay $0x3  }
0x95: {  	_ =	strace s4  }
0x96: {  	s4 =	sld [smem:$0x3FFD];
	_ =	sdelay $0x3  }
0x97: {  	_ =	strace s4  }
0x98: {  	_ =	strace $0x8FFFFFFF  }
0x99: {  	s19 =	sld [smem:$0x3FDB];
	_ =	sdelay $0x1  }
0x9a: {  	s5 =	simm.s32 $_scs_section_size  }
0x9b: {  	s6 =	simm.s32 $_size__tile_overlayer_lowered;
	s7 =	simm.s32 $_tile_overlayer_lowered  }
0x9c: {  	s22 =	simm.s32 $0x1BFF;
	s21 =	sshll.u32 s7, $0x1;
	s4 =	sadd.s32 s5, s19  }
0x9d: {  	s8 =	simm.s32 $0x0;
	s20 =	sshll.u32 s6, $0x1;
	s6 =	sadd.s32 s21, s4  }
0x9e: {  	[timem:s8], [sflag:s22] =	dma.local [hbm:s6], s20  }
0x9f: {  	_ =	swait.ge [sflag:s22], s20  }
0xa0: {  	s5 =	ssub.s32 $0x0, s20;
	[sflag:s22] =	ssyncset.done $0x0  }
0xa1: {  	[sflag:s22] =	ssyncadd.s32 s5;
	_ =	sdelay $0x1  }
0xa2: {  	s23 =	simm.s32 $0x1B8B  }
0xa3: {  	_ =	swait.ge [sflag:s23], $0x1  }
0xa4: {  	[sflag:s23] =	ssyncset.done $0x0  }
0xa5: {  	s25 =	simm.s32 $0x1B8E;
	s24 =	sld [smem:$0x3FFE];
	[sflag:s23] =	ssyncadd.s32 $0xFFFFFFFF  }
0xa6: {  	s26 =	simm.s32 $execute0_lowered;
	[smem:$0x3FD2] =	sst s25  }
0xa7: {  	s6 =	sshll.u32 s26, $0x1;
	_ =	strace $0x80000046;
	[dreg:$0x1] =	wrdreg $0xFFFFFFFF  }
0xa8: {  	s28 =	simm.s32 $_size_execute0_lowered;
	s4 =	sadd.s32 s4, s6;
	[dreg:$0x0] =	wrdreg $0x0  }
0xa9: {  	s6 =	sshll.u32 s28, $0x1;
	[dreg:$0x2] =	wrdreg s4  }
0xaa: {  	[dreg:$0x3] =	wrdreg s6  }
0xab: {  	[dreg:$0x4] =	wrdreg $0xC0  }
0xac: {  	_ =	task [dreg:s8], $0x5FFFF  }
0xad: {  	[dreg:$0x1] =	wrdreg $0xFFFFFFFF  }
0xae: {  	[dreg:$0x0] =	wrdreg $0x60  }
0xaf: {  	[dreg:$0x2] =	wrdreg s24  }
0xb0: {  	[dreg:$0x3] =	wrdreg s2  }
0xb1: {  	[dreg:$0x4] =	wrdreg s18  }
0xb2: {  	[dreg:$0x5] =	wrdreg $0x1B9000  }
0xb3: {  	[dreg:$0x6] =	wrdreg $0x1E1000  }
0xb4: {  	[dreg:$0x7] =	wrdreg $0x9  }
0xb5: {  	_ =	task.clear_ibuf [dreg:s8], $0x8FFFF;
	_ =	strace $0x90000046  }
0xb6: {  	s29 =	simm.s32 $0x9;
	_ =	strace $0x80000048  }
0xb7: {  	_ =	swait.ge [sflag:s29], $0x1  }
0xb8: {  	[sflag:s29] =	ssyncadd.s32 $0xFFFFFFFF  }
0xb9: {  	_ =	strace $0x90000048  }
0xba: {  	_ =	sfence  }
0xbb: {  	s30 =	sld [smem:$0x0];
	_ =	sdelay $0x2  }
0xbc: {  	s31 =	sshll.u32 s1, $0xD;
	s1 =	sshrl.u32 s1, $0x2  }
0xbd: {  	s3 =	sand.u32 $0x4000, s31;
	s1 =	sadd.s32 s1, s30  }
0xbe: {  	s0 =	sor.u32 s3, s0;
	s1 =	sshll.u32 s1, $0x11  }
0xbf: {  	s0 =	sor.u32 s1, s0  }
0xc0: {  	s0 =	sadd.s32 $0x8F2B, s0  }
0xc1: {  	[sflag:s0] =	ssyncadd.remote.s32 $0x1  }
0xc2: {  	_ =	sfence.sel $0xFFFF  }
0xc3: {  	[dreg:$0x0] =	wrdreg $0xFFFFFFFF;
	(pc) =	sbr.abs _section_cstart, $3  }
0xc4: {  	[dreg:$0x1] =	wrdreg $0xFFFFFFFF  }
0xc5: {  	_ =	task.clear_ibuf [dreg:s8], $0x2FFFF;
	_ =	strace $0x9FFFFFFF  }
0xc6: {  	(tm) =	ssettm $0x7FFFFFFF  }
0xc7: {  	_ =	shalt  }
tec
execute0_lowered:
.L_overlay_start_1:
0x0: {  	(tag) =	ssettag $0x1  }
0x1: {  	s0 =	rddreg [dreg:$0x0]  }
0x2: {  	s1 =	rddreg [dreg:$0x1]  }
0x3: {  	s2 =	rddreg [dreg:$0x2]  }
0x4: {  	s3 =	rddreg [dreg:$0x3];
	s4 =	srdreg.scid  }
0x5: {  	s11 =	rddreg [dreg:$0x4];
	s10 =	stileid.u32  }
0x6: {  	s12 =	simm.s32 $0x0;
	s4 =	sand.u32 $0x1, s4;
	s6 =	smul.u32 $0x500, s10  }
0x7: {  	[smem:$0x7FF] =	sst s12;
	s19 =	smul.u32 $0x9C, s10;
	s9 =	smin.u32 s10, $0x4  }
0x8: {  	p4 =	slt.u32 s10, $0x4;
	p0 =	sgt.u32 s10, $0x3;
	s26 =	smul.u32 $0x5000, s10  }
0x9: {  	s21 =	sshrl.u32 s10, $0x3;
	s25 =	sshll.u32 s10, $0x7;
	s16 =	smul.u32 $0x280, s10  }
0xa: {  	s5 =	smul.u32 $0xA00, s4;
	s7 =	sshll.u32 s4, $0x7;
	_ =	strace $0x80000047  }
0xb: {  	s17 =	sshll.u32 s4, $0x4;
	s8 =	ssub.s32 $0x2, s4;
	p1 =	seq.s32 s4, $0x0  }
0xc: {  	s22 =	smul.u32 $0x50000, s21;
	s6 =	sor.u32 s7, s6;
	s7 =	sadd.s32 s17, s0  }
0xd: {  	s18 =	sshrl.u32 s8, $0x1;
	p2 =	por !p1, !p4;
	p3 =	por !p1, !p0  }
0xe: {  	s29 =	sshrl.u32 s26, $0x2;
	s30 =	sadd.s32 s16, s11;
	s17 =	simm.s32 $0x80  }
0xf: {  	[dreg:$0x16] =	wrdreg s16;
	s5 =	sadd.s32 s5, s0;
	s6 =	sshrl.u32 s6, $0x3  }
0x10: {  	p1 =	por !p2, !p2;
	p2 =	por !p3, !p3;
	p3 =	seq.s32 s4, $0x1  }
0x11: {  	s28 =	sadd.s32 $0x3400, s7;
	[dreg:$0x1a] =	wrdreg s30;
	s4 =	simm.s32 $0x2800  }
0x12: {  	s0 =	sadd.s32 s6, s0;
	s6 =	ssub.s32 s8, s18;
	s8 =	sadd.s32 s9, s19  }
0x13: {  	s9 =	simm.s32 @!p2 $0x0;
	s23 =	sadd.s32 $0x2000, s5;
	[dreg:$0x17] =	wrdreg s28  }
0x14: {  	p4 =	por !p4, !p3;
	s24 =	sadd.s32 $0x2010, s5;
	[dreg:$0x14] =	wrdreg s23  }
0x15: {  	s18 =	simm.s32 $0x2;
	s9 =	simm.s32 @p2 $0x1;
	[dreg:$0x15] =	wrdreg s24  }
0x16: {  	s20 =	sshll.u32 s8, $0x5;
	s0 =	sadd.s32 $0x3600, s0;
	[smem:$0x7FD] =	sst s9  }
0x17: {  	s31 =	smax.u32 s6, $0x1;
	s1 =	sadd.s32 s1, s20;
	[dreg:$0x1b] =	wrdreg s0  }
0x18: {  	s2 =	sadd.s32 s2, s20;
	[dreg:$0x12] =	wrdreg s1;
	s1 =	sshrl.u32 s22, $0x2  }
0x19: {  	[dreg:$0x13] =	wrdreg s2;
	s2 =	sand.u32 $0x380, s25;
	s1 =	sadd.s32 s1, s3  }
0x1a: {  	s19 =	simm.s32 $0x13B80;
	[dreg:$0x1c] =	wrdreg s31;
	s1 =	sadd.s32 s2, s1  }
0x1b: {  	p4 =	por !p4, !p4;
	[dreg:$0x18] =	wrdreg s1;
	s1 =	sadd.s32 s29, s3  }
0x1c: {  	v0 =	vimm.f32 $0.0e+00;
	s3 =	simm.s32 $0x100;
	[dreg:$0x19] =	wrdreg s1;
	s1 =	simm.s32 $0x0  }
.LBB2_1:
.Ltmp0:
0x1d: {  	(pc) =	sbr.rel @!p1 .LBB2_3-.Ltmp0, $2  }
0x1e: {  	_ =	sdelay $0x2  }
0x1f: {  	[dreg:$0x1d] =	wrdreg s1  }
.Ltmp1:
0x20: {  	(pc) =	sbr.rel .LBB2_4-.Ltmp1, $3  }
0x21: {  	_ =	sdelay $0x1  }
0x22: {  	s0 =	rddreg [dreg:$0x12];
	s1 =	simm.s32 $0x5000;
	p5 =	por $0x0, $0x0  }
0x23: {  	[tilespmem:s1], [sflag:$0x1] =	stream.linear.gather [hbm4b:s0+s12], $0x9D00, $0x38;
	[tilespmem:$0x1E380] =	vst v63  }
.LBB2_3:
0x24: {  	s1 =	sld [smem:$0x7FD];
	_ =	sdelay $0x2  }
0x25: {  	p2 =	seq.s32 s1, $0x1  }
.Ltmp2:
0x26: {  	_ = 	snop;
	(pc) =	sbr.rel @p2 .LBB2_5-.Ltmp2, $2  }
0x27: {  	_ =	sdelay $0x2  }
0x28: {  	p6 =	por $0x1, $0x1;
	p5 =	por p0, p0;
	s0 =	rddreg [dreg:$0x12]  }
.LBB2_4:
0x29: {  	p6 =	por @p4 $0x1, $0x1  }
0x2a: {  	p6 =	por @!p4 p3, p3  }
0x2b: {  	p6 =	por !p6, !p5  }
0x2c: {  	p2 =	por !p6, !p6  }
.Ltmp3:
0x2d: {  	_ = 	snop;
	(pc) =	sbr.rel @!p2 .LBB2_6-.Ltmp3, $4  }
0x2e: {  	_ = 	snop  }
0x2f: {  	s0 =	simm.s32 @p4 $0x0;
	s1 =	simm.s32 @p4 $0x5000;
	s2 =	rddreg [dreg:$0x13]  }
0x30: {  	[tilespmem:s1], [sflag:$0x1] =	stream.linear.gather @p4 [hbm4b:s2+s0], $0x9D00, $0x38;
	[tilespmem:$0x1E380] =	vst v63  }
0x31: {  	s0 =	smov.u32 s2;
	p6 =	por p5, p5  }
.LBB2_5:
0x32: {  	s1 =	simm.s32 $0x5000;
	p5 =	por p6, p6  }
0x33: {  	[tilespmem:s1], [sflag:$0x1] =	stream.linear.gather [hbm4b:s0+s12], $0x9C00, $0x38;
	[tilespmem:$0x1E380] =	vst v63  }
.LBB2_6:
0x34: {  	s0 =	rddreg [dreg:$0x14]  }
0x35: {  	[tilespmem:s12], [sflag:$0x2] =	stream.strided.gather [hbm4b:s0+s17], $0x2800, s3, s17, $0x38;
	[tilespmem:$0x1E380] =	vst v63  }
0x36: {  	_ =	swait.ge [sflag:s18], $0x2800  }
0x37: {  	[sflag:s18] =	ssyncset.done $0x0  }
0x38: {  	s30 =	rddreg [dreg:$0x15];
	[sflag:s18] =	ssyncadd.s32 $0xFFFFD800  }
0x39: {  	[tilespmem:s4], [sflag:$0x2] =	stream.strided.gather [hbm4b:s30+s17], $0x2800, s3, s17, $0x38;
	[tilespmem:$0x1E380] =	vst v63  }
0x3a: {  	_ =	swait.ge [sflag:s18], $0x2800  }
0x3b: {  	[sflag:s18] =	ssyncset.done $0x0  }
0x3c: {  	s1 =	simm.s32 $0x18B80;
	s31 =	rddreg [dreg:$0x17];
	[sflag:s18] =	ssyncadd.s32 $0xFFFFD800  }
0x3d: {  	[tilespmem:s1], [sflag:$0x2] =	stream.linear.gather [hbm4b:s31+s12], $0x80, $0x38;
	[tilespmem:$0x1E380] =	vst v63  }
0x3e: {  	_ =	swait.ge [sflag:s18], $0x80  }
0x3f: {  	[sflag:s18] =	ssyncset.done $0x0  }
0x40: {  	s0 =	simm.s32 $0x13BC0;
	[sflag:s18] =	ssyncadd.s32 $0xFFFFFF80  }
0x41: {  	[tilespmem:s0+$0x30] =	vst v0  }
0x42: {  	[tilespmem:s0+$0xFFFFFFF0] =	vst v0  }
0x43: {  	[tilespmem:s0+$0xFFFFFFC0] =	vst v0  }
0x44: {  	[tilespmem:s0+$0xFFFFFFE0] =	vst v0  }
0x45: {  	[tilespmem:s0+$0x10] =	vst v0  }
0x46: {  	[tilespmem:s0+$0x20] =	vst v0  }
0x47: {  	[tilespmem:s0+$0x0] =	vst v0  }
0x48: {  	s1 =	simm.s32 $0x163C0;
	[tilespmem:s0+$0xFFFFFFD0] =	vst v0  }
0x49: {  	[tilespmem:s1+$0xFFFFFFC0] =	vst v0  }
0x4a: {  	[tilespmem:s1+$0x30] =	vst v0  }
0x4b: {  	[tilespmem:s1+$0x20] =	vst v0  }
0x4c: {  	[tilespmem:s1+$0x10] =	vst v0  }
0x4d: {  	[tilespmem:s1+$0xFFFFFFE0] =	vst v0  }
0x4e: {  	[tilespmem:s1+$0x0] =	vst v0  }
0x4f: {  	s2 =	simm.s32 $0x0;
	[tilespmem:s1+$0xFFFFFFF0] =	vst v0  }
.LBB2_7:
0x50: {  	s2 =	sadd.s32 $0x8, s2;
	[tilespmem:s1+$0xFFFFFFD0] =	vst v0;
	s0 =	sadd.s32 $0x80, s0;
	s1 =	sadd.s32 $0x80, s1  }
0x51: {  	[tilespmem:s0+$0x30] =	vst v0;
	p6 =	slt.u32 s2, $0x278  }
0x52: {  	[tilespmem:s0+$0xFFFFFFF0] =	vst v0  }
0x53: {  	[tilespmem:s0+$0xFFFFFFC0] =	vst v0  }
0x54: {  	[tilespmem:s1+$0xFFFFFFC0] =	vst v0  }
0x55: {  	[tilespmem:s1+$0x30] =	vst v0  }
0x56: {  	[tilespmem:s0+$0xFFFFFFE0] =	vst v0  }
0x57: {  	[tilespmem:s0+$0x10] =	vst v0  }
0x58: {  	[tilespmem:s0+$0x20] =	vst v0  }
0x59: {  	[tilespmem:s1+$0x20] =	vst v0  }
0x5a: {  	[tilespmem:s1+$0x10] =	vst v0  }
.Ltmp4:
0x5b: {  	[tilespmem:s1+$0xFFFFFFE0] =	vst v0;
	(pc) =	sbr.rel @p6 .LBB2_7-.Ltmp4, $4  }
0x5c: {  	[tilespmem:s0+$0x0] =	vst v0  }
0x5d: {  	[tilespmem:s1+$0x0] =	vst v0  }
0x5e: {  	[tilespmem:s1+$0xFFFFFFF0] =	vst v0  }
0x5f: {  	[tilespmem:s0+$0xFFFFFFD0] =	vst v0  }
0x60: {  	[tilespmem:s1+$0xFFFFFFD0] =	vst v0;
	s0 =	simm.s32 @!p0 $0x1  }
0x61: {  	_ =	swait.ge @!p0 [sflag:s0], $0x9D00  }
0x62: {  	[sflag:s0] =	ssyncset.done @!p0 $0x0  }
0x63: {  	[sflag:s0] =	ssyncadd.s32 @!p0 $0xFFFF6300;
	s0 =	simm.s32 @p5 $0x1  }
0x64: {  	_ =	swait.ge @p5 [sflag:s0], $0x9C00  }
0x65: {  	[sflag:s0] =	ssyncset.done @p5 $0x0  }
.Ltmp5:
0x66: {  	[sflag:s0] =	ssyncadd.s32 @p5 $0xFFFF6400;
	(pc) =	sbr.rel @p0 .LBB2_12-.Ltmp5, $1  }
0x67: {  	v1 =	vld [tilespmem:$0x18B80];
	_ =	sdelay $0x3  }
0x68: {  	s0 =	simm.s32 $0x5080  }
0x69: {  	v10 =	vld [tilespmem:s0+$0xFFFFFF90]  }
0x6a: {  	v5 =	vld [tilespmem:s0+$0x0]  }
0x6b: {  	v9 =	vld [tilespmem:s0+$0x70]  }
0x6c: {  	v11 =	vld [tilespmem:s0+$0xFFFFFFF0]  }
0x6d: {  	v3 =	vld [tilespmem:s0+$0x40]  }
0x6e: {  	v6 =	vld [tilespmem:s0+$0x30]  }
0x6f: {  	v2 =	vld [tilespmem:s0+$0x60]  }
0x70: {  	v12 =	vld [tilespmem:s0+$0xFFFFFFB0]  }
0x71: {  	v8 =	vld [tilespmem:s0+$0x50]  }
0x72: {  	v13 =	vld [tilespmem:s0+$0xFFFFFF80]  }
0x73: {  	v7 =	vld [tilespmem:s0+$0x10]  }
0x74: {  	v14 =	vld [tilespmem:s0+$0xFFFFFFE0]  }
0x75: {  	v15 =	vld.idx.msk [tilespmem:v9+s4+$0x0], $0xffff  }
0x76: {  	v16 =	vld.idx.msk [tilespmem:v11+s12+$0x0], $0xffff  }
0x77: {  	v19 =	vld [tilespmem:s0+$0xFFFFFFC0]  }
0x78: {  	v4 =	vld [tilespmem:s0+$0x20]  }
0x79: {  	v17 =	vld [tilespmem:s0+$0xFFFFFFD0]  }
0x7a: {  	v20 =	vld.idx.msk [tilespmem:v5+s4+$0x0], $0xffff  }
0x7b: {  	v13 =	vld.idx.msk [tilespmem:v13+s12+$0x0], $0xffff;
	v18 =	vadd.f32 v15, v16  }
0x7c: {  	v26 =	vld [tilespmem:s0+$0xFFFFFFA0]  }
0x7d: {  	v21 =	vld.idx.msk [tilespmem:v6+s4+$0x0], $0xffff;
	v15 =	vadd.f32 v15, v1;
	v23 =	vmul.f32 $2.000000030e-01, v18  }
0x7e: {  	v22 =	vld.idx.msk [tilespmem:v12+s12+$0x0], $0xffff  }
0x7f: {  	v11 =	vld.idx.msk [tilespmem:v3+s4+$0x0], $0xffff;
	v15 =	vmax.f32 v15, $0.0e+00;
	v23 =	vmax.f32 v18, v23  }
0x80: {  	v12 =	vld.idx.msk [tilespmem:v4+s4+$0x0], $0xffff;
	v24 =	vadd.f32 v20, v13;
	v13 =	vsub.f32 v23, v15  }
0x81: {  	v19 =	vld.idx.msk [tilespmem:v19+s12+$0x0], $0xffff  }
0x82: {  	v16 =	vld.idx.msk [tilespmem:v7+s4+$0x0], $0xffff;
	v23 =	vmul.f32 $1.442695020e+00, v13  }
0x83: {  	v18 =	vld.idx.msk [tilespmem:v17+s12+$0x0], $0xffff;
	v15 =	vadd.f32 v21, v22  }
0x84: {  	v20 =	vadd.f32 v20, v1;
	v17 =	vld.idx.msk [tilespmem:v8+s4+$0x0], $0xffff;
	v22 =	vmul.f32 $2.000000030e-01, v24;
	(erf) = vpow2.f32 v23  }
0x85: {  	v14 =	vld.idx.msk [tilespmem:v14+s12+$0x0], $0xffff;
	v25 =	vmul.f32 $2.000000030e-01, v15  }
0x86: {  	v27 =	vadd.f32 v21, v1;
	v20 =	vmax.f32 v20, $0.0e+00;
	v21 =	vld.idx.msk [tilespmem:v10+s12+$0x0], $0xffff;
	v10 =	vmax.f32 v24, v22  }
0x87: {  	s1 =	simm.s32 $0xED40;
	v24 =	vsub.f32 v10, v20;
	v20 =	vld.idx.msk [tilespmem:v26+s12+$0x0], $0xffff;
	v23 =	vmax.f32 v15, v25;
	v25 =	vadd.f32 v11, v1  }
0x88: {  	s2 =	simm.s32 $0x0;
	s6 =	simm.s32 $0x5180;
	s0 =	simm.s32 $0xED40;
	v13 =	vadd.f32 v12, v1;
	v22 =	vadd.f32 v16, v1;
	v26 =	vmax.f32 v27, $0.0e+00;
	v15 =	vld.idx.msk [tilespmem:v2+s4+$0x0], $0xffff  }
.LBB2_10:
0x89: {  	v10 =	vld [tilespmem:s6+$0xFFFFFF90];
	s2 =	sadd.s32 $0x8, s2;
	v24 =	vmul.f32 $1.442695020e+00, v24;
	v25 =	vmax.f32 v25, $0.0e+00;
	v18 =	vadd.f32 v17, v18;
	s1 =	sadd.s32 $0x80, s1  }
0x8a: {  	v23 =	vsub.f32 v23, v26;
	v11 =	vadd.f32 v11, v19;
	v27 =	vld [tilespmem:s6+$0x0];
	p6 =	slt.u32 s2, $0x4E0  }
0x8b: {  	v17 =	vadd.f32 v17, v1;
	v16 =	vadd.f32 v16, v21;
	v19 =	vld [tilespmem:s6+$0x70];
	v30 =	vmul.f32 $2.000000030e-01, v18  }
0x8c: {  	v22 =	vmax.f32 v22, $0.0e+00;
	v23 =	vmul.f32 $1.442695020e+00, v23;
	v26 =	vld [tilespmem:s6+$0xFFFFFFF0]  }
0x8d: {  	v17 =	vmax.f32 v17, $0.0e+00;
	v29 =	vmul.f32 $2.000000030e-01, v16;
	v28 =	vld [tilespmem:s6+$0x40];
	v18 =	vmax.f32 v18, v30;
	v21 =	vpop (erf)  }
0x8e: {  	v12 =	vadd.f32 v12, v20;
	v30 =	vld [tilespmem:s6+$0x30];
	v17 =	vsub.f32 v18, v17;
	[tilespmem:s0+$0x30] =	vst v21;
	(erf) = vpow2.f32 v23  }
0x8f: {  	v16 =	vmax.f32 v16, v29;
	v18 =	vmul.f32 $2.000000030e-01, v11;
	[tilespmem:v9+s19+$0x0] =	vst.idx.add.f32.msk $0xffff, v21;
	(erf) = vpow2.f32 v24  }
0x90: {  	v16 =	vsub.f32 v16, v22;
	v21 =	vmul.f32 $2.000000030e-01, v12;
	v20 =	vld [tilespmem:s6+$0x60];
	v17 =	vmul.f32 $1.442695020e+00, v17;
	v9 =	vmovc v19  }
0x91: {  	v14 =	vadd.f32 v15, v14;
	v15 =	vadd.f32 v15, v1;
	v11 =	vmax.f32 v11, v18;
	v19 =	vld [tilespmem:s6+$0xFFFFFFB0]  }
0x92: {  	v16 =	vmul.f32 $1.442695020e+00, v16;
	v11 =	vsub.f32 v11, v25;
	v18 =	vld [tilespmem:s6+$0x50];
	(erf) = vpow2.f32 v17  }
0x93: {  	v13 =	vmax.f32 v13, $0.0e+00;
	v12 =	vmax.f32 v12, v21;
	v21 =	vmul.f32 $2.000000030e-01, v14;
	v17 =	vld [tilespmem:s6+$0xFFFFFF80]  }
0x94: {  	v12 =	vsub.f32 v12, v13;
	v11 =	vmul.f32 $1.442695020e+00, v11;
	v22 =	vld [tilespmem:s6+$0x10]  }
0x95: {  	v13 =	vmax.f32 v14, v21;
	v14 =	vmax.f32 v15, $0.0e+00;
	v29 =	vld [tilespmem:s6+$0xFFFFFFE0]  }
0x96: {  	v12 =	vmul.f32 $1.442695020e+00, v12;
	v13 =	vsub.f32 v13, v14;
	v15 =	vld.idx.msk [tilespmem:v9+s4+$0x0], $0xffff;
	(erf) = vpow2.f32 v16  }
0x97: {  	v14 =	vld [tilespmem:s6+$0xFFFFFFC0];
	v16 =	vpop (erf)  }
0x98: {  	v13 =	vmul.f32 $1.442695020e+00, v13;
	v21 =	vld.idx.msk [tilespmem:v26+s12+$0x0], $0xffff;
	v23 =	vpop (erf);
	(erf) = vpow2.f32 v11  }
0x99: {  	v24 =	vld [tilespmem:s6+$0x20];
	[tilespmem:s0+$0xFFFFFFF0] =	vst v16  }
0x9a: {  	v25 =	vld.idx.msk [tilespmem:v27+s4+$0x0], $0xffff;
	[tilespmem:s0+$0xFFFFFFC0] =	vst v23  }
0x9b: {  	[tilespmem:v5+s19+$0x0] =	vst.idx.add.f32.msk $0xffff, v23;
	(erf) = vpow2.f32 v12;
	v12 =	vpop (erf);
	v5 =	vmov v27  }
0x9c: {  	v23 =	vld [tilespmem:s6+$0xFFFFFFD0];
	[tilespmem:s0+$0x10] =	vst v12;
	(erf) = vpow2.f32 v13  }
0x9d: {  	v13 =	vadd.f32 v15, v1;
	[tilespmem:v6+s19+$0x0] =	vst.idx.add.f32.msk $0xffff, v16;
	v6 =	vmov v30  }
0x9e: {  	v11 =	vld.idx.msk [tilespmem:v28+s4+$0x0], $0xffff  }
0x9f: {  	v16 =	vld.idx.msk [tilespmem:v17+s12+$0x0], $0xffff;
	v17 =	vpop (erf)  }
0xa0: {  	v26 =	vld.idx.msk [tilespmem:v30+s4+$0x0], $0xffff;
	[tilespmem:s0+$0xFFFFFFD0] =	vst v17  }
0xa1: {  	[tilespmem:v8+s19+$0x0] =	vst.idx.add.f32.msk $0xffff, v12;
	v12 =	vpop (erf);
	v8 =	vmov v18  }
0xa2: {  	v15 =	vadd.f32 v15, v21;
	[tilespmem:v7+s19+$0x0] =	vst.idx.add.f32.msk $0xffff, v17;
	v7 =	vmov v22  }
0xa3: {  	v17 =	vld.idx.msk [tilespmem:v19+s12+$0x0], $0xffff;
	[tilespmem:s0+$0x0] =	vst v12  }
0xa4: {  	v18 =	vmul.f32 $2.000000030e-01, v15;
	[tilespmem:v3+s19+$0x0] =	vst.idx.add.f32.msk $0xffff, v12;
	v19 =	vpop (erf);
	v3 =	vmov v28  }
0xa5: {  	v12 =	vld.idx.msk [tilespmem:v24+s4+$0x0], $0xffff;
	[tilespmem:s0+$0xFFFFFFE0] =	vst v19;
	v21 =	vpop (erf)  }
0xa6: {  	v13 =	vmax.f32 v13, $0.0e+00;
	v15 =	vmax.f32 v15, v18;
	v27 =	vld [tilespmem:s6+$0xFFFFFFA0];
	[tilespmem:s0+$0x20] =	vst v21;
	s0 =	smov.u32 s1  }
0xa7: {  	v13 =	vsub.f32 v15, v13;
	[tilespmem:v4+s19+$0x0] =	vst.idx.add.f32.msk $0xffff, v19;
	v4 =	vmov v24  }
0xa8: {  	v15 =	vadd.f32 v25, v16;
	[tilespmem:v2+s19+$0x0] =	vst.idx.add.f32.msk $0xffff, v21;
	v2 =	vmov v20  }
0xa9: {  	v20 =	vadd.f32 v26, v17;
	v21 =	vmul.f32 $1.442695020e+00, v13;
	v16 =	vld.idx.msk [tilespmem:v22+s4+$0x0], $0xffff  }
0xaa: {  	v19 =	vmul.f32 $2.000000030e-01, v15;
	v26 =	vadd.f32 v26, v1;
	v22 =	vadd.f32 v25, v1;
	v18 =	vld.idx.msk [tilespmem:v23+s12+$0x0], $0xffff  }
0xab: {  	v13 =	vadd.f32 v12, v1;
	v23 =	vmul.f32 $2.000000030e-01, v20;
	v17 =	vld.idx.msk [tilespmem:v8+s4+$0x0], $0xffff  }
.Ltmp6:
0xac: {  	v15 =	vmax.f32 v15, v19;
	v19 =	vld.idx.msk [tilespmem:v14+s12+$0x0], $0xffff;
	(erf) = vpow2.f32 v21;
	(pc) =	sbr.rel @p6 .LBB2_10-.Ltmp6, $4  }
0xad: {  	v14 =	vmax.f32 v22, $0.0e+00;
	v23 =	vmax.f32 v20, v23;
	v21 =	vld.idx.msk [tilespmem:v10+s12+$0x0], $0xffff  }
0xae: {  	v25 =	vadd.f32 v11, v1;
	v24 =	vsub.f32 v15, v14;
	v14 =	vld.idx.msk [tilespmem:v29+s12+$0x0], $0xffff  }
0xaf: {  	v22 =	vadd.f32 v16, v1;
	v15 =	vld.idx.msk [tilespmem:v2+s4+$0x0], $0xffff  }
0xb0: {  	s6 =	sadd.s32 $0x100, s6;
	v26 =	vmax.f32 v26, $0.0e+00;
	v20 =	vld.idx.msk [tilespmem:v27+s12+$0x0], $0xffff  }
0xb1: {  	v10 =	vadd.f32 v17, v18;
	v41 =	vmul.f32 $1.442695020e+00, v24;
	v23 =	vsub.f32 v23, v26  }
0xb2: {  	v42 =	vmax.f32 v25, $0.0e+00;
	v44 =	vadd.f32 v17, v1;
	v16 =	vadd.f32 v16, v21  }
0xb3: {  	v11 =	vadd.f32 v11, v19;
	v45 =	vmax.f32 v22, $0.0e+00;
	v43 =	vmul.f32 $2.000000030e-01, v10  }
0xb4: {  	v52 =	vmax.f32 v13, $0.0e+00;
	v46 =	vmul.f32 $1.442695020e+00, v23;
	v47 =	vmul.f32 $2.000000030e-01, v16  }
0xb5: {  	v17 =	vmax.f32 v44, $0.0e+00;
	v48 =	vmul.f32 $2.000000030e-01, v11;
	v10 =	vmax.f32 v10, v43  }
0xb6: {  	(erf) = vpow2.f32 v46;
	v10 =	vsub.f32 v10, v17;
	v16 =	vmax.f32 v16, v47  }
0xb7: {  	v12 =	vadd.f32 v12, v20;
	(erf) = vpow2.f32 v41;
	v16 =	vsub.f32 v16, v45  }
0xb8: {  	v14 =	vadd.f32 v15, v14;
	v50 =	vadd.f32 v15, v1;
	v10 =	vmul.f32 $1.442695020e+00, v10  }
0xb9: {  	v11 =	vmax.f32 v11, v48;
	v49 =	vmul.f32 $2.000000030e-01, v12;
	v16 =	vmul.f32 $1.442695020e+00, v16  }
0xba: {  	v11 =	vsub.f32 v11, v42;
	v53 =	vmul.f32 $2.000000030e-01, v14;
	(erf) = vpow2.f32 v10  }
0xbb: {  	v55 =	vmax.f32 v50, $0.0e+00;
	v51 =	vmax.f32 v12, v49;
	(erf) = vpow2.f32 v16  }
0xbc: {  	v11 =	vmul.f32 $1.442695020e+00, v11;
	v54 =	vmax.f32 v14, v53;
	v10 =	vsub.f32 v51, v52  }
0xbd: {  	v56 =	vpop (erf);
	v12 =	vsub.f32 v54, v55  }
0xbe: {  	[tilespmem:s0+$0x30] =	vst v56;
	v10 =	vmul.f32 $1.442695020e+00, v10;
	(erf) = vpow2.f32 v11  }
0xbf: {  	[tilespmem:v9+s19+$0x0] =	vst.idx.add.f32.msk $0xffff, v56;
	v58 =	vmul.f32 $1.442695020e+00, v12;
	v57 =	vpop (erf)  }
0xc0: {  	(erf) = vpow2.f32 v10;
	v59 =	vpop (erf);
	[tilespmem:s0+$0xFFFFFFF0] =	vst v57  }
0xc1: {  	(erf) = vpow2.f32 v58;
	[tilespmem:s0+$0xFFFFFFC0] =	vst v59  }
0xc2: {  	[tilespmem:v6+s19+$0x0] =	vst.idx.add.f32.msk $0xffff, v57  }
0xc3: {  	[tilespmem:v5+s19+$0x0] =	vst.idx.add.f32.msk $0xffff, v59;
	v60 =	vpop (erf)  }
0xc4: {  	[tilespmem:s0+$0x10] =	vst v60;
	v61 =	vpop (erf)  }
0xc5: {  	[tilespmem:s0+$0xFFFFFFD0] =	vst v61  }
0xc6: {  	[tilespmem:v8+s19+$0x0] =	vst.idx.add.f32.msk $0xffff, v60  }
0xc7: {  	v62 =	vpop (erf);
	[tilespmem:v7+s19+$0x0] =	vst.idx.add.f32.msk $0xffff, v61  }
0xc8: {  	[tilespmem:s0+$0x0] =	vst v62  }
0xc9: {  	[tilespmem:v3+s19+$0x0] =	vst.idx.add.f32.msk $0xffff, v62;
	v3 =	vpop (erf)  }
0xca: {  	[tilespmem:s0+$0xFFFFFFE0] =	vst v3;
	v63 =	vpop (erf)  }
0xcb: {  	[tilespmem:s0+$0x20] =	vst v63  }
0xcc: {  	[tilespmem:v4+s19+$0x0] =	vst.idx.add.f32.msk $0xffff, v3  }
0xcd: {  	[tilespmem:v2+s19+$0x0] =	vst.idx.add.f32.msk $0xffff, v63  }
.LBB2_12:
.Ltmp7:
0xce: {  	(pc) =	sbr.rel @!p5 .LBB2_16-.Ltmp7, $1  }
0xcf: {  	_ =	sdelay $0x3  }
0xd0: {  	s0 =	simm.s32 $0x5080  }
0xd1: {  	v10 =	vld [tilespmem:s0+$0xFFFFFF90]  }
0xd2: {  	v5 =	vld [tilespmem:s0+$0x0]  }
0xd3: {  	v9 =	vld [tilespmem:s0+$0x70]  }
0xd4: {  	v11 =	vld [tilespmem:s0+$0xFFFFFFF0]  }
0xd5: {  	v3 =	vld [tilespmem:s0+$0x40]  }
0xd6: {  	v6 =	vld [tilespmem:s0+$0x30]  }
0xd7: {  	v2 =	vld [tilespmem:s0+$0x60]  }
0xd8: {  	v12 =	vld [tilespmem:s0+$0xFFFFFFB0]  }
0xd9: {  	v8 =	vld [tilespmem:s0+$0x50]  }
0xda: {  	v13 =	vld [tilespmem:s0+$0xFFFFFF80]  }
0xdb: {  	v7 =	vld [tilespmem:s0+$0x10]  }
0xdc: {  	v14 =	vld [tilespmem:s0+$0xFFFFFFE0]  }
0xdd: {  	v15 =	vld.idx.msk [tilespmem:v9+s4+$0x0], $0xffff  }
0xde: {  	v16 =	vld.idx.msk [tilespmem:v11+s12+$0x0], $0xffff  }
0xdf: {  	v19 =	vld [tilespmem:s0+$0xFFFFFFC0]  }
0xe0: {  	v4 =	vld [tilespmem:s0+$0x20]  }
0xe1: {  	v17 =	vld [tilespmem:s0+$0xFFFFFFD0]  }
0xe2: {  	v20 =	vld.idx.msk [tilespmem:v5+s4+$0x0], $0xffff  }
0xe3: {  	v13 =	vld.idx.msk [tilespmem:v13+s12+$0x0], $0xffff;
	v18 =	vadd.f32 v15, v16  }
0xe4: {  	v26 =	vld [tilespmem:s0+$0xFFFFFFA0]  }
0xe5: {  	v21 =	vld.idx.msk [tilespmem:v6+s4+$0x0], $0xffff;
	v15 =	vadd.f32 v15, v1;
	v23 =	vmul.f32 $2.000000030e-01, v18  }
0xe6: {  	v22 =	vld.idx.msk [tilespmem:v12+s12+$0x0], $0xffff  }
0xe7: {  	v11 =	vld.idx.msk [tilespmem:v3+s4+$0x0], $0xffff;
	v15 =	vmax.f32 v15, $0.0e+00;
	v23 =	vmax.f32 v18, v23  }
0xe8: {  	v12 =	vld.idx.msk [tilespmem:v4+s4+$0x0], $0xffff;
	v24 =	vadd.f32 v20, v13;
	v13 =	vsub.f32 v23, v15  }
0xe9: {  	v19 =	vld.idx.msk [tilespmem:v19+s12+$0x0], $0xffff  }
0xea: {  	v16 =	vld.idx.msk [tilespmem:v7+s4+$0x0], $0xffff;
	v23 =	vmul.f32 $1.442695020e+00, v13  }
0xeb: {  	v18 =	vld.idx.msk [tilespmem:v17+s12+$0x0], $0xffff;
	v15 =	vadd.f32 v21, v22  }
0xec: {  	v20 =	vadd.f32 v20, v1;
	v17 =	vld.idx.msk [tilespmem:v8+s4+$0x0], $0xffff;
	v22 =	vmul.f32 $2.000000030e-01, v24;
	(erf) = vpow2.f32 v23  }
0xed: {  	v14 =	vld.idx.msk [tilespmem:v14+s12+$0x0], $0xffff;
	v25 =	vmul.f32 $2.000000030e-01, v15  }
0xee: {  	v27 =	vadd.f32 v21, v1;
	v20 =	vmax.f32 v20, $0.0e+00;
	v21 =	vld.idx.msk [tilespmem:v10+s12+$0x0], $0xffff;
	v10 =	vmax.f32 v24, v22  }
0xef: {  	s1 =	simm.s32 $0xED40;
	v24 =	vsub.f32 v10, v20;
	v20 =	vld.idx.msk [tilespmem:v26+s12+$0x0], $0xffff;
	v23 =	vmax.f32 v15, v25;
	v25 =	vadd.f32 v11, v1  }
0xf0: {  	s2 =	simm.s32 $0x0;
	s6 =	simm.s32 $0x5180;
	s0 =	simm.s32 $0xED40;
	v13 =	vadd.f32 v12, v1;
	v22 =	vadd.f32 v16, v1;
	v26 =	vmax.f32 v27, $0.0e+00;
	v15 =	vld.idx.msk [tilespmem:v2+s4+$0x0], $0xffff  }
.LBB2_14:
0xf1: {  	v10 =	vld [tilespmem:s6+$0xFFFFFF90];
	s2 =	sadd.s32 $0x8, s2;
	v24 =	vmul.f32 $1.442695020e+00, v24;
	v25 =	vmax.f32 v25, $0.0e+00;
	v18 =	vadd.f32 v17, v18;
	s1 =	sadd.s32 $0x80, s1  }
0xf2: {  	v23 =	vsub.f32 v23, v26;
	v11 =	vadd.f32 v11, v19;
	v27 =	vld [tilespmem:s6+$0x0];
	p6 =	slt.u32 s2, $0x4D8  }
0xf3: {  	v17 =	vadd.f32 v17, v1;
	v16 =	vadd.f32 v16, v21;
	v19 =	vld [tilespmem:s6+$0x70];
	v30 =	vmul.f32 $2.000000030e-01, v18  }
0xf4: {  	v22 =	vmax.f32 v22, $0.0e+00;
	v23 =	vmul.f32 $1.442695020e+00, v23;
	v26 =	vld [tilespmem:s6+$0xFFFFFFF0]  }
0xf5: {  	v17 =	vmax.f32 v17, $0.0e+00;
	v29 =	vmul.f32 $2.000000030e-01, v16;
	v28 =	vld [tilespmem:s6+$0x40];
	v18 =	vmax.f32 v18, v30;
	v21 =	vpop (erf)  }
0xf6: {  	v12 =	vadd.f32 v12, v20;
	v30 =	vld [tilespmem:s6+$0x30];
	v17 =	vsub.f32 v18, v17;
	[tilespmem:s0+$0x30] =	vst v21;
	(erf) = vpow2.f32 v23  }
0xf7: {  	v16 =	vmax.f32 v16, v29;
	v18 =	vmul.f32 $2.000000030e-01, v11;
	[tilespmem:v9+s19+$0x0] =	vst.idx.add.f32.msk $0xffff, v21;
	(erf) = vpow2.f32 v24  }
0xf8: {  	v16 =	vsub.f32 v16, v22;
	v21 =	vmul.f32 $2.000000030e-01, v12;
	v20 =	vld [tilespmem:s6+$0x60];
	v17 =	vmul.f32 $1.442695020e+00, v17;
	v9 =	vmovc v19  }
0xf9: {  	v14 =	vadd.f32 v15, v14;
	v15 =	vadd.f32 v15, v1;
	v11 =	vmax.f32 v11, v18;
	v19 =	vld [tilespmem:s6+$0xFFFFFFB0]  }
0xfa: {  	v16 =	vmul.f32 $1.442695020e+00, v16;
	v11 =	vsub.f32 v11, v25;
	v18 =	vld [tilespmem:s6+$0x50];
	(erf) = vpow2.f32 v17  }
0xfb: {  	v13 =	vmax.f32 v13, $0.0e+00;
	v12 =	vmax.f32 v12, v21;
	v21 =	vmul.f32 $2.000000030e-01, v14;
	v17 =	vld [tilespmem:s6+$0xFFFFFF80]  }
0xfc: {  	v12 =	vsub.f32 v12, v13;
	v11 =	vmul.f32 $1.442695020e+00, v11;
	v22 =	vld [tilespmem:s6+$0x10]  }
0xfd: {  	v13 =	vmax.f32 v14, v21;
	v14 =	vmax.f32 v15, $0.0e+00;
	v29 =	vld [tilespmem:s6+$0xFFFFFFE0]  }
0xfe: {  	v12 =	vmul.f32 $1.442695020e+00, v12;
	v13 =	vsub.f32 v13, v14;
	v15 =	vld.idx.msk [tilespmem:v9+s4+$0x0], $0xffff;
	(erf) = vpow2.f32 v16  }
0xff: {  	v14 =	vld [tilespmem:s6+$0xFFFFFFC0];
	v16 =	vpop (erf)  }
0x100: {  	v13 =	vmul.f32 $1.442695020e+00, v13;
	v21 =	vld.idx.msk [tilespmem:v26+s12+$0x0], $0xffff;
	v23 =	vpop (erf);
	(erf) = vpow2.f32 v11  }
0x101: {  	v24 =	vld [tilespmem:s6+$0x20];
	[tilespmem:s0+$0xFFFFFFF0] =	vst v16  }
0x102: {  	v25 =	vld.idx.msk [tilespmem:v27+s4+$0x0], $0xffff;
	[tilespmem:s0+$0xFFFFFFC0] =	vst v23  }
0x103: {  	[tilespmem:v5+s19+$0x0] =	vst.idx.add.f32.msk $0xffff, v23;
	(erf) = vpow2.f32 v12;
	v12 =	vpop (erf);
	v5 =	vmov v27  }
0x104: {  	v23 =	vld [tilespmem:s6+$0xFFFFFFD0];
	[tilespmem:s0+$0x10] =	vst v12;
	(erf) = vpow2.f32 v13  }
0x105: {  	v13 =	vadd.f32 v15, v1;
	[tilespmem:v6+s19+$0x0] =	vst.idx.add.f32.msk $0xffff, v16;
	v6 =	vmov v30  }
0x106: {  	v11 =	vld.idx.msk [tilespmem:v28+s4+$0x0], $0xffff  }
0x107: {  	v16 =	vld.idx.msk [tilespmem:v17+s12+$0x0], $0xffff;
	v17 =	vpop (erf)  }
0x108: {  	v26 =	vld.idx.msk [tilespmem:v30+s4+$0x0], $0xffff;
	[tilespmem:s0+$0xFFFFFFD0] =	vst v17  }
0x109: {  	[tilespmem:v8+s19+$0x0] =	vst.idx.add.f32.msk $0xffff, v12;
	v12 =	vpop (erf);
	v8 =	vmov v18  }
0x10a: {  	v15 =	vadd.f32 v15, v21;
	[tilespmem:v7+s19+$0x0] =	vst.idx.add.f32.msk $0xffff, v17;
	v7 =	vmov v22  }
0x10b: {  	v17 =	vld.idx.msk [tilespmem:v19+s12+$0x0], $0xffff;
	[tilespmem:s0+$0x0] =	vst v12  }
0x10c: {  	v18 =	vmul.f32 $2.000000030e-01, v15;
	[tilespmem:v3+s19+$0x0] =	vst.idx.add.f32.msk $0xffff, v12;
	v19 =	vpop (erf);
	v3 =	vmov v28  }
0x10d: {  	v12 =	vld.idx.msk [tilespmem:v24+s4+$0x0], $0xffff;
	[tilespmem:s0+$0xFFFFFFE0] =	vst v19;
	v21 =	vpop (erf)  }
0x10e: {  	v13 =	vmax.f32 v13, $0.0e+00;
	v15 =	vmax.f32 v15, v18;
	v27 =	vld [tilespmem:s6+$0xFFFFFFA0];
	[tilespmem:s0+$0x20] =	vst v21;
	s0 =	smov.u32 s1  }
0x10f: {  	v13 =	vsub.f32 v15, v13;
	[tilespmem:v4+s19+$0x0] =	vst.idx.add.f32.msk $0xffff, v19;
	v4 =	vmov v24  }
0x110: {  	v15 =	vadd.f32 v25, v16;
	[tilespmem:v2+s19+$0x0] =	vst.idx.add.f32.msk $0xffff, v21;
	v2 =	vmov v20  }
0x111: {  	v20 =	vadd.f32 v26, v17;
	v21 =	vmul.f32 $1.442695020e+00, v13;
	v16 =	vld.idx.msk [tilespmem:v22+s4+$0x0], $0xffff  }
0x112: {  	v19 =	vmul.f32 $2.000000030e-01, v15;
	v26 =	vadd.f32 v26, v1;
	v22 =	vadd.f32 v25, v1;
	v18 =	vld.idx.msk [tilespmem:v23+s12+$0x0], $0xffff  }
0x113: {  	v13 =	vadd.f32 v12, v1;
	v23 =	vmul.f32 $2.000000030e-01, v20;
	v17 =	vld.idx.msk [tilespmem:v8+s4+$0x0], $0xffff  }
.Ltmp8:
0x114: {  	v15 =	vmax.f32 v15, v19;
	v19 =	vld.idx.msk [tilespmem:v14+s12+$0x0], $0xffff;
	(erf) = vpow2.f32 v21;
	(pc) =	sbr.rel @p6 .LBB2_14-.Ltmp8, $4  }
0x115: {  	v14 =	vmax.f32 v22, $0.0e+00;
	v23 =	vmax.f32 v20, v23;
	v21 =	vld.idx.msk [tilespmem:v10+s12+$0x0], $0xffff  }
0x116: {  	v25 =	vadd.f32 v11, v1;
	v24 =	vsub.f32 v15, v14;
	v14 =	vld.idx.msk [tilespmem:v29+s12+$0x0], $0xffff  }
0x117: {  	v22 =	vadd.f32 v16, v1;
	v15 =	vld.idx.msk [tilespmem:v2+s4+$0x0], $0xffff  }
0x118: {  	s6 =	sadd.s32 $0x100, s6;
	v26 =	vmax.f32 v26, $0.0e+00;
	v20 =	vld.idx.msk [tilespmem:v27+s12+$0x0], $0xffff  }
0x119: {  	v10 =	vadd.f32 v17, v18;
	v41 =	vmul.f32 $1.442695020e+00, v24;
	v23 =	vsub.f32 v23, v26  }
0x11a: {  	v42 =	vmax.f32 v25, $0.0e+00;
	v44 =	vadd.f32 v17, v1;
	v16 =	vadd.f32 v16, v21  }
0x11b: {  	v11 =	vadd.f32 v11, v19;
	v45 =	vmax.f32 v22, $0.0e+00;
	v43 =	vmul.f32 $2.000000030e-01, v10  }
0x11c: {  	v52 =	vmax.f32 v13, $0.0e+00;
	v46 =	vmul.f32 $1.442695020e+00, v23;
	v47 =	vmul.f32 $2.000000030e-01, v16  }
0x11d: {  	v17 =	vmax.f32 v44, $0.0e+00;
	v48 =	vmul.f32 $2.000000030e-01, v11;
	v10 =	vmax.f32 v10, v43  }
0x11e: {  	(erf) = vpow2.f32 v46;
	v10 =	vsub.f32 v10, v17;
	v16 =	vmax.f32 v16, v47  }
0x11f: {  	v12 =	vadd.f32 v12, v20;
	(erf) = vpow2.f32 v41;
	v16 =	vsub.f32 v16, v45  }
0x120: {  	v14 =	vadd.f32 v15, v14;
	v50 =	vadd.f32 v15, v1;
	v10 =	vmul.f32 $1.442695020e+00, v10  }
0x121: {  	v11 =	vmax.f32 v11, v48;
	v49 =	vmul.f32 $2.000000030e-01, v12;
	v16 =	vmul.f32 $1.442695020e+00, v16  }
0x122: {  	v11 =	vsub.f32 v11, v42;
	v53 =	vmul.f32 $2.000000030e-01, v14;
	(erf) = vpow2.f32 v10  }
0x123: {  	v55 =	vmax.f32 v50, $0.0e+00;
	v51 =	vmax.f32 v12, v49;
	(erf) = vpow2.f32 v16  }
0x124: {  	v11 =	vmul.f32 $1.442695020e+00, v11;
	v54 =	vmax.f32 v14, v53;
	v10 =	vsub.f32 v51, v52  }
0x125: {  	v56 =	vpop (erf);
	v12 =	vsub.f32 v54, v55  }
0x126: {  	[tilespmem:s0+$0x30] =	vst v56;
	v10 =	vmul.f32 $1.442695020e+00, v10;
	(erf) = vpow2.f32 v11  }
0x127: {  	[tilespmem:v9+s19+$0x0] =	vst.idx.add.f32.msk $0xffff, v56;
	v58 =	vmul.f32 $1.442695020e+00, v12;
	v57 =	vpop (erf)  }
0x128: {  	(erf) = vpow2.f32 v10;
	v59 =	vpop (erf);
	[tilespmem:s0+$0xFFFFFFF0] =	vst v57  }
0x129: {  	(erf) = vpow2.f32 v58;
	[tilespmem:s0+$0xFFFFFFC0] =	vst v59  }
0x12a: {  	[tilespmem:v6+s19+$0x0] =	vst.idx.add.f32.msk $0xffff, v57  }
0x12b: {  	[tilespmem:v5+s19+$0x0] =	vst.idx.add.f32.msk $0xffff, v59;
	v60 =	vpop (erf)  }
0x12c: {  	[tilespmem:s0+$0x10] =	vst v60;
	v61 =	vpop (erf)  }
0x12d: {  	[tilespmem:s0+$0xFFFFFFD0] =	vst v61  }
0x12e: {  	[tilespmem:v8+s19+$0x0] =	vst.idx.add.f32.msk $0xffff, v60  }
0x12f: {  	v62 =	vpop (erf);
	[tilespmem:v7+s19+$0x0] =	vst.idx.add.f32.msk $0xffff, v61  }
0x130: {  	[tilespmem:s0+$0x0] =	vst v62  }
0x131: {  	[tilespmem:v3+s19+$0x0] =	vst.idx.add.f32.msk $0xffff, v62;
	v3 =	vpop (erf)  }
0x132: {  	[tilespmem:s0+$0xFFFFFFE0] =	vst v3;
	v63 =	vpop (erf)  }
0x133: {  	[tilespmem:s0+$0x20] =	vst v63  }
0x134: {  	[tilespmem:v4+s19+$0x0] =	vst.idx.add.f32.msk $0xffff, v3  }
0x135: {  	[tilespmem:v2+s19+$0x0] =	vst.idx.add.f32.msk $0xffff, v63  }
.LBB2_16:
0x136: {  	s0 =	sadd.s32 $0x0, s16;
	s1 =	simm.s32 $0x30  }
0x137: {  	s0 =	sand.u32 $0x7F80, s0;
	s1 =	sand.u32 $0x70, s1  }
0x138: {  	s7 =	sor.u32 s1, s0  }
0x139: {  	v2 =	vld [tilespmem:s7+$0x2800]  }
0x13a: {  	s2 =	simm.s32 $0x10;
	s15 =	simm.s32 $0x20;
	v3 =	vld [tilespmem:s7+$0x0]  }
0x13b: {  	s13 =	simm.s32 $0x0;
	s14 =	sand.u32 $0x50, s2;
	s2 =	sand.u32 $0x60, s15  }
0x13c: {  	s1 =	sand.u32 $0x40, s13;
	s2 =	sor.u32 s2, s0  }
0x13d: {  	s9 =	sor.u32 s1, s0;
	v9 =	vld [tilespmem:s2+$0x2800]  }
0x13e: {  	v4 =	vld [tilespmem:s9+$0x2800]  }
0x13f: {  	s1 =	sor.u32 s14, s0;
	v5 =	vld [tilespmem:s9+$0x0];
	v3 =	vadd.f32 v3, v2  }
0x140: {  	v6 =	vld [tilespmem:s1+$0x2800]  }
0x141: {  	s20 =	sadd.s32 $0x40, s16;
	s3 =	simm.s32 $0x70;
	v7 =	vld [tilespmem:s1+$0x0];
	v2 =	vadd.f32 v2, v1;
	v8 =	vmul.f32 $2.000000030e-01, v3  }
0x142: {  	s3 =	sand.u32 $0x70, s3;
	s0 =	sand.u32 $0x7F80, s20;
	v10 =	vld [tilespmem:s2+$0x0]  }
0x143: {  	s13 =	sor.u32 s3, s0;
	v2 =	vmax.f32 v2, $0.0e+00;
	v3 =	vmax.f32 v3, v8  }
0x144: {  	v8 =	vld [tilespmem:s13+$0x0];
	v2 =	vsub.f32 v3, v2  }
0x145: {  	s21 =	simm.s32 $0x40;
	v5 =	vadd.f32 v5, v4;
	v3 =	vld [tilespmem:s13+$0x2800]  }
0x146: {  	s3 =	sand.u32 $0x40, s21;
	v4 =	vadd.f32 v4, v1;
	v7 =	vadd.f32 v7, v6;
	v2 =	vmul.f32 $1.442695020e+00, v2  }
0x147: {  	s4 =	simm.s32 $0x50;
	s12 =	sor.u32 s3, s0;
	v10 =	vadd.f32 v10, v9;
	v11 =	vmul.f32 $2.000000030e-01, v5  }
0x148: {  	s22 =	sand.u32 $0x50, s4;
	v12 =	vld [tilespmem:s12+$0x2800];
	(erf) = vpow2.f32 v2;
	v2 =	vmax.f32 v4, $0.0e+00;
	v4 =	vmul.f32 $2.000000030e-01, v7  }
0x149: {  	s23 =	simm.s32 $0x60;
	s30 =	sor.u32 s22, s0;
	v13 =	vld [tilespmem:s12+$0x0];
	v9 =	vadd.f32 v9, v1;
	v6 =	vadd.f32 v6, v1;
	v5 =	vmax.f32 v5, v11  }
0x14a: {  	s24 =	sand.u32 $0x60, s23;
	v11 =	vld [tilespmem:s30+$0x2800];
	v8 =	vadd.f32 v8, v3;
	v4 =	vmax.f32 v7, v4;
	v7 =	vmul.f32 $2.000000030e-01, v10  }
0x14b: {  	s31 =	sor.u32 s24, s0;
	v6 =	vmax.f32 v6, $0.0e+00;
	v2 =	vsub.f32 v5, v2;
	v5 =	vld [tilespmem:s30+$0x0];
	v3 =	vadd.f32 v3, v1  }
0x14c: {  	v14 =	vmul.f32 $2.000000030e-01, v8;
	v4 =	vsub.f32 v4, v6;
	v6 =	vmax.f32 v10, v7;
	v7 =	vld [tilespmem:s31+$0x2800]  }
0x14d: {  	s25 =	sadd.s32 $0x80, s16;
	s26 =	simm.s32 $0xB0;
	v9 =	vmax.f32 v9, $0.0e+00;
	v2 =	vmul.f32 $1.442695020e+00, v2;
	v3 =	vmax.f32 v3, $0.0e+00;
	v10 =	vld [tilespmem:s31+$0x0]  }
0x14e: {  	s28 =	sand.u32 $0x7F80, s25;
	s29 =	sand.u32 $0x70, s26;
	v8 =	vmax.f32 v8, v14;
	v6 =	vsub.f32 v6, v9;
	v4 =	vmul.f32 $1.442695020e+00, v4  }
0x14f: {  	s26 =	sor.u32 s29, s28;
	(erf) = vpow2.f32 v2;
	v2 =	vadd.f32 v13, v12;
	v13 =	vadd.f32 v11, v1  }
0x150: {  	s3 =	simm.s32 $0x80;
	v9 =	vld [tilespmem:s26+$0x2800];
	v3 =	vsub.f32 v8, v3;
	v8 =	vadd.f32 v12, v1  }
0x151: {  	s0 =	sand.u32 $0x40, s3;
	v5 =	vadd.f32 v5, v11;
	v11 =	vld [tilespmem:s26+$0x0];
	(erf) = vpow2.f32 v4;
	v4 =	vmul.f32 $2.000000030e-01, v2  }
0x152: {  	s6 =	simm.s32 $0x18C20;
	s15 =	sor.u32 s0, s28;
	v6 =	vmul.f32 $1.442695020e+00, v6;
	v3 =	vmul.f32 $1.442695020e+00, v3;
	v12 =	vpop (erf);
	v10 =	vadd.f32 v10, v7  }
0x153: {  	s5 =	simm.s32 $0x90;
	v15 =	vld [tilespmem:s15+$0x2800];
	v13 =	vmax.f32 v13, $0.0e+00;
	v7 =	vadd.f32 v7, v1;
	v2 =	vmax.f32 v2, v4;
	[tilespmem:s6+$0x10] =	vst v12  }
0x154: {  	s8 =	sand.u32 $0x50, s5;
	(erf) = vpow2.f32 v3;
	v3 =	vmax.f32 v8, $0.0e+00;
	v14 =	vld [tilespmem:s7+$0x13B80];
	v4 =	vmul.f32 $2.000000030e-01, v10  }
0x155: {  	s10 =	simm.s32 $0xA0;
	s0 =	sor.u32 s8, s28;
	v16 =	vld [tilespmem:s15+$0x0];
	v8 =	vmul.f32 $2.000000030e-01, v5;
	v7 =	vmax.f32 v7, $0.0e+00;
	v2 =	vsub.f32 v2, v3  }
0x156: {  	s3 =	sand.u32 $0x60, s10;
	v3 =	vld [tilespmem:s0+$0x2800];
	(erf) = vpow2.f32 v6;
	v4 =	vmax.f32 v10, v4;
	v10 =	vadd.f32 v11, v9  }
0x157: {  	s20 =	sor.u32 s3, s28;
	v5 =	vmax.f32 v5, v8;
	v8 =	vld [tilespmem:s0+$0x0];
	v2 =	vmul.f32 $1.442695020e+00, v2;
	v9 =	vadd.f32 v9, v1  }
0x158: {  	s11 =	sadd.s32 $0xC0, s16;
	s14 =	simm.s32 $0xF0;
	v6 =	vld [tilespmem:s20+$0x2800];
	v5 =	vsub.f32 v5, v13;
	v4 =	vsub.f32 v4, v7;
	v7 =	vpop (erf);
	v13 =	vmul.f32 $2.000000030e-01, v10  }
0x159: {  	s5 =	sand.u32 $0x7F80, s11;
	s21 =	sand.u32 $0x70, s14;
	[tilespmem:s6+$0xFFFFFFE0] =	vst v7;
	(erf) = vpow2.f32 v2;
	v9 =	vmax.f32 v9, $0.0e+00;
	v11 =	vadd.f32 v12, v14;
	v12 =	vld [tilespmem:s20+$0x0]  }
0x15a: {  	s24 =	sor.u32 s21, s5;
	v14 =	vadd.f32 v15, v1;
	v15 =	vadd.f32 v16, v15;
	v2 =	vld [tilespmem:s9+$0x13B80];
	v10 =	vmax.f32 v10, v13  }
0x15b: {  	s22 =	simm.s32 $0xC0;
	v16 =	vadd.f32 v3, v1;
	v9 =	vsub.f32 v10, v9;
	v10 =	vld [tilespmem:s24+$0x2800]  }
0x15c: {  	s4 =	sand.u32 $0x40, s22;
	v5 =	vmul.f32 $1.442695020e+00, v5;
	v3 =	vadd.f32 v8, v3;
	v8 =	vmax.f32 v14, $0.0e+00;
	v14 =	vld [tilespmem:s24+$0x0];
	v13 =	vpop (erf)  }
0x15d: {  	s25 =	sor.u32 s4, s5;
	s3 =	simm.s32 $0x18C60;
	v4 =	vmul.f32 $1.442695020e+00, v4;
	v18 =	vmul.f32 $2.000000030e-01, v15;
	v16 =	vmax.f32 v16, $0.0e+00;
	v17 =	vpop (erf)  }
0x15e: {  	s8 =	simm.s32 $0xD0;
	(erf) = vpow2.f32 v5;
	v5 =	vld [tilespmem:s25+$0x2800];
	v9 =	vmul.f32 $1.442695020e+00, v9;
	[tilespmem:s3+$0x10] =	vst v17;
	v12 =	vadd.f32 v12, v6  }
0x15f: {  	s23 =	sand.u32 $0x50, s8;
	v20 =	vmul.f32 $2.000000030e-01, v3;
	v15 =	vmax.f32 v15, v18;
	v6 =	vadd.f32 v6, v1;
	v19 =	vld [tilespmem:s13+$0x13B80]  }
0x160: {  	s28 =	simm.s32 $0xE0;
	s22 =	sor.u32 s23, s5;
	v8 =	vsub.f32 v15, v8;
	(erf) = vpow2.f32 v9;
	v9 =	vld [tilespmem:s25+$0x0];
	v18 =	vmul.f32 $2.000000030e-01, v12  }
0x161: {  	s29 =	sand.u32 $0x60, s28;
	v3 =	vmax.f32 v3, v20;
	v15 =	vld [tilespmem:s22+$0x2800];
	v7 =	vadd.f32 v7, v2;
	v2 =	vadd.f32 v14, v10  }
0x162: {  	s23 =	sor.u32 s29, s5;
	v3 =	vsub.f32 v3, v16;
	(erf) = vpow2.f32 v4;
	v4 =	vmax.f32 v12, v18;
	v12 =	vld [tilespmem:s22+$0x0]  }
0x163: {  	v6 =	vmax.f32 v6, $0.0e+00;
	v8 =	vmul.f32 $1.442695020e+00, v8;
	v14 =	vld [tilespmem:s23+$0x2800];
	v20 =	vmul.f32 $2.000000030e-01, v2  }
0x164: {  	s8 =	simm.s32 $0x130;
	s5 =	sadd.s32 $0x100, s16;
	v16 =	vpop (erf);
	v10 =	vadd.f32 v10, v1;
	v3 =	vmul.f32 $1.442695020e+00, v3;
	v18 =	vld [tilespmem:s23+$0x0];
	v17 =	vadd.f32 v17, v19  }
0x165: {  	s4 =	sand.u32 $0x7F80, s5;
	s5 =	sand.u32 $0x70, s8;
	[tilespmem:s6+$0x0] =	vst v16;
	v19 =	vadd.f32 v5, v1;
	v5 =	vadd.f32 v9, v5;
	v2 =	vmax.f32 v2, v20  }
0x166: {  	[tilespmem:s6+$0xFFFFFFF0] =	vst v13;
	s6 =	sor.u32 s5, s4;
	v22 =	vld [tilespmem:s2+$0x13B80];
	v10 =	vmax.f32 v10, $0.0e+00;
	v4 =	vsub.f32 v4, v6;
	v6 =	vpop (erf);
	(erf) = vpow2.f32 v8  }
0x167: {  	v23 =	vld [tilespmem:s6+$0x2800];
	v8 =	vadd.f32 v15, v1;
	[tilespmem:s3+$0xFFFFFFE0] =	vst v6;
	v21 =	vmul.f32 $2.000000030e-01, v5;
	v12 =	vadd.f32 v12, v15  }
0x168: {  	v9 =	vld [tilespmem:s12+$0x13B80];
	v10 =	vsub.f32 v2, v10;
	v2 =	vpop (erf);
	v15 =	vmax.f32 v19, $0.0e+00;
	v19 =	vadd.f32 v14, v1  }
0x169: {  	s14 =	simm.s32 $0x18CA0;
	s10 =	simm.s32 $0x100;
	v20 =	vld [tilespmem:s1+$0x13B80];
	v14 =	vadd.f32 v18, v14;
	v24 =	vpop (erf);
	v5 =	vmax.f32 v5, v21;
	v21 =	vmul.f32 $2.000000030e-01, v12  }
0x16a: {  	s5 =	sand.u32 $0x40, s10;
	(erf) = vpow2.f32 v3;
	v18 =	vld [tilespmem:s6+$0x0];
	v10 =	vmul.f32 $1.442695020e+00, v10;
	[tilespmem:s14+$0x10] =	vst v24  }
0x16b: {  	s11 =	simm.s32 $0x110;
	[tilespmem:s7+$0x13B80] =	vst v11;
	s7 =	sor.u32 s5, s4;
	v4 =	vmul.f32 $1.442695020e+00, v4;
	v25 =	vld [tilespmem:s26+$0x13B80];
	v3 =	vmax.f32 v12, v21;
	v12 =	vmul.f32 $2.000000030e-01, v14  }
0x16c: {  	s21 =	sand.u32 $0x50, s11;
	[tilespmem:s9+$0x13B80] =	vst v7;
	v7 =	vld [tilespmem:s7+$0x2800];
	v8 =	vmax.f32 v8, $0.0e+00;
	(erf) = vpow2.f32 v10;
	v10 =	vsub.f32 v5, v15  }
0x16d: {  	s28 =	simm.s32 $0x120;
	s9 =	sor.u32 s21, s4;
	v11 =	vld [tilespmem:s7+$0x0];
	[tilespmem:s13+$0x13B80] =	vst v17;
	(erf) = vpow2.f32 v4;
	v21 =	vadd.f32 v6, v9;
	v4 =	vmax.f32 v14, v12  }
0x16e: {  	s29 =	sand.u32 $0x60, s28;
	[tilespmem:s3+$0xFFFFFFF0] =	vst v2;
	v19 =	vmax.f32 v19, $0.0e+00;
	v5 =	vadd.f32 v13, v20;
	v15 =	vsub.f32 v3, v8;
	v8 =	vld [tilespmem:s9+$0x2800]  }
0x16f: {  	s13 =	sor.u32 s29, s4;
	v17 =	vmul.f32 $1.442695020e+00, v10;
	v10 =	vadd.f32 v16, v22;
	v12 =	vld [tilespmem:s9+$0x0];
	v14 =	vadd.f32 v18, v23;
	[tilespmem:s12+$0x13B80] =	vst v21;
	v3 =	vpop (erf)  }
0x170: {  	v9 =	vld [tilespmem:s13+$0x2800];
	v18 =	vsub.f32 v4, v19;
	v6 =	vmul.f32 $1.442695020e+00, v15;
	[tilespmem:s3+$0x0] =	vst v3;
	v15 =	vadd.f32 v24, v25;
	v4 =	vpop (erf)  }
0x171: {  	s4 =	simm.s32 $0x10;
	v13 =	vld [tilespmem:s13+$0x0];
	v16 =	vadd.f32 v7, v1;
	s12 =	simm.s32 $0x18CA0;
	v19 =	vadd.f32 v23, v1;
	v20 =	vmul.f32 $2.000000030e-01, v14;
	s3 =	simm.s32 $0x140;
	[tilespmem:s14+$0xFFFFFFE0] =	vst v4  }
.LBB2_17:
0x172: {  	s5 =	sadd.s32 s3, s16;
	s8 =	sadd.s32 $0x10, s3;
	s10 =	sadd.s32 $0x30, s3;
	v7 =	vadd.f32 v11, v7;
	v18 =	vmul.f32 $1.442695020e+00, v18;
	(erf) = vpow2.f32 v17;
	v17 =	vld [tilespmem:s15+$0x13B80];
	[tilespmem:s26+$0x13B80] =	vst v15  }
0x173: {  	s4 =	sadd.s32 $0x4, s4;
	s5 =	sand.u32 $0x7F80, s5;
	s10 =	sand.u32 $0x70, s10;
	v11 =	vadd.f32 v8, v1;
	v15 =	vmax.f32 v19, $0.0e+00;
	v20 =	vmax.f32 v14, v20;
	v19 =	vld [tilespmem:s30+$0x13B80];
	[tilespmem:s1+$0x13B80] =	vst v5  }
0x174: {  	s1 =	sadd.s32 $0x20, s3;
	p6 =	slt.u32 s4, $0x24;
	s10 =	sor.u32 s10, s5;
	v5 =	vmul.f32 $2.000000030e-01, v7;
	v8 =	vadd.f32 v12, v8;
	v12 =	vsub.f32 v20, v15;
	v14 =	vpop (erf);
	v20 =	vld [tilespmem:s31+$0x13B80];
	[tilespmem:s2+$0x13B80] =	vst v10  }
0x175: {  	s12 =	sadd.s32 $0x40, s12;
	s2 =	sand.u32 $0x50, s8;
	s1 =	sand.u32 $0x60, s1;
	v10 =	vmax.f32 v16, $0.0e+00;
	v21 =	vld [tilespmem:s10+$0x2800];
	v15 =	vmax.f32 v11, $0.0e+00;
	v11 =	vadd.f32 v9, v1;
	v16 =	vpop (erf);
	[tilespmem:s14+$0xFFFFFFF0] =	vst v14  }
0x176: {  	s8 =	sand.u32 $0x40, s3;
	s2 =	sor.u32 s2, s5;
	s11 =	sor.u32 s1, s5;
	v22 =	vld [tilespmem:s10+$0x0];
	v23 =	vmul.f32 $2.000000030e-01, v8;
	v9 =	vadd.f32 v13, v9;
	v12 =	vmul.f32 $1.442695020e+00, v12;
	[tilespmem:s12+$0x10] =	vst v16;
	v13 =	vpop (erf)  }
0x177: {  	s26 =	smov.u32 s24;
	s5 =	sor.u32 s8, s5;
	v5 =	vmax.f32 v7, v5;
	v24 =	vmax.f32 v11, $0.0e+00;
	v25 =	vld [tilespmem:s24+$0x13B80];
	(erf) = vpow2.f32 v6;
	[tilespmem:s14+$0x0] =	vst v13;
	s24 =	smov.u32 s6  }
0x178: {  	s1 =	smov.u32 s30;
	s6 =	smov.u32 s10;
	s14 =	smov.u32 s12;
	v7 =	vld [tilespmem:s5+$0x2800];
	v6 =	vmax.f32 v8, v23;
	v23 =	vmul.f32 $2.000000030e-01, v9;
	(erf) = vpow2.f32 v12  }
.Ltmp9:
0x179: {  	s30 =	smov.u32 s0;
	s0 =	smov.u32 s22;
	v10 =	vsub.f32 v5, v10;
	v11 =	vld [tilespmem:s5+$0x0];
	v6 =	vsub.f32 v6, v15;
	(erf) = vpow2.f32 v18;
	(pc) =	sbr.rel @p6 .LBB2_17-.Ltmp9, $4  }
0x17a: {  	s22 =	smov.u32 s9;
	s9 =	smov.u32 s2;
	v5 =	vadd.f32 v2, v19;
	v2 =	vmovc v14;
	v8 =	vld [tilespmem:s2+$0x2800];
	v9 =	vmax.f32 v9, v23;
	v23 =	vadd.f32 v4, v17;
	s2 =	smov.u32 s31  }
0x17b: {  	v17 =	vmul.f32 $1.442695020e+00, v10;
	s31 =	smov.u32 s20;
	s20 =	smov.u32 s23;
	s23 =	smov.u32 s13;
	v12 =	vld [tilespmem:s9+$0x0];
	v14 =	vadd.f32 v22, v21;
	v18 =	vsub.f32 v9, v24;
	v4 =	vpop (erf)  }
0x17c: {  	s8 =	smov.u32 s7;
	s7 =	smov.u32 s5;
	v10 =	vadd.f32 v3, v20;
	v3 =	vmovc v13;
	s13 =	smov.u32 s11;
	v6 =	vmul.f32 $1.442695020e+00, v6;
	v9 =	vld [tilespmem:s11+$0x2800];
	[tilespmem:s12+$0xFFFFFFE0] =	vst v4;
	v15 =	vadd.f32 v16, v25  }
0x17d: {  	s3 =	sadd.s32 $0x40, s3;
	v19 =	vadd.f32 v21, v1;
	v16 =	vadd.f32 v7, v1;
	v13 =	vld [tilespmem:s13+$0x0];
	v20 =	vmul.f32 $2.000000030e-01, v14;
	[tilespmem:s15+$0x13B80] =	vst v23;
	s15 =	smov.u32 s25;
	s25 =	smov.u32 s8  }
0x17e: {  	v7 =	vadd.f32 v11, v7  }
0x17f: {  	v11 =	vmul.f32 $1.442695020e+00, v18;
	(erf) = vpow2.f32 v17;
	v58 =	vmax.f32 v19, $0.0e+00  }
0x180: {  	v14 =	vmax.f32 v14, v20;
	v59 =	vadd.f32 v8, v1;
	v61 =	vmax.f32 v16, $0.0e+00  }
0x181: {  	v60 =	vmul.f32 $2.000000030e-01, v7;
	v14 =	vsub.f32 v14, v58;
	v8 =	vadd.f32 v12, v8  }
0x182: {  	v62 =	vpop (erf);
	(erf) = vpow2.f32 v6;
	v1 =	vadd.f32 v9, v1;
	v9 =	vadd.f32 v13, v9  }
0x183: {  	v26 =	vld [tilespmem:s30+$0x13B80];
	v63 =	vmul.f32 $1.442695020e+00, v14;
	v7 =	vmax.f32 v7, v60;
	v22 =	vmul.f32 $2.000000030e-01, v8  }
0x184: {  	v23 =	vmax.f32 v59, $0.0e+00;
	v6 =	vsub.f32 v7, v61;
	v24 =	vmul.f32 $2.000000030e-01, v9  }
0x185: {  	s3 =	sadd.s32 $0x40, s12;
	[tilespmem:s1+$0x13B80] =	vst v5;
	v21 =	vpop (erf);
	v1 =	vmax.f32 v1, $0.0e+00;
	(erf) = vpow2.f32 v63;
	v8 =	vmax.f32 v8, v22  }
0x186: {  	[tilespmem:s3+$0x10] =	vst v21;
	v7 =	vld [tilespmem:s15+$0x13B80];
	v6 =	vmul.f32 $1.442695020e+00, v6;
	v5 =	vsub.f32 v8, v23;
	v8 =	vmax.f32 v9, v24  }
0x187: {  	[tilespmem:s26+$0x13B80] =	vst v15;
	v25 =	vld [tilespmem:s24+$0x13B80];
	(erf) = vpow2.f32 v11;
	v1 =	vsub.f32 v8, v1  }
0x188: {  	[tilespmem:s2+$0x13B80] =	vst v10;
	v2 =	vadd.f32 v2, v26;
	(erf) = vpow2.f32 v6  }
0x189: {  	[tilespmem:s14+$0xFFFFFFF0] =	vst v62;
	v6 =	vld [tilespmem:s31+$0x13B80];
	v5 =	vmul.f32 $1.442695020e+00, v5;
	v1 =	vmul.f32 $1.442695020e+00, v1  }
0x18a: {  	[tilespmem:s30+$0x13B80] =	vst v2;
	v8 =	vpop (erf)  }
0x18b: {  	v4 =	vadd.f32 v4, v7;
	(erf) = vpow2.f32 v5;
	[tilespmem:s14+$0x0] =	vst v8;
	v7 =	vpop (erf)  }
0x18c: {  	v9 =	vadd.f32 v21, v25;
	[tilespmem:s3+$0xFFFFFFE0] =	vst v7;
	(erf) = vpow2.f32 v1  }
0x18d: {  	[tilespmem:s15+$0x13B80] =	vst v4;
	v4 =	vld [tilespmem:s25+$0x13B80];
	v1 =	vpop (erf)  }
0x18e: {  	[tilespmem:s24+$0x13B80] =	vst v9;
	s15 =	sadd.s32 $0x40, s3;
	v3 =	vadd.f32 v3, v6;
	v5 =	vpop (erf)  }
0x18f: {  	[tilespmem:s15+$0x10] =	vst v5  }
0x190: {  	[tilespmem:s31+$0x13B80] =	vst v3;
	v2 =	vpop (erf);
	v3 =	vld [tilespmem:s6+$0x13B80]  }
0x191: {  	v6 =	vld [tilespmem:s0+$0x13B80];
	[tilespmem:s3+$0xFFFFFFF0] =	vst v1;
	v9 =	vpop (erf)  }
0x192: {  	v10 =	vld [tilespmem:s20+$0x13B80];
	v4 =	vadd.f32 v7, v4;
	[tilespmem:s15+$0xFFFFFFE0] =	vst v9  }
0x193: {  	[tilespmem:s3+$0x0] =	vst v2;
	v7 =	vld [tilespmem:s7+$0x13B80]  }
0x194: {  	v11 =	vpop (erf);
	[tilespmem:s25+$0x13B80] =	vst v4;
	v4 =	vld [tilespmem:s22+$0x13B80]  }
0x195: {  	[tilespmem:s15+$0xFFFFFFF0] =	vst v11;
	v27 =	vpop (erf);
	v3 =	vadd.f32 v5, v3;
	v5 =	vld [tilespmem:s23+$0x13B80]  }
0x196: {  	v6 =	vadd.f32 v62, v6;
	v28 =	vld [tilespmem:s9+$0x13B80];
	[tilespmem:s15+$0x0] =	vst v27  }
0x197: {  	v8 =	vadd.f32 v8, v10;
	[tilespmem:s6+$0x13B80] =	vst v3;
	v3 =	vld [tilespmem:s13+$0x13B80]  }
0x198: {  	[tilespmem:s0+$0x13B80] =	vst v6;
	v6 =	vadd.f32 v9, v7  }
0x199: {  	[tilespmem:s20+$0x13B80] =	vst v8;
	v1 =	vadd.f32 v1, v4  }
0x19a: {  	[tilespmem:s7+$0x13B80] =	vst v6;
	v2 =	vadd.f32 v2, v5  }
0x19b: {  	[tilespmem:s22+$0x13B80] =	vst v1;
	v1 =	vadd.f32 v11, v28  }
0x19c: {  	[tilespmem:s23+$0x13B80] =	vst v2;
	v2 =	vadd.f32 v27, v3  }
0x19d: {  	[tilespmem:s9+$0x13B80] =	vst v1  }
0x19e: {  	[tilespmem:s13+$0x13B80] =	vst v2  }
0x19f: {  	s16 =	simm.s32 $0x400;
	s0 =	rddreg [dreg:$0x18]  }
0x1a0: {  	[spmem:s0] =	stream.strided.scatter [tilespmem:s19], [sflag:$0x2], $0x2800, s16, s17, $0x38;
	[tilespmem:$0x1E380] =	vst v63  }
0x1a1: {  	_ =	swait.ge [sflag:s18], $0x2800  }
0x1a2: {  	[sflag:s18] =	ssyncset.done $0x0  }
0x1a3: {  	[sflag:s18] =	ssyncadd.s32 $0xFFFFD800  }
0x1a4: {  	s21 =	simm.s32 $0x19100;
	s1 =	simm.s32 $0x0;
	[bflag:$0x0] =	sbarrier.arrive $0xFFFF  }
0x1a5: {  	s20 =	simm.s32 $0x14000;
	s19 =	simm.s32 $0x1400;
	s17 =	rddreg [dreg:$0x19]  }
0x1a6: {  	[tilespmem:s21], [sflag:$0x2] =	stream.strided.gather [spmem:s17], $0x2800, s20, s19, $0x38;
	[tilespmem:$0x1E380] =	vst v63  }
0x1a7: {  	s4 =	sand.u32 $0x1C00, s1;
	s3 =	sand.u32 $0x40, s1;
	_ =	swait.ge [sflag:s18], $0x2800  }
0x1a8: {  	s5 =	sadd.s32 $0x19100, s4;
	s0 =	sor.u32 $0x30, s3;
	[sflag:s18] =	ssyncset.done $0x0  }
0x1a9: {  	s22 =	sor.u32 s0, s5;
	[sflag:s18] =	ssyncadd.s32 $0xFFFFD800  }
0x1aa: {  	v10 =	vld [tilespmem:s22+$0x0]  }
0x1ab: {  	s23 =	sor.u32 s3, s5;
	v11 =	vld [tilespmem:s22+$0x80]  }
0x1ac: {  	v12 =	vld [tilespmem:s23+$0x0]  }
0x1ad: {  	v13 =	vld [tilespmem:s22+$0x100]  }
0x1ae: {  	s2 =	sor.u32 $0x10, s3;
	v14 =	vld [tilespmem:s23+$0x80]  }
0x1af: {  	s8 =	sor.u32 s2, s5;
	v15 =	vld [tilespmem:s22+$0x180]  }
0x1b0: {  	v16 =	vld [tilespmem:s8+$0x0]  }
0x1b1: {  	v17 =	vld [tilespmem:s22+$0x200]  }
0x1b2: {  	s15 =	sor.u32 $0x20, s3;
	v18 =	vld [tilespmem:s8+$0x80]  }
0x1b3: {  	s5 =	sor.u32 s15, s5;
	v19 =	vld [tilespmem:s22+$0x280]  }
0x1b4: {  	v20 =	vld [tilespmem:s5+$0x0]  }
0x1b5: {  	v21 =	vld [tilespmem:s22+$0x300]  }
0x1b6: {  	v22 =	vld [tilespmem:s5+$0x80]  }
0x1b7: {  	s24 =	sadd.s32 $0x1A500, s4;
	v9 =	vld [tilespmem:s22+$0x380]  }
0x1b8: {  	s25 =	sor.u32 s0, s24;
	v23 =	vld [tilespmem:s23+$0x100]  }
0x1b9: {  	s10 =	sadd.s32 $0x1A580, s4;
	v7 =	vld [tilespmem:s25+$0x0]  }
0x1ba: {  	s26 =	sor.u32 s0, s10;
	v24 =	vld [tilespmem:s8+$0x100]  }
0x1bb: {  	s11 =	sadd.s32 $0x1A600, s4;
	v4 =	vld [tilespmem:s26+$0x0]  }
0x1bc: {  	s14 =	sadd.s32 $0x1A780, s4;
	s28 =	sor.u32 s0, s11;
	v25 =	vld [tilespmem:s5+$0x100]  }
0x1bd: {  	s31 =	sor.u32 s0, s14;
	v8 =	vld [tilespmem:s28+$0x0]  }
0x1be: {  	s12 =	sadd.s32 $0x1A680, s4;
	v1 =	vld [tilespmem:s31+$0x0]  }
0x1bf: {  	s29 =	sor.u32 s0, s12;
	v26 =	vld [tilespmem:s23+$0x180]  }
0x1c0: {  	s13 =	sadd.s32 $0x1A700, s4;
	v6 =	vld [tilespmem:s29+$0x0]  }
0x1c1: {  	s30 =	sor.u32 s0, s13;
	v27 =	vld [tilespmem:s8+$0x180]  }
0x1c2: {  	s16 =	sadd.s32 $0x1A800, s4;
	v5 =	vld [tilespmem:s30+$0x0]  }
0x1c3: {  	s17 =	sor.u32 s0, s16;
	v28 =	vld [tilespmem:s5+$0x180];
	[tilespmem:$0x1FFD0] =	vst v1  }
0x1c4: {  	v1 =	vld [tilespmem:s17+$0x0];
	_ =	sdelay $0x3  }
0x1c5: {  	s4 =	sadd.s32 $0x1A880, s4  }
0x1c6: {  	s18 =	sor.u32 s0, s4;
	v29 =	vld [tilespmem:s23+$0x200];
	[tilespmem:$0x1FFE0] =	vst v1  }
0x1c7: {  	v1 =	vld [tilespmem:s18+$0x0];
	_ =	sdelay $0x4  }
0x1c8: {  	v30 =	vld [tilespmem:s8+$0x200];
	[tilespmem:$0x1FFF0] =	vst v1  }
0x1c9: {  	v31 =	vld [tilespmem:s5+$0x200]  }
0x1ca: {  	v32 =	vld [tilespmem:s23+$0x280]  }
0x1cb: {  	v33 =	vld [tilespmem:s8+$0x280]  }
0x1cc: {  	v34 =	vld [tilespmem:s5+$0x280]  }
0x1cd: {  	v35 =	vld [tilespmem:s23+$0x300]  }
0x1ce: {  	v36 =	vld [tilespmem:s8+$0x300]  }
0x1cf: {  	v37 =	vld [tilespmem:s5+$0x300]  }
0x1d0: {  	v38 =	vld [tilespmem:s23+$0x380]  }
0x1d1: {  	v39 =	vld [tilespmem:s8+$0x380]  }
0x1d2: {  	s19 =	sor.u32 s3, s24;
	v40 =	vld [tilespmem:s5+$0x380]  }
0x1d3: {  	s20 =	sor.u32 s2, s24;
	v41 =	vld [tilespmem:s19+$0x0]  }
0x1d4: {  	s21 =	sor.u32 s15, s24;
	v42 =	vld [tilespmem:s20+$0x0]  }
0x1d5: {  	s22 =	sor.u32 s3, s10;
	v43 =	vld [tilespmem:s21+$0x0]  }
0x1d6: {  	s24 =	sor.u32 s15, s10;
	v44 =	vld [tilespmem:s22+$0x0]  }
0x1d7: {  	s25 =	sor.u32 s3, s11;
	v46 =	vld [tilespmem:s24+$0x0]  }
0x1d8: {  	s26 =	sor.u32 s2, s11;
	v47 =	vld [tilespmem:s25+$0x0]  }
0x1d9: {  	s28 =	sor.u32 s15, s11;
	v48 =	vld [tilespmem:s26+$0x0]  }
0x1da: {  	s29 =	sor.u32 s3, s12;
	v49 =	vld [tilespmem:s28+$0x0]  }
0x1db: {  	s30 =	sor.u32 s2, s12;
	v50 =	vld [tilespmem:s29+$0x0]  }
0x1dc: {  	s31 =	sor.u32 s15, s12;
	v51 =	vld [tilespmem:s30+$0x0]  }
0x1dd: {  	s7 =	sor.u32 s3, s13;
	v52 =	vld [tilespmem:s31+$0x0]  }
0x1de: {  	s9 =	sor.u32 s15, s13;
	v53 =	vld [tilespmem:s7+$0x0]  }
0x1df: {  	s11 =	sor.u32 s2, s14;
	v55 =	vld [tilespmem:s9+$0x0]  }
0x1e0: {  	s12 =	sor.u32 s15, s14;
	v57 =	vld [tilespmem:s11+$0x0]  }
0x1e1: {  	v10 =	vadd.f32 v11, v10;
	s18 =	sor.u32 s2, s4;
	v58 =	vld [tilespmem:s12+$0x0]  }
0x1e2: {  	s23 =	sor.u32 s2, s10;
	v63 =	vld [tilespmem:s18+$0x0]  }
0x1e3: {  	v10 =	vadd.f32 v13, v10;
	s8 =	sor.u32 s2, s13;
	v45 =	vld [tilespmem:s23+$0x0]  }
0x1e4: {  	s10 =	sor.u32 s3, s14;
	v54 =	vld [tilespmem:s8+$0x0]  }
0x1e5: {  	v10 =	vadd.f32 v15, v10;
	s13 =	sor.u32 s3, s16;
	v56 =	vld [tilespmem:s10+$0x0]  }
0x1e6: {  	s14 =	sor.u32 s2, s16;
	v59 =	vld [tilespmem:s13+$0x0]  }
0x1e7: {  	s17 =	simm.s32 $0x200;
	v10 =	vadd.f32 v17, v10;
	s16 =	sor.u32 s15, s16;
	v60 =	vld [tilespmem:s14+$0x0]  }
0x1e8: {  	s3 =	sor.u32 s3, s4;
	s7 =	simm.s32 $0x40;
	s5 =	sand.u32 $0x1C00, s17;
	v61 =	vld [tilespmem:s16+$0x0]  }
0x1e9: {  	v16 =	vadd.f32 v18, v16;
	v10 =	vadd.f32 v19, v10;
	s4 =	sor.u32 s15, s4;
	s9 =	sand.u32 $0x40, s7;
	v62 =	vld [tilespmem:s3+$0x0];
	s19 =	sadd.s32 $0x19100, s5  }
0x1ea: {  	v19 =	vadd.f32 v22, v20;
	v3 =	vld [tilespmem:s4+$0x0];
	s21 =	sor.u32 s9, s19  }
0x1eb: {  	v16 =	vadd.f32 v24, v16;
	v10 =	vadd.f32 v21, v10;
	v2 =	vld [tilespmem:s21+$0x0]  }
0x1ec: {  	v19 =	vadd.f32 v25, v19;
	v25 =	vld [tilespmem:s21+$0x80]  }
0x1ed: {  	v9 =	vadd.f32 v9, v10;
	v10 =	vadd.f32 v27, v16;
	s6 =	sor.u32 $0x30, s9;
	v27 =	vld [tilespmem:s21+$0x100]  }
0x1ee: {  	v19 =	vadd.f32 v28, v19;
	s20 =	sor.u32 s6, s19;
	v28 =	vld [tilespmem:s21+$0x180]  }
0x1ef: {  	v11 =	vld [tilespmem:s20+$0x0]  }
0x1f0: {  	v13 =	vld [tilespmem:s20+$0x80]  }
0x1f1: {  	v15 =	vld [tilespmem:s20+$0x100]  }
0x1f2: {  	v1 =	vld [tilespmem:s20+$0x180]  }
0x1f3: {  	v12 =	vadd.f32 v14, v12;
	v17 =	vld [tilespmem:s20+$0x200]  }
0x1f4: {  	v14 =	vld [tilespmem:s20+$0x280]  }
0x1f5: {  	v12 =	vadd.f32 v23, v12;
	s25 =	sadd.s32 $0x1A500, s5;
	v18 =	vld [tilespmem:s20+$0x300]  }
0x1f6: {  	s29 =	sadd.s32 $0x1A580, s5;
	s28 =	sor.u32 s6, s25;
	v20 =	vld [tilespmem:s20+$0x380]  }
0x1f7: {  	v12 =	vadd.f32 v26, v12;
	s24 =	sadd.s32 $0x1A600, s5;
	s30 =	sor.u32 s6, s29;
	v21 =	vld [tilespmem:s28+$0x0]  }
0x1f8: {  	s23 =	sadd.s32 $0x1A680, s5;
	s31 =	sor.u32 s6, s24;
	v22 =	vld [tilespmem:s30+$0x0]  }
0x1f9: {  	v29 =	vadd.f32 v29, v12;
	s22 =	sadd.s32 $0x1A700, s5;
	s10 =	sor.u32 s6, s23;
	v16 =	vld [tilespmem:s31+$0x0]  }
0x1fa: {  	v7 =	vadd.f32 v7, v9;
	v30 =	vadd.f32 v30, v10;
	s14 =	sadd.s32 $0x1A800, s5;
	s11 =	sor.u32 s6, s22;
	v12 =	vld [tilespmem:s10+$0x0]  }
0x1fb: {  	s13 =	sor.u32 s6, s14;
	v10 =	vld [tilespmem:s11+$0x0];
	v19 =	vadd.f32 v31, v19;
	v23 =	vadd.f32 v32, v29  }
0x1fc: {  	s20 =	sadd.s32 $0x1A780, s5;
	v32 =	vadd.f32 v4, v7;
	v24 =	vadd.f32 v33, v30;
	v7 =	vld [tilespmem:s13+$0x0]  }
0x1fd: {  	s12 =	sor.u32 s6, s20;
	s13 =	sor.u32 $0x10, s9;
	v30 =	vld [tilespmem:s21+$0x200];
	v19 =	vadd.f32 v34, v19;
	v23 =	vadd.f32 v35, v23  }
0x1fe: {  	v9 =	vld [tilespmem:s12+$0x0];
	s16 =	sor.u32 s13, s19;
	v8 =	vadd.f32 v8, v32;
	v24 =	vadd.f32 v36, v24  }
0x1ff: {  	v26 =	vld [tilespmem:s16+$0x0];
	v2 =	vadd.f32 v25, v2;
	v19 =	vadd.f32 v37, v19  }
0x200: {  	v29 =	vld [tilespmem:s16+$0x180];
	v23 =	vadd.f32 v38, v23;
	v6 =	vadd.f32 v6, v8  }
0x201: {  	v31 =	vld [tilespmem:s16+$0x200];
	v8 =	vadd.f32 v39, v24;
	v11 =	vadd.f32 v13, v11  }
0x202: {  	v37 =	vld [tilespmem:$0x1FFD0];
	v2 =	vadd.f32 v27, v2;
	v19 =	vadd.f32 v40, v19  }
0x203: {  	v24 =	vld [tilespmem:s16+$0x80];
	v23 =	vadd.f32 v41, v23;
	v5 =	vadd.f32 v5, v6  }
0x204: {  	v32 =	vld [tilespmem:s21+$0x280];
	v6 =	vadd.f32 v42, v8;
	v11 =	vadd.f32 v15, v11  }
0x205: {  	v33 =	vld [tilespmem:s16+$0x280];
	v2 =	vadd.f32 v28, v2;
	v19 =	vadd.f32 v43, v19  }
0x206: {  	s12 =	sadd.s32 $0x1A880, s5;
	v38 =	vld [tilespmem:$0x1FFE0];
	v23 =	vadd.f32 v44, v23;
	v6 =	vadd.f32 v45, v6  }
0x207: {  	s5 =	sor.u32 s6, s12;
	v8 =	vld [tilespmem:s16+$0x100];
	v1 =	vadd.f32 v1, v11;
	v5 =	vadd.f32 v37, v5  }
0x208: {  	v4 =	vld [tilespmem:s5+$0x0];
	v24 =	vadd.f32 v24, v26;
	v2 =	vadd.f32 v30, v2  }
0x209: {  	v39 =	vld [tilespmem:$0x1FFF0];
	v19 =	vadd.f32 v46, v19;
	v23 =	vadd.f32 v47, v23  }
0x20a: {  	v40 =	vld [tilespmem:s21+$0x300];
	v6 =	vadd.f32 v48, v6;
	v1 =	vadd.f32 v17, v1  }
0x20b: {  	s30 =	sor.u32 $0x20, s9;
	v41 =	vld [tilespmem:s21+$0x380];
	v5 =	vadd.f32 v38, v5;
	v19 =	vadd.f32 v49, v19  }
0x20c: {  	s3 =	sor.u32 s30, s19;
	v42 =	vld [tilespmem:s16+$0x300];
	v8 =	vadd.f32 v8, v24;
	v2 =	vadd.f32 v32, v2  }
0x20d: {  	v11 =	vld [tilespmem:s3+$0x80];
	v23 =	vadd.f32 v50, v23;
	v19 =	vadd.f32 v52, v19  }
0x20e: {  	v46 =	vld [tilespmem:s3+$0x0];
	v6 =	vadd.f32 v51, v6;
	v1 =	vadd.f32 v14, v1  }
0x20f: {  	v43 =	vld [tilespmem:s16+$0x380];
	v5 =	vadd.f32 v39, v5;
	v19 =	vadd.f32 v55, v19  }
0x210: {  	v47 =	vld [tilespmem:s3+$0x100];
	v8 =	vadd.f32 v29, v8;
	v2 =	vadd.f32 v40, v2  }
0x211: {  	v48 =	vld [tilespmem:s3+$0x180];
	v23 =	vadd.f32 v53, v23;
	v44 =	vadd.f32 v58, v19  }
0x212: {  	v49 =	vld [tilespmem:s3+$0x280];
	v6 =	vadd.f32 v54, v6;
	v1 =	vadd.f32 v18, v1  }
0x213: {  	v50 =	vld [tilespmem:s3+$0x300];
	v11 =	vadd.f32 v11, v46;
	v15 =	vadd.f32 v61, v44  }
0x214: {  	v51 =	vld [tilespmem:s3+$0x380];
	v8 =	vadd.f32 v31, v8;
	v2 =	vadd.f32 v41, v2  }
0x215: {  	s17 =	sor.u32 s9, s25;
	v1 =	vadd.f32 v20, v1;
	v15 =	vadd.f32 v3, v15;
	v3 =	vld [tilespmem:s3+$0x200]  }
0x216: {  	s18 =	sor.u32 s13, s25;
	v52 =	vld [tilespmem:s17+$0x0];
	v23 =	vadd.f32 v56, v23;
	v11 =	vadd.f32 v47, v11  }
0x217: {  	s19 =	sor.u32 s30, s25;
	v53 =	vld [tilespmem:s18+$0x0];
	v6 =	vadd.f32 v57, v6;
	v1 =	vadd.f32 v21, v1  }
0x218: {  	s21 =	sor.u32 s9, s29;
	v54 =	vld [tilespmem:s19+$0x0];
	v8 =	vadd.f32 v33, v8;
	v11 =	vadd.f32 v48, v11  }
0x219: {  	s26 =	sor.u32 s13, s29;
	v55 =	vld [tilespmem:s21+$0x0];
	v45 =	vadd.f32 v59, v23;
	v1 =	vadd.f32 v22, v1  }
0x21a: {  	s28 =	sor.u32 s30, s29;
	s29 =	sor.u32 s9, s24;
	v56 =	vld [tilespmem:s26+$0x0];
	v6 =	vadd.f32 v60, v6;
	v3 =	vadd.f32 v3, v11  }
0x21b: {  	s31 =	sor.u32 s13, s24;
	v57 =	vld [tilespmem:s29+$0x0];
	v8 =	vadd.f32 v42, v8;
	v1 =	vadd.f32 v16, v1  }
0x21c: {  	s4 =	sor.u32 s30, s24;
	v58 =	vld [tilespmem:s31+$0x0];
	v2 =	vadd.f32 v52, v2;
	v3 =	vadd.f32 v49, v3  }
0x21d: {  	s5 =	sor.u32 s9, s23;
	v59 =	vld [tilespmem:s4+$0x0];
	v8 =	vadd.f32 v43, v8;
	v1 =	vadd.f32 v12, v1  }
0x21e: {  	v60 =	vld [tilespmem:s5+$0x0];
	v19 =	vadd.f32 v62, v45;
	v3 =	vadd.f32 v50, v3  }
0x21f: {  	s8 =	sor.u32 s13, s23;
	v8 =	vadd.f32 v53, v8;
	v1 =	vadd.f32 v10, v1;
	v11 =	vld [tilespmem:s28+$0x0]  }
0x220: {  	s11 =	sor.u32 s9, s22;
	v6 =	vadd.f32 v63, v6;
	v61 =	vld [tilespmem:s8+$0x0];
	v3 =	vadd.f32 v51, v3  }
0x221: {  	s16 =	sor.u32 s13, s22;
	v62 =	vld [tilespmem:s11+$0x0];
	v8 =	vadd.f32 v56, v8;
	v1 =	vadd.f32 v9, v1  }
0x222: {  	s1 =	sand.u32 $0x380, s1;
	s10 =	sor.u32 s30, s23;
	v63 =	vld [tilespmem:s16+$0x0];
	v2 =	vadd.f32 v55, v2;
	v3 =	vadd.f32 v54, v3  }
0x223: {  	s1 =	sadd.s32 $0x18E80, s1;
	s17 =	sor.u32 s30, s22;
	v10 =	vld [tilespmem:s10+$0x0];
	v8 =	vadd.f32 v58, v8;
	v7 =	vadd.f32 v7, v1  }
0x224: {  	s2 =	sor.u32 s2, s1;
	s25 =	sor.u32 s9, s12;
	s19 =	sor.u32 s9, s20;
	v2 =	vadd.f32 v57, v2;
	v9 =	vld [tilespmem:s17+$0x0];
	v3 =	vadd.f32 v11, v3  }
0x225: {  	s23 =	sor.u32 s9, s14;
	s18 =	sor.u32 s15, s1;
	s1 =	sor.u32 s0, s1;
	[tilespmem:s2+$0x0] =	vst v6;
	v6 =	vadd.f32 v4, v7;
	v4 =	vadd.f32 v61, v8;
	v11 =	vld [tilespmem:s19+$0x0]  }
0x226: {  	s24 =	sor.u32 s13, s14;
	[tilespmem:s1+$0x0] =	vst v5;
	s21 =	sor.u32 s13, s20;
	s29 =	sand.u32 $0x380, s7;
	v12 =	vadd.f32 v60, v2;
	v2 =	vld [tilespmem:s23+$0x0];
	v5 =	vadd.f32 v59, v3  }
0x227: {  	s0 =	simm.s32 $0x18E80;
	s22 =	sor.u32 s30, s20;
	s1 =	sadd.s32 $0x18E80, s29;
	v1 =	vld [tilespmem:s21+$0x0];
	v8 =	vadd.f32 v63, v4  }
0x228: {  	s15 =	simm.s32 $0x80;
	s26 =	sor.u32 s13, s12;
	s31 =	sor.u32 s6, s1;
	[tilespmem:s0+$0x0] =	vst v19;
	v4 =	vld [tilespmem:s24+$0x0];
	v5 =	vadd.f32 v10, v5;
	v10 =	vadd.f32 v62, v12  }
0x229: {  	s2 =	simm.s32 $0x400;
	[tilespmem:s18+$0x0] =	vst v15;
	s23 =	sor.u32 s30, s12;
	s28 =	sor.u32 s30, s14;
	v3 =	vld [tilespmem:s22+$0x0]  }
0x22a: {  	s14 =	sor.u32 s30, s1;
	[tilespmem:s31+$0x0] =	vst v6;
	s22 =	sor.u32 s13, s1;
	s1 =	simm.s32 $0x4;
	v7 =	vadd.f32 v9, v5;
	v6 =	vadd.f32 v11, v10;
	v5 =	vld [tilespmem:s28+$0x0]  }
.LBB2_19:
0x22b: {  	s24 =	sand.u32 $0x40, s15;
	s30 =	sand.u32 $0x1C00, s2;
	v9 =	vld [tilespmem:s25+$0x0]  }
0x22c: {  	s3 =	sadd.s32 $0x19100, s30;
	s6 =	sor.u32 $0x30, s24;
	v1 =	vadd.f32 v1, v8;
	v8 =	vld [tilespmem:s26+$0x0]  }
0x22d: {  	s4 =	sor.u32 s6, s3;
	v2 =	vadd.f32 v2, v6;
	v6 =	vld [tilespmem:s23+$0x0]  }
0x22e: {  	v3 =	vadd.f32 v3, v7;
	v7 =	vld [tilespmem:s4+$0x0]  }
0x22f: {  	s12 =	sor.u32 s24, s3;
	v1 =	vadd.f32 v4, v1;
	v4 =	vld [tilespmem:s4+$0x80]  }
0x230: {  	v3 =	vadd.f32 v5, v3;
	v5 =	vld [tilespmem:s12+$0x0];
	v2 =	vadd.f32 v9, v2  }
0x231: {  	s0 =	sadd.s32 $0x40, s0;
	v9 =	vld [tilespmem:s4+$0x100]  }
0x232: {  	v1 =	vadd.f32 v8, v1;
	v8 =	vld [tilespmem:s12+$0x80];
	[tilespmem:s0+$0x0] =	vst v2;
	v2 =	vadd.f32 v6, v3  }
0x233: {  	v3 =	vld [tilespmem:s4+$0x180]  }
0x234: {  	s13 =	sor.u32 $0x10, s24;
	[tilespmem:s14+$0x0] =	vst v2;
	v2 =	vld [tilespmem:s4+$0x200]  }
0x235: {  	s7 =	sor.u32 s13, s3;
	[tilespmem:s22+$0x0] =	vst v1;
	v4 =	vadd.f32 v4, v7;
	v7 =	vld [tilespmem:s4+$0x280]  }
0x236: {  	v1 =	vld [tilespmem:s7+$0x0]  }
0x237: {  	s20 =	sor.u32 $0x20, s24;
	v6 =	vld [tilespmem:s7+$0x80]  }
0x238: {  	s9 =	sor.u32 s20, s3;
	v10 =	vld [tilespmem:s7+$0x100];
	v4 =	vadd.f32 v9, v4  }
0x239: {  	v9 =	vld [tilespmem:s9+$0x80]  }
0x23a: {  	v5 =	vadd.f32 v8, v5;
	v8 =	vld [tilespmem:s9+$0x0];
	v3 =	vadd.f32 v3, v4  }
0x23b: {  	v4 =	vld [tilespmem:s4+$0x300]  }
0x23c: {  	s17 =	sadd.s32 $0x1A500, s30;
	v2 =	vadd.f32 v2, v3;
	v3 =	vld [tilespmem:s4+$0x380]  }
0x23d: {  	s21 =	sor.u32 s6, s17;
	v1 =	vadd.f32 v6, v1;
	v6 =	vld [tilespmem:s12+$0x100]  }
0x23e: {  	v2 =	vadd.f32 v7, v2;
	v7 =	vld [tilespmem:s21+$0x0]  }
0x23f: {  	s5 =	sadd.s32 $0x1A580, s30;
	v1 =	vadd.f32 v10, v1;
	v10 =	vld [tilespmem:s7+$0x180]  }
0x240: {  	s25 =	sor.u32 s6, s5;
	v2 =	vadd.f32 v4, v2;
	v4 =	vadd.f32 v9, v8;
	v9 =	vld [tilespmem:s9+$0x100]  }
0x241: {  	s8 =	sadd.s32 $0x1A680, s30;
	s31 =	sor.u32 s20, s5;
	s26 =	sadd.s32 $0x1A600, s30;
	v8 =	vld [tilespmem:s25+$0x0]  }
0x242: {  	s23 =	sor.u32 s13, s5;
	s22 =	sor.u32 s24, s5;
	s5 =	sor.u32 s6, s26;
	v2 =	vadd.f32 v3, v2;
	v3 =	vadd.f32 v6, v5;
	v6 =	vld [tilespmem:s12+$0x180]  }
0x243: {  	s18 =	sor.u32 s24, s17;
	s10 =	sor.u32 s6, s8;
	v5 =	vld [tilespmem:s5+$0x0]  }
0x244: {  	s11 =	sadd.s32 $0x1A700, s30;
	s19 =	sor.u32 s13, s17;
	[dreg:$0xc] =	wrdreg s18;
	v2 =	vadd.f32 v7, v2;
	v7 =	vld [tilespmem:s10+$0x0]  }
0x245: {  	s3 =	sor.u32 s20, s17;
	[dreg:$0x6] =	wrdreg s19;
	s14 =	sor.u32 s6, s11;
	v4 =	vadd.f32 v9, v4;
	v9 =	vld [tilespmem:s9+$0x180]  }
0x246: {  	s16 =	sor.u32 s24, s8;
	s18 =	sor.u32 s13, s8;
	[dreg:$0x8] =	wrdreg s23;
	v2 =	vadd.f32 v8, v2;
	v8 =	vld [tilespmem:s14+$0x0]  }
0x247: {  	s19 =	sor.u32 s13, s11;
	[dreg:$0xd] =	wrdreg s22;
	s22 =	sadd.s32 $0x1A780, s30;
	v3 =	vadd.f32 v6, v3;
	v6 =	vld [tilespmem:s12+$0x200]  }
0x248: {  	s29 =	sor.u32 s24, s26;
	s23 =	sor.u32 s6, s22;
	s25 =	sadd.s32 $0x1A800, s30;
	v1 =	vadd.f32 v10, v1;
	v10 =	vld [tilespmem:s7+$0x200];
	v2 =	vadd.f32 v5, v2  }
0x249: {  	s28 =	sor.u32 s13, s26;
	s17 =	sor.u32 s20, s26;
	s26 =	sor.u32 s6, s25;
	v5 =	vld [tilespmem:s23+$0x0]  }
0x24a: {  	[dreg:$0xe] =	wrdreg s28;
	s28 =	sor.u32 s20, s8;
	s8 =	sor.u32 s24, s22;
	v2 =	vadd.f32 v7, v2;
	v7 =	vld [tilespmem:s26+$0x0]  }
0x24b: {  	s4 =	sor.u32 s20, s22;
	s21 =	sor.u32 s24, s11;
	s23 =	sadd.s32 $0x1A880, s30;
	v4 =	vadd.f32 v9, v4;
	v9 =	vld [tilespmem:s9+$0x200]  }
0x24c: {  	s10 =	sor.u32 s20, s11;
	s11 =	sor.u32 s13, s22;
	s22 =	sor.u32 s6, s23;
	v2 =	vadd.f32 v8, v2;
	v3 =	vadd.f32 v6, v3;
	v6 =	vld [tilespmem:s7+$0x280]  }
0x24d: {  	v8 =	vld [tilespmem:s22+$0x0]  }
0x24e: {  	v2 =	vadd.f32 v5, v2;
	v5 =	vld [tilespmem:s12+$0x280]  }
0x24f: {  	v1 =	vadd.f32 v10, v1;
	v10 =	vld [tilespmem:s12+$0x300]  }
0x250: {  	[dreg:$0x9] =	wrdreg s3;
	s3 =	sor.u32 s24, s25;
	s5 =	sor.u32 s13, s25;
	v2 =	vadd.f32 v7, v2;
	v7 =	vld [tilespmem:s9+$0x280]  }
0x251: {  	s30 =	sor.u32 s20, s25;
	s25 =	sor.u32 s24, s23;
	s24 =	sand.u32 $0x380, s15;
	v1 =	vadd.f32 v6, v1;
	v6 =	vld [tilespmem:s7+$0x380]  }
0x252: {  	s24 =	sadd.s32 $0x18E80, s24;
	v2 =	vadd.f32 v8, v2;
	v8 =	vld [tilespmem:s7+$0x300]  }
0x253: {  	s6 =	sor.u32 s6, s24;
	v4 =	vadd.f32 v9, v4;
	v3 =	vadd.f32 v5, v3;
	v5 =	vld [tilespmem:s9+$0x300]  }
0x254: {  	[tilespmem:s6+$0x0] =	vst v2;
	v2 =	vld [tilespmem:s12+$0x380]  }
0x255: {  	v4 =	vadd.f32 v7, v4;
	v7 =	vld [tilespmem:s9+$0x380]  }
0x256: {  	v3 =	vadd.f32 v10, v3;
	s9 =	rddreg [dreg:$0xc];
	v10 =	vld [tilespmem:s8+$0x0]  }
0x257: {  	s26 =	sor.u32 s13, s23;
	s12 =	rddreg [dreg:$0x6];
	v9 =	vld [tilespmem:s9+$0x0]  }
0x258: {  	s23 =	sor.u32 s20, s23;
	s14 =	sor.u32 s20, s24;
	s20 =	rddreg [dreg:$0xd];
	v1 =	vadd.f32 v8, v1;
	v8 =	vld [tilespmem:s12+$0x0]  }
0x259: {  	s22 =	sor.u32 s13, s24;
	s13 =	rddreg [dreg:$0x9];
	v4 =	vadd.f32 v5, v4;
	v5 =	vld [tilespmem:s20+$0x0]  }
0x25a: {  	s24 =	rddreg [dreg:$0x8];
	v2 =	vadd.f32 v2, v3;
	v3 =	vld [tilespmem:s13+$0x0]  }
0x25b: {  	v1 =	vadd.f32 v6, v1;
	v6 =	vld [tilespmem:s24+$0x0]  }
0x25c: {  	v4 =	vadd.f32 v7, v4;
	v7 =	vld [tilespmem:s31+$0x0]  }
0x25d: {  	s31 =	rddreg [dreg:$0xe];
	v2 =	vadd.f32 v9, v2;
	v9 =	vld [tilespmem:s29+$0x0]  }
0x25e: {  	v1 =	vadd.f32 v8, v1;
	v8 =	vld [tilespmem:s31+$0x0]  }
0x25f: {  	v2 =	vadd.f32 v5, v2;
	v5 =	vld [tilespmem:s16+$0x0]  }
0x260: {  	v3 =	vadd.f32 v3, v4;
	v4 =	vld [tilespmem:s17+$0x0]  }
0x261: {  	v1 =	vadd.f32 v6, v1;
	v6 =	vld [tilespmem:s18+$0x0]  }
0x262: {  	v3 =	vadd.f32 v7, v3;
	v7 =	vld [tilespmem:s28+$0x0]  }
0x263: {  	v2 =	vadd.f32 v9, v2;
	v9 =	vld [tilespmem:s21+$0x0]  }
0x264: {  	s1 =	sadd.s32 $0x4, s1;
	v1 =	vadd.f32 v8, v1;
	v8 =	vld [tilespmem:s19+$0x0]  }
0x265: {  	p6 =	slt.u32 s1, $0x24;
	v2 =	vadd.f32 v5, v2;
	v5 =	vld [tilespmem:s10+$0x0];
	v3 =	vadd.f32 v4, v3  }
.Ltmp10:
0x266: {  	v4 =	vadd.f32 v6, v1;
	v1 =	vld [tilespmem:s11+$0x0];
	(pc) =	sbr.rel @p6 .LBB2_19-.Ltmp10, $4  }
0x267: {  	v6 =	vadd.f32 v7, v3;
	v3 =	vld [tilespmem:s4+$0x0]  }
0x268: {  	v9 =	vadd.f32 v9, v2;
	v2 =	vld [tilespmem:s3+$0x0]  }
0x269: {  	v8 =	vadd.f32 v8, v4;
	v4 =	vld [tilespmem:s5+$0x0]  }
0x26a: {  	s2 =	sadd.s32 $0x200, s2;
	s15 =	sadd.s32 $0x40, s15;
	v7 =	vadd.f32 v5, v6;
	v6 =	vadd.f32 v10, v9;
	v5 =	vld [tilespmem:s30+$0x0]  }
0x26b: {  	v9 =	vld [tilespmem:s25+$0x0]  }
0x26c: {  	v10 =	vld [tilespmem:s26+$0x0]  }
0x26d: {  	v1 =	vadd.f32 v1, v8;
	v8 =	vld [tilespmem:s23+$0x0]  }
0x26e: {  	v3 =	vadd.f32 v3, v7;
	v2 =	vadd.f32 v2, v6  }
0x26f: {  	v1 =	vadd.f32 v4, v1  }
0x270: {  	v3 =	vadd.f32 v5, v3;
	v2 =	vadd.f32 v9, v2  }
0x271: {  	s0 =	sadd.s32 $0x40, s0;
	v1 =	vadd.f32 v10, v1  }
0x272: {  	[tilespmem:s0+$0x0] =	vst v2;
	v2 =	vadd.f32 v8, v3  }
0x273: {  	[tilespmem:s22+$0x0] =	vst v1  }
0x274: {  	[tilespmem:s14+$0x0] =	vst v2  }
0x275: {  	s1 =	simm.s32 $0x18E80;
	s18 =	simm.s32 $0x2;
	s0 =	rddreg [dreg:$0x1a]  }
0x276: {  	[spmem:s0] =	stream.linear.scatter [tilespmem:s1], [sflag:$0x2], $0x280, $0x38;
	[tilespmem:$0x1E380] =	vst v63  }
0x277: {  	_ =	swait.ge [sflag:s18], $0x280  }
0x278: {  	[sflag:s18] =	ssyncset.done $0x0  }
0x279: {  	[sflag:s18] =	ssyncadd.s32 $0xFFFFFD80  }
0x27a: {  	[bflag:$0x0] =	sbarrier.arrive $0xFFFF  }
0x27b: {  	s19 =	simm.s32 $0x13B80;
	s8 =	rddreg [dreg:$0x4]  }
0x27c: {  	[tilespmem:s19], [sflag:$0x2] =	stream.linear.gather [spmem:s8], $0x2800, $0x38;
	[tilespmem:$0x1E380] =	vst v63  }
0x27d: {  	_ =	swait.ge [sflag:s18], $0x2800  }
0x27e: {  	s10 =	simm.s32 $0x30;
	s17 =	rddreg [dreg:$0x16]  }
0x27f: {  	s2 =	simm.s32 $0x0;
	s12 =	simm.s32 $0x10;
	s9 =	sadd.s32 $0x0, s17  }
0x280: {  	s11 =	sand.u32 $0x70, s10;
	[sflag:s18] =	ssyncset.done $0x0;
	s3 =	sand.u32 $0x7F80, s9  }
0x281: {  	s13 =	sand.u32 $0x40, s2;
	[sflag:s18] =	ssyncadd.s32 $0xFFFFD800;
	s10 =	sor.u32 s11, s3  }
0x282: {  	s1 =	sand.u32 $0x50, s12;
	s0 =	sor.u32 s13, s3;
	v1 =	vld [tilespmem:s10+$0x13B80]  }
0x283: {  	s12 =	sor.u32 s1, s3;
	v2 =	vld [tilespmem:s0+$0x13B80]  }
0x284: {  	v3 =	vld [tilespmem:s12+$0x13B80]  }
0x285: {  	s14 =	simm.s32 $0x20  }
0x286: {  	s1 =	sand.u32 $0x60, s14  }
0x287: {  	s13 =	sor.u32 s1, s3;
	v1 =	vadd.f32 $1.000000020e-16, v1  }
0x288: {  	s16 =	simm.s32 $0x70;
	s20 =	simm.s32 $0x40;
	s15 =	sadd.s32 $0x40, s17;
	v4 =	vld [tilespmem:s13+$0x13B80];
	v2 =	vadd.f32 $1.000000020e-16, v2  }
0x289: {  	s5 =	simm.s32 $0x18C20;
	s21 =	sand.u32 $0x70, s16;
	s4 =	sand.u32 $0x7F80, s15;
	(erf) = vrcp.f32 v1;
	v1 =	vadd.f32 $1.000000020e-16, v3  }
0x28a: {  	s23 =	sand.u32 $0x40, s20;
	s22 =	simm.s32 $0x50;
	v5 =	vld [tilespmem:s5+$0x10];
	s6 =	sor.u32 s21, s4;
	(erf) = vrcp.f32 v2  }
0x28b: {  	s24 =	simm.s32 $0x60;
	s2 =	sand.u32 $0x50, s22;
	s1 =	sor.u32 s23, s4;
	v3 =	vld [tilespmem:s6+$0x13B80];
	(erf) = vrcp.f32 v1  }
0x28c: {  	s2 =	sor.u32 s2, s4;
	s3 =	sand.u32 $0x60, s24;
	v2 =	vld [tilespmem:s1+$0x13B80]  }
0x28d: {  	s7 =	sor.u32 s3, s4;
	v4 =	vadd.f32 $1.000000020e-16, v4;
	v1 =	vld [tilespmem:s2+$0x13B80]  }
0x28e: {  	s26 =	simm.s32 $0xB0;
	s25 =	sadd.s32 $0x80, s17;
	v6 =	vld [tilespmem:s7+$0x13B80]  }
0x28f: {  	s28 =	sand.u32 $0x70, s26;
	v7 =	vld [tilespmem:s5+$0xFFFFFFE0];
	s11 =	sand.u32 $0x7F80, s25;
	(erf) = vrcp.f32 v4  }
0x290: {  	s29 =	simm.s32 $0x80;
	v8 =	vld [tilespmem:s5+$0xFFFFFFF0];
	s9 =	sor.u32 s28, s11;
	v3 =	vadd.f32 $1.000000020e-16, v3  }
0x291: {  	s30 =	simm.s32 $0x90;
	s4 =	sand.u32 $0x40, s29;
	v4 =	vadd.f32 $1.000000020e-16, v2;
	v2 =	vld [tilespmem:s9+$0x13B80]  }
0x292: {  	s8 =	sand.u32 $0x50, s30;
	s3 =	sor.u32 s4, s11;
	(erf) = vrcp.f32 v3;
	v3 =	vadd.f32 $1.000000020e-16, v1;
	v1 =	vld [tilespmem:s5+$0x0];
	v62 =	vpop (erf)  }
0x293: {  	s31 =	simm.s32 $0xA0;
	s14 =	sor.u32 s8, s11;
	v63 =	vadd.f32 $1.000000020e-16, v6;
	(erf) = vrcp.f32 v4;
	v4 =	vld [tilespmem:s3+$0x13B80];
	v9 =	vmul.f32 v62, v5;
	v6 =	vpop (erf)  }
0x294: {  	s4 =	sand.u32 $0x60, s31;
	s5 =	simm.s32 $0x18C60;
	(erf) = vrcp.f32 v3;
	v5 =	vld [tilespmem:s14+$0x13B80];
	v6 =	vmul.f32 v6, v7;
	v7 =	vpop (erf)  }
0x295: {  	s8 =	simm.s32 $0x8;
	s4 =	sor.u32 s4, s11;
	v3 =	vld [tilespmem:s5+$0x10];
	(erf) = vrcp.f32 v63;
	[tilespmem:s10+$0x16380] =	vst v9;
	s10 =	simm.s32 $0xC0;
	v7 =	vmul.f32 v7, v8  }
.LBB2_21:
0x296: {  	s11 =	sadd.s32 s10, s17  }
0x297: {  	s15 =	sadd.s32 $0x30, s10;
	s8 =	sadd.s32 $0x4, s8;
	[tilespmem:s0+$0x16380] =	vst v6;
	s0 =	smov.u32 s1  }
0x298: {  	v8 =	vld [tilespmem:s4+$0x13B80];
	v2 =	vadd.f32 $1.000000020e-16, v2;
	v6 =	vpop (erf);
	s1 =	smov.u32 s3;
	s16 =	smov.u32 s4;
	s4 =	sand.u32 $0x7F80, s11  }
0x299: {  	s3 =	sand.u32 $0x70, s15;
	p6 =	slt.u32 s8, $0x24;
	v9 =	vld [tilespmem:s5+$0xFFFFFFE0];
	[tilespmem:s12+$0x16380] =	vst v7;
	v1 =	vmul.f32 v6, v1;
	s11 =	sadd.s32 $0x10, s10  }
0x29a: {  	s12 =	sadd.s32 $0x20, s10;
	s15 =	sor.u32 s3, s4;
	v4 =	vadd.f32 $1.000000020e-16, v4;
	(erf) = vrcp.f32 v2;
	v7 =	vld [tilespmem:s5+$0xFFFFFFF0];
	s3 =	sand.u32 $0x40, s10  }
.Ltmp11:
0x29b: {  	s11 =	sand.u32 $0x50, s11;
	s12 =	sand.u32 $0x60, s12;
	v2 =	vld [tilespmem:s15+$0x13B80];
	v5 =	vadd.f32 $1.000000020e-16, v5;
	v6 =	vpop (erf);
	[tilespmem:s13+$0x16380] =	vst v1;
	(pc) =	sbr.rel @p6 .LBB2_21-.Ltmp11, $4  }
0x29c: {  	s3 =	sor.u32 s3, s4;
	s11 =	sor.u32 s11, s4;
	s4 =	sor.u32 s12, s4;
	(erf) = vrcp.f32 v4;
	v1 =	vld [tilespmem:s5+$0x0];
	v3 =	vmul.f32 v6, v3  }
0x29d: {  	s12 =	smov.u32 s2;
	s2 =	smov.u32 s14;
	s14 =	smov.u32 s11;
	v4 =	vld [tilespmem:s3+$0x13B80];
	v8 =	vadd.f32 $1.000000020e-16, v8;
	(erf) = vrcp.f32 v5;
	v6 =	vpop (erf)  }
0x29e: {  	s5 =	sadd.s32 $0x40, s5;
	v5 =	vld [tilespmem:s14+$0x13B80];
	v6 =	vmul.f32 v6, v9;
	[tilespmem:s6+$0x16380] =	vst v3;
	v9 =	vpop (erf);
	s6 =	smov.u32 s9;
	s9 =	smov.u32 s15  }
0x29f: {  	s10 =	sadd.s32 $0x40, s10;
	s13 =	smov.u32 s7;
	s7 =	smov.u32 s16;
	v3 =	vld [tilespmem:s5+$0x10];
	(erf) = vrcp.f32 v8;
	v7 =	vmul.f32 v9, v7  }
0x2a0: {  	v8 =	vld [tilespmem:s4+$0x13B80];
	_ =	sdelay $0x1  }
0x2a1: {  	v2 =	vadd.f32 $1.000000020e-16, v2  }
0x2a2: {  	v4 =	vadd.f32 $1.000000020e-16, v4  }
0x2a3: {  	(erf) = vrcp.f32 v2;
	v2 =	vadd.f32 $1.000000020e-16, v5  }
0x2a4: {  	(erf) = vrcp.f32 v4;
	v54 =	vadd.f32 $1.000000020e-16, v8  }
0x2a5: {  	v55 =	vld [tilespmem:s5+$0xFFFFFFE0];
	v56 =	vpop (erf);
	(erf) = vrcp.f32 v2  }
0x2a6: {  	v9 =	vpop (erf);
	v2 =	vld [tilespmem:s5+$0xFFFFFFF0];
	(erf) = vrcp.f32 v54  }
0x2a7: {  	v57 =	vld [tilespmem:s5+$0x0];
	s31 =	sadd.s32 $0x40, s5;
	v3 =	vmul.f32 v9, v3  }
0x2a8: {  	[tilespmem:s0+$0x16380] =	vst v6;
	v1 =	vmul.f32 v56, v1;
	v58 =	vld [tilespmem:s31+$0x10]  }
0x2a9: {  	[tilespmem:s12+$0x16380] =	vst v7;
	v60 =	vld [tilespmem:s31+$0xFFFFFFE0];
	v59 =	vpop (erf)  }
0x2aa: {  	v62 =	vld [tilespmem:s31+$0xFFFFFFF0];
	[tilespmem:s13+$0x16380] =	vst v1;
	v1 =	vmul.f32 v59, v55;
	v61 =	vpop (erf)  }
0x2ab: {  	v63 =	vld [tilespmem:s31+$0x0];
	[tilespmem:s6+$0x16380] =	vst v3;
	v3 =	vpop (erf);
	v2 =	vmul.f32 v61, v2  }
0x2ac: {  	[tilespmem:s1+$0x16380] =	vst v1;
	v1 =	vmul.f32 v3, v57;
	v3 =	vpop (erf)  }
0x2ad: {  	[tilespmem:s2+$0x16380] =	vst v2;
	v2 =	vmul.f32 v3, v58;
	v3 =	vpop (erf)  }
.Ltmp12:
0x2ae: {  	[tilespmem:s7+$0x16380] =	vst v1;
	v1 =	vmul.f32 v3, v60;
	v3 =	vpop (erf);
	(pc) =	sbr.rel @p0 .LBB2_26-.Ltmp12, $4  }
0x2af: {  	[tilespmem:s9+$0x16380] =	vst v2;
	v2 =	vmul.f32 v3, v62;
	v3 =	vpop (erf)  }
0x2b0: {  	[tilespmem:s3+$0x16380] =	vst v1;
	v1 =	vmul.f32 v3, v63  }
0x2b1: {  	[tilespmem:s14+$0x16380] =	vst v2  }
0x2b2: {  	s3 =	simm.s32 $0x80;
	[tilespmem:s4+$0x16380] =	vst v1;
	s4 =	simm.s32 $0x16380  }
0x2b3: {  	s1 =	simm.s32 $0x5080  }
0x2b4: {  	v1 =	vld [tilespmem:s1+$0x70]  }
0x2b5: {  	v2 =	vld [tilespmem:s1+$0x0]  }
0x2b6: {  	v3 =	vld [tilespmem:s1+$0x10]  }
0x2b7: {  	v4 =	vld [tilespmem:s1+$0x20]  }
0x2b8: {  	v5 =	vld [tilespmem:s1+$0x30]  }
0x2b9: {  	v6 =	vld [tilespmem:s1+$0x40]  }
0x2ba: {  	v7 =	vld [tilespmem:s1+$0x50]  }
0x2bb: {  	v8 =	vld [tilespmem:s1+$0x60]  }
0x2bc: {  	v9 =	vld [tilespmem:s1+$0xFFFFFF90]  }
0x2bd: {  	v10 =	vld [tilespmem:s1+$0xFFFFFFB0]  }
0x2be: {  	v1 =	vld.idx.msk [tilespmem:v1+s19+$0x0], $0xffff  }
0x2bf: {  	v11 =	vld [tilespmem:s1+$0xFFFFFFC0]  }
0x2c0: {  	v2 =	vld.idx.msk [tilespmem:v2+s19+$0x0], $0xffff  }
0x2c1: {  	s0 =	simm.s32 $0xED40;
	v3 =	vld.idx.msk [tilespmem:v3+s19+$0x0], $0xffff  }
0x2c2: {  	v51 =	vld [tilespmem:s0+$0x30]  }
0x2c3: {  	v4 =	vld.idx.msk [tilespmem:v4+s19+$0x0], $0xffff;
	v1 =	vadd.f32 $1.000000020e-16, v1  }
0x2c4: {  	v5 =	vld.idx.msk [tilespmem:v5+s19+$0x0], $0xffff  }
0x2c5: {  	v6 =	vld.idx.msk [tilespmem:v6+s19+$0x0], $0xffff;
	(erf) = vrcp.f32 v1;
	v1 =	vadd.f32 $1.000000020e-16, v2  }
0x2c6: {  	v7 =	vld.idx.msk [tilespmem:v7+s19+$0x0], $0xffff;
	v3 =	vadd.f32 $1.000000020e-16, v3  }
0x2c7: {  	v8 =	vld.idx.msk [tilespmem:v8+s19+$0x0], $0xffff;
	(erf) = vrcp.f32 v1  }
0x2c8: {  	v12 =	vld [tilespmem:s0+$0xFFFFFFC0];
	v1 =	vadd.f32 $1.000000020e-16, v4;
	(erf) = vrcp.f32 v3  }
0x2c9: {  	v50 =	vadd.f32 $1.000000020e-16, v5;
	v3 =	vld [tilespmem:s1+$0xFFFFFFF0]  }
0x2ca: {  	v52 =	vld [tilespmem:s0+$0xFFFFFFD0];
	v6 =	vadd.f32 $1.000000020e-16, v6;
	(erf) = vrcp.f32 v1  }
0x2cb: {  	v54 =	vld [tilespmem:s0+$0xFFFFFFE0];
	v1 =	vadd.f32 $1.000000020e-16, v7;
	(erf) = vrcp.f32 v50  }
0x2cc: {  	v56 =	vld [tilespmem:s0+$0x0];
	v53 =	vadd.f32 $1.000000020e-16, v8;
	(erf) = vrcp.f32 v6  }
0x2cd: {  	v57 =	vld [tilespmem:s0+$0x10];
	(erf) = vrcp.f32 v1  }
0x2ce: {  	v2 =	vld [tilespmem:s1+$0xFFFFFFA0];
	v55 =	vpop (erf);
	(erf) = vrcp.f32 v53  }
0x2cf: {  	v58 =	vld [tilespmem:s1+$0xFFFFFFD0];
	v5 =	vmul.f32 v55, v51  }
0x2d0: {  	v1 =	vld [tilespmem:s0+$0xFFFFFFF0];
	v13 =	vpop (erf)  }
0x2d1: {  	[tilespmem:v3+s4+$0x0] =	vst.idx.add.f32.msk $0xffff, v5;
	v3 =	vpop (erf)  }
0x2d2: {  	v59 =	vld [tilespmem:s1+$0xFFFFFFE0];
	v3 =	vmul.f32 v3, v52  }
0x2d3: {  	v15 =	vld [tilespmem:s0+$0x20];
	v14 =	vpop (erf)  }
0x2d4: {  	v6 =	vmul.f32 v14, v54;
	v60 =	vpop (erf);
	[tilespmem:v9+s4+$0x0] =	vst.idx.add.f32.msk $0xffff, v3  }
0x2d5: {  	v3 =	vmul.f32 v60, v1;
	v61 =	vpop (erf);
	v1 =	vld [tilespmem:s1+$0xFFFFFF80]  }
0x2d6: {  	v7 =	vmul.f32 v61, v56;
	v62 =	vpop (erf);
	[tilespmem:v2+s4+$0x0] =	vst.idx.add.f32.msk $0xffff, v6  }
0x2d7: {  	v2 =	vmul.f32 v62, v57;
	[tilespmem:v10+s4+$0x0] =	vst.idx.add.f32.msk $0xffff, v3;
	v63 =	vpop (erf)  }
0x2d8: {  	[tilespmem:v11+s4+$0x0] =	vst.idx.add.f32.msk $0xffff, v7;
	v3 =	vmul.f32 v63, v15  }
0x2d9: {  	[tilespmem:v58+s4+$0x0] =	vst.idx.add.f32.msk $0xffff, v2  }
0x2da: {  	s2 =	simm.s32 $0x5180;
	s1 =	simm.s32 $0x0;
	v2 =	vmul.f32 v13, v12;
	[tilespmem:v59+s4+$0x0] =	vst.idx.add.f32.msk $0xffff, v3  }
.LBB2_24:
0x2db: {  	v3 =	vld [tilespmem:s2+$0x70];
	s1 =	sadd.s32 $0x8, s1  }
0x2dc: {  	v4 =	vld [tilespmem:s2+$0x0];
	p6 =	slt.u32 s1, $0x4E0  }
0x2dd: {  	v5 =	vld [tilespmem:s2+$0x10]  }
0x2de: {  	v6 =	vld [tilespmem:s2+$0x20]  }
0x2df: {  	v7 =	vld [tilespmem:s2+$0x30]  }
0x2e0: {  	v8 =	vld [tilespmem:s2+$0x40]  }
0x2e1: {  	v9 =	vld [tilespmem:s2+$0x50]  }
0x2e2: {  	v10 =	vld [tilespmem:s2+$0x60]  }
0x2e3: {  	v3 =	vld.idx.msk [tilespmem:v3+s19+$0x0], $0xffff  }
0x2e4: {  	v4 =	vld.idx.msk [tilespmem:v4+s19+$0x0], $0xffff  }
0x2e5: {  	v5 =	vld.idx.msk [tilespmem:v5+s19+$0x0], $0xffff  }
0x2e6: {  	v6 =	vld.idx.msk [tilespmem:v6+s19+$0x0], $0xffff  }
0x2e7: {  	v7 =	vld.idx.msk [tilespmem:v7+s19+$0x0], $0xffff  }
0x2e8: {  	v8 =	vld.idx.msk [tilespmem:v8+s19+$0x0], $0xffff  }
0x2e9: {  	v3 =	vadd.f32 $1.000000020e-16, v3;
	v9 =	vld.idx.msk [tilespmem:v9+s19+$0x0], $0xffff  }
0x2ea: {  	v4 =	vadd.f32 $1.000000020e-16, v4;
	v10 =	vld.idx.msk [tilespmem:v10+s19+$0x0], $0xffff  }
0x2eb: {  	v5 =	vadd.f32 $1.000000020e-16, v5;
	v11 =	vld [tilespmem:s2+$0xFFFFFF90];
	(erf) = vrcp.f32 v3  }
0x2ec: {  	v6 =	vadd.f32 $1.000000020e-16, v6;
	v3 =	vld [tilespmem:s2+$0xFFFFFFA0];
	(erf) = vrcp.f32 v4  }
0x2ed: {  	v7 =	vadd.f32 $1.000000020e-16, v7;
	v4 =	vld [tilespmem:s2+$0xFFFFFFB0];
	(erf) = vrcp.f32 v5  }
0x2ee: {  	v8 =	vadd.f32 $1.000000020e-16, v8;
	v5 =	vld [tilespmem:s2+$0xFFFFFFC0];
	(erf) = vrcp.f32 v6  }
0x2ef: {  	s0 =	sadd.s32 $0x80, s0;
	v6 =	vadd.f32 $1.000000020e-16, v9;
	v9 =	vld [tilespmem:s2+$0xFFFFFFF0];
	(erf) = vrcp.f32 v7  }
0x2f0: {  	v7 =	vadd.f32 $1.000000020e-16, v10;
	v10 =	vld [tilespmem:s0+$0x30];
	(erf) = vrcp.f32 v8  }
0x2f1: {  	v8 =	vld [tilespmem:s0+$0xFFFFFFC0];
	(erf) = vrcp.f32 v6  }
0x2f2: {  	v6 =	vld [tilespmem:s0+$0xFFFFFFD0];
	(erf) = vrcp.f32 v7  }
0x2f3: {  	v7 =	vld [tilespmem:s0+$0xFFFFFFE0]  }
0x2f4: {  	v12 =	vld [tilespmem:s0+$0xFFFFFFF0];
	v13 =	vpop (erf)  }
0x2f5: {  	v14 =	vld [tilespmem:s0+$0x0];
	v16 =	vmul.f32 v13, v10;
	v13 =	vpop (erf)  }
0x2f6: {  	v8 =	vmul.f32 v13, v8;
	v13 =	vld [tilespmem:s0+$0x10];
	v15 =	vpop (erf)  }
0x2f7: {  	v6 =	vmul.f32 v15, v6;
	[tilespmem:v9+s4+$0x0] =	vst.idx.add.f32.msk $0xffff, v16;
	v9 =	vpop (erf)  }
0x2f8: {  	v7 =	vmul.f32 v9, v7;
	v9 =	vld [tilespmem:s0+$0x20];
	v10 =	vpop (erf)  }
0x2f9: {  	v10 =	vmul.f32 v10, v12;
	v12 =	vld [tilespmem:s2+$0xFFFFFFD0];
	v15 =	vpop (erf)  }
0x2fa: {  	v14 =	vmul.f32 v15, v14;
	v15 =	vld [tilespmem:s2+$0xFFFFFFE0];
	v16 =	vpop (erf)  }
0x2fb: {  	v17 =	vld [tilespmem:s2+$0xFFFFFF80];
	v13 =	vmul.f32 v16, v13;
	v16 =	vpop (erf)  }
0x2fc: {  	[tilespmem:v1+s4+$0x0] =	vst.idx.add.f32.msk $0xffff, v2;
	v2 =	vmov v8  }
0x2fd: {  	[tilespmem:v11+s4+$0x0] =	vst.idx.add.f32.msk $0xffff, v6;
	v6 =	vmul.f32 v16, v9  }
.Ltmp13:
0x2fe: {  	[tilespmem:v3+s4+$0x0] =	vst.idx.add.f32.msk $0xffff, v7;
	(pc) =	sbr.rel @p6 .LBB2_24-.Ltmp13, $4  }
0x2ff: {  	[tilespmem:v4+s4+$0x0] =	vst.idx.add.f32.msk $0xffff, v10  }
0x300: {  	[tilespmem:v5+s4+$0x0] =	vst.idx.add.f32.msk $0xffff, v14;
	v1 =	vmov v17  }
0x301: {  	[tilespmem:v12+s4+$0x0] =	vst.idx.add.f32.msk $0xffff, v13  }
0x302: {  	s2 =	sadd.s32 $0x100, s2;
	[tilespmem:v15+s4+$0x0] =	vst.idx.add.f32.msk $0xffff, v6  }
0x303: {  	_ =	sdelay $0x3  }
0x304: {  	[tilespmem:v1+s4+$0x0] =	vst.idx.add.f32.msk $0xffff, v2  }
.LBB2_26:
.Ltmp14:
0x305: {  	(pc) =	sbr.rel @!p5 .LBB2_30-.Ltmp14, $1  }
0x306: {  	_ =	sdelay $0x3  }
0x307: {  	s1 =	simm.s32 $0x5080  }
0x308: {  	v1 =	vld [tilespmem:s1+$0x70]  }
0x309: {  	v2 =	vld [tilespmem:s1+$0x0]  }
0x30a: {  	v3 =	vld [tilespmem:s1+$0x10]  }
0x30b: {  	v4 =	vld [tilespmem:s1+$0x20]  }
0x30c: {  	v5 =	vld [tilespmem:s1+$0x30]  }
0x30d: {  	v6 =	vld [tilespmem:s1+$0x40]  }
0x30e: {  	v7 =	vld [tilespmem:s1+$0x50]  }
0x30f: {  	v8 =	vld [tilespmem:s1+$0x60]  }
0x310: {  	v9 =	vld [tilespmem:s1+$0xFFFFFF90]  }
0x311: {  	v10 =	vld [tilespmem:s1+$0xFFFFFFB0]  }
0x312: {  	v1 =	vld.idx.msk [tilespmem:v1+s19+$0x0], $0xffff  }
0x313: {  	v11 =	vld [tilespmem:s1+$0xFFFFFFC0]  }
0x314: {  	v2 =	vld.idx.msk [tilespmem:v2+s19+$0x0], $0xffff  }
0x315: {  	s0 =	simm.s32 $0xED40;
	v3 =	vld.idx.msk [tilespmem:v3+s19+$0x0], $0xffff  }
0x316: {  	v51 =	vld [tilespmem:s0+$0x30]  }
0x317: {  	v4 =	vld.idx.msk [tilespmem:v4+s19+$0x0], $0xffff;
	v1 =	vadd.f32 $1.000000020e-16, v1  }
0x318: {  	v5 =	vld.idx.msk [tilespmem:v5+s19+$0x0], $0xffff  }
0x319: {  	v6 =	vld.idx.msk [tilespmem:v6+s19+$0x0], $0xffff;
	(erf) = vrcp.f32 v1;
	v1 =	vadd.f32 $1.000000020e-16, v2  }
0x31a: {  	v7 =	vld.idx.msk [tilespmem:v7+s19+$0x0], $0xffff;
	v3 =	vadd.f32 $1.000000020e-16, v3  }
0x31b: {  	v8 =	vld.idx.msk [tilespmem:v8+s19+$0x0], $0xffff;
	(erf) = vrcp.f32 v1  }
0x31c: {  	v12 =	vld [tilespmem:s0+$0xFFFFFFC0];
	v1 =	vadd.f32 $1.000000020e-16, v4;
	(erf) = vrcp.f32 v3  }
0x31d: {  	v50 =	vadd.f32 $1.000000020e-16, v5;
	v3 =	vld [tilespmem:s1+$0xFFFFFFF0]  }
0x31e: {  	v52 =	vld [tilespmem:s0+$0xFFFFFFD0];
	v6 =	vadd.f32 $1.000000020e-16, v6;
	(erf) = vrcp.f32 v1  }
0x31f: {  	v54 =	vld [tilespmem:s0+$0xFFFFFFE0];
	v1 =	vadd.f32 $1.000000020e-16, v7;
	(erf) = vrcp.f32 v50  }
0x320: {  	v56 =	vld [tilespmem:s0+$0x0];
	v53 =	vadd.f32 $1.000000020e-16, v8;
	(erf) = vrcp.f32 v6  }
0x321: {  	v57 =	vld [tilespmem:s0+$0x10];
	(erf) = vrcp.f32 v1  }
0x322: {  	v2 =	vld [tilespmem:s1+$0xFFFFFFA0];
	v55 =	vpop (erf);
	(erf) = vrcp.f32 v53  }
0x323: {  	v58 =	vld [tilespmem:s1+$0xFFFFFFD0];
	v5 =	vmul.f32 v55, v51  }
0x324: {  	v1 =	vld [tilespmem:s0+$0xFFFFFFF0];
	v13 =	vpop (erf)  }
0x325: {  	[tilespmem:v3+s4+$0x0] =	vst.idx.add.f32.msk $0xffff, v5;
	v3 =	vpop (erf)  }
0x326: {  	v59 =	vld [tilespmem:s1+$0xFFFFFFE0];
	v3 =	vmul.f32 v3, v52  }
0x327: {  	v15 =	vld [tilespmem:s0+$0x20];
	v14 =	vpop (erf)  }
0x328: {  	v6 =	vmul.f32 v14, v54;
	v60 =	vpop (erf);
	[tilespmem:v9+s4+$0x0] =	vst.idx.add.f32.msk $0xffff, v3  }
0x329: {  	v3 =	vmul.f32 v60, v1;
	v61 =	vpop (erf);
	v1 =	vld [tilespmem:s1+$0xFFFFFF80]  }
0x32a: {  	v7 =	vmul.f32 v61, v56;
	v62 =	vpop (erf);
	[tilespmem:v2+s4+$0x0] =	vst.idx.add.f32.msk $0xffff, v6  }
0x32b: {  	v2 =	vmul.f32 v62, v57;
	[tilespmem:v10+s4+$0x0] =	vst.idx.add.f32.msk $0xffff, v3;
	v63 =	vpop (erf)  }
0x32c: {  	[tilespmem:v11+s4+$0x0] =	vst.idx.add.f32.msk $0xffff, v7;
	v3 =	vmul.f32 v63, v15  }
0x32d: {  	[tilespmem:v58+s4+$0x0] =	vst.idx.add.f32.msk $0xffff, v2  }
0x32e: {  	s2 =	simm.s32 $0x5180;
	s1 =	simm.s32 $0x0;
	v2 =	vmul.f32 v13, v12;
	[tilespmem:v59+s4+$0x0] =	vst.idx.add.f32.msk $0xffff, v3  }
.LBB2_28:
0x32f: {  	v3 =	vld [tilespmem:s2+$0x70];
	s1 =	sadd.s32 $0x8, s1  }
0x330: {  	v4 =	vld [tilespmem:s2+$0x0];
	p5 =	slt.u32 s1, $0x4D8  }
0x331: {  	v5 =	vld [tilespmem:s2+$0x10]  }
0x332: {  	v6 =	vld [tilespmem:s2+$0x20]  }
0x333: {  	v7 =	vld [tilespmem:s2+$0x30]  }
0x334: {  	v8 =	vld [tilespmem:s2+$0x40]  }
0x335: {  	v9 =	vld [tilespmem:s2+$0x50]  }
0x336: {  	v10 =	vld [tilespmem:s2+$0x60]  }
0x337: {  	v3 =	vld.idx.msk [tilespmem:v3+s19+$0x0], $0xffff  }
0x338: {  	v4 =	vld.idx.msk [tilespmem:v4+s19+$0x0], $0xffff  }
0x339: {  	v5 =	vld.idx.msk [tilespmem:v5+s19+$0x0], $0xffff  }
0x33a: {  	v6 =	vld.idx.msk [tilespmem:v6+s19+$0x0], $0xffff  }
0x33b: {  	v7 =	vld.idx.msk [tilespmem:v7+s19+$0x0], $0xffff  }
0x33c: {  	v8 =	vld.idx.msk [tilespmem:v8+s19+$0x0], $0xffff  }
0x33d: {  	v3 =	vadd.f32 $1.000000020e-16, v3;
	v9 =	vld.idx.msk [tilespmem:v9+s19+$0x0], $0xffff  }
0x33e: {  	v4 =	vadd.f32 $1.000000020e-16, v4;
	v10 =	vld.idx.msk [tilespmem:v10+s19+$0x0], $0xffff  }
0x33f: {  	v5 =	vadd.f32 $1.000000020e-16, v5;
	v11 =	vld [tilespmem:s2+$0xFFFFFF90];
	(erf) = vrcp.f32 v3  }
0x340: {  	v6 =	vadd.f32 $1.000000020e-16, v6;
	v3 =	vld [tilespmem:s2+$0xFFFFFFA0];
	(erf) = vrcp.f32 v4  }
0x341: {  	v7 =	vadd.f32 $1.000000020e-16, v7;
	v4 =	vld [tilespmem:s2+$0xFFFFFFB0];
	(erf) = vrcp.f32 v5  }
0x342: {  	v8 =	vadd.f32 $1.000000020e-16, v8;
	v5 =	vld [tilespmem:s2+$0xFFFFFFC0];
	(erf) = vrcp.f32 v6  }
0x343: {  	s0 =	sadd.s32 $0x80, s0;
	v6 =	vadd.f32 $1.000000020e-16, v9;
	v9 =	vld [tilespmem:s2+$0xFFFFFFF0];
	(erf) = vrcp.f32 v7  }
0x344: {  	v7 =	vadd.f32 $1.000000020e-16, v10;
	v10 =	vld [tilespmem:s0+$0x30];
	(erf) = vrcp.f32 v8  }
0x345: {  	v8 =	vld [tilespmem:s0+$0xFFFFFFC0];
	(erf) = vrcp.f32 v6  }
0x346: {  	v6 =	vld [tilespmem:s0+$0xFFFFFFD0];
	(erf) = vrcp.f32 v7  }
0x347: {  	v7 =	vld [tilespmem:s0+$0xFFFFFFE0]  }
0x348: {  	v12 =	vld [tilespmem:s0+$0xFFFFFFF0];
	v13 =	vpop (erf)  }
0x349: {  	v14 =	vld [tilespmem:s0+$0x0];
	v16 =	vmul.f32 v13, v10;
	v13 =	vpop (erf)  }
0x34a: {  	v8 =	vmul.f32 v13, v8;
	v13 =	vld [tilespmem:s0+$0x10];
	v15 =	vpop (erf)  }
0x34b: {  	v6 =	vmul.f32 v15, v6;
	[tilespmem:v9+s4+$0x0] =	vst.idx.add.f32.msk $0xffff, v16;
	v9 =	vpop (erf)  }
0x34c: {  	v7 =	vmul.f32 v9, v7;
	v9 =	vld [tilespmem:s0+$0x20];
	v10 =	vpop (erf)  }
0x34d: {  	v10 =	vmul.f32 v10, v12;
	v12 =	vld [tilespmem:s2+$0xFFFFFFD0];
	v15 =	vpop (erf)  }
0x34e: {  	v14 =	vmul.f32 v15, v14;
	v15 =	vld [tilespmem:s2+$0xFFFFFFE0];
	v16 =	vpop (erf)  }
0x34f: {  	v17 =	vld [tilespmem:s2+$0xFFFFFF80];
	v13 =	vmul.f32 v16, v13;
	v16 =	vpop (erf)  }
0x350: {  	[tilespmem:v1+s4+$0x0] =	vst.idx.add.f32.msk $0xffff, v2;
	v2 =	vmov v8  }
0x351: {  	[tilespmem:v11+s4+$0x0] =	vst.idx.add.f32.msk $0xffff, v6;
	v6 =	vmul.f32 v16, v9  }
.Ltmp15:
0x352: {  	[tilespmem:v3+s4+$0x0] =	vst.idx.add.f32.msk $0xffff, v7;
	(pc) =	sbr.rel @p5 .LBB2_28-.Ltmp15, $4  }
0x353: {  	[tilespmem:v4+s4+$0x0] =	vst.idx.add.f32.msk $0xffff, v10  }
0x354: {  	[tilespmem:v5+s4+$0x0] =	vst.idx.add.f32.msk $0xffff, v14;
	v1 =	vmov v17  }
0x355: {  	[tilespmem:v12+s4+$0x0] =	vst.idx.add.f32.msk $0xffff, v13  }
0x356: {  	s2 =	sadd.s32 $0x100, s2;
	[tilespmem:v15+s4+$0x0] =	vst.idx.add.f32.msk $0xffff, v6  }
0x357: {  	_ =	sdelay $0x3  }
0x358: {  	[tilespmem:v1+s4+$0x0] =	vst.idx.add.f32.msk $0xffff, v2  }
.LBB2_30:
0x359: {  	s0 =	rddreg [dreg:$0x18];
	s1 =	simm.s32 $0x400  }
0x35a: {  	[spmem:s0] =	stream.strided.scatter [tilespmem:s4], [sflag:$0x2], $0x2800, s1, s3, $0x38;
	[tilespmem:$0x1E380] =	vst v63  }
0x35b: {  	_ =	swait.ge [sflag:s18], $0x2800  }
0x35c: {  	[sflag:s18] =	ssyncset.done $0x0  }
0x35d: {  	[sflag:s18] =	ssyncadd.s32 $0xFFFFD800  }
0x35e: {  	s22 =	simm.s32 $0x1400;
	s2 =	simm.s32 $0x14000;
	[bflag:$0x0] =	sbarrier.arrive $0xFFFF  }
0x35f: {  	s23 =	simm.s32 $0x19100;
	s1 =	simm.s32 $0x0;
	s21 =	rddreg [dreg:$0x19]  }
0x360: {  	[tilespmem:s23], [sflag:$0x2] =	stream.strided.gather [spmem:s21], $0x2800, s2, s22, $0x38;
	[tilespmem:$0x1E380] =	vst v63  }
0x361: {  	s3 =	sand.u32 $0x40, s1;
	s24 =	sand.u32 $0x1C00, s1;
	_ =	swait.ge [sflag:s18], $0x2800  }
0x362: {  	s5 =	sadd.s32 $0x19100, s24;
	s0 =	sor.u32 $0x30, s3;
	[sflag:s18] =	ssyncset.done $0x0  }
0x363: {  	s6 =	sor.u32 s0, s5;
	[sflag:s18] =	ssyncadd.s32 $0xFFFFD800  }
0x364: {  	v10 =	vld [tilespmem:s6+$0x0]  }
0x365: {  	s7 =	sor.u32 s3, s5;
	v11 =	vld [tilespmem:s6+$0x80]  }
0x366: {  	v12 =	vld [tilespmem:s7+$0x0]  }
0x367: {  	v13 =	vld [tilespmem:s6+$0x100]  }
0x368: {  	s2 =	sor.u32 $0x10, s3;
	v14 =	vld [tilespmem:s7+$0x80]  }
0x369: {  	s8 =	sor.u32 s2, s5;
	v15 =	vld [tilespmem:s6+$0x180]  }
0x36a: {  	v16 =	vld [tilespmem:s8+$0x0]  }
0x36b: {  	v17 =	vld [tilespmem:s6+$0x200]  }
0x36c: {  	s15 =	sor.u32 $0x20, s3;
	v18 =	vld [tilespmem:s8+$0x80]  }
0x36d: {  	s5 =	sor.u32 s15, s5;
	v19 =	vld [tilespmem:s6+$0x280]  }
0x36e: {  	v20 =	vld [tilespmem:s5+$0x0]  }
0x36f: {  	v21 =	vld [tilespmem:s6+$0x300]  }
0x370: {  	v22 =	vld [tilespmem:s5+$0x80]  }
0x371: {  	s9 =	sadd.s32 $0x1A500, s24;
	v9 =	vld [tilespmem:s6+$0x380]  }
0x372: {  	s25 =	sor.u32 s0, s9;
	v23 =	vld [tilespmem:s7+$0x100]  }
0x373: {  	s10 =	sadd.s32 $0x1A580, s24;
	v8 =	vld [tilespmem:s25+$0x0]  }
0x374: {  	s26 =	sor.u32 s0, s10;
	v24 =	vld [tilespmem:s8+$0x100]  }
0x375: {  	s11 =	sadd.s32 $0x1A600, s24;
	v4 =	vld [tilespmem:s26+$0x0]  }
0x376: {  	s14 =	sadd.s32 $0x1A780, s24;
	s28 =	sor.u32 s0, s11;
	v25 =	vld [tilespmem:s5+$0x100]  }
0x377: {  	s31 =	sor.u32 s0, s14;
	v7 =	vld [tilespmem:s28+$0x0]  }
0x378: {  	s12 =	sadd.s32 $0x1A680, s24;
	v1 =	vld [tilespmem:s31+$0x0]  }
0x379: {  	s29 =	sor.u32 s0, s12;
	v26 =	vld [tilespmem:s7+$0x180]  }
0x37a: {  	s13 =	sadd.s32 $0x1A700, s24;
	v6 =	vld [tilespmem:s29+$0x0]  }
0x37b: {  	s30 =	sor.u32 s0, s13;
	v27 =	vld [tilespmem:s8+$0x180]  }
0x37c: {  	s16 =	sadd.s32 $0x1A800, s24;
	v5 =	vld [tilespmem:s30+$0x0]  }
0x37d: {  	s17 =	sor.u32 s0, s16;
	v28 =	vld [tilespmem:s5+$0x180];
	[tilespmem:$0x1FFA0] =	vst v1  }
0x37e: {  	v1 =	vld [tilespmem:s17+$0x0];
	_ =	sdelay $0x3  }
0x37f: {  	s4 =	sadd.s32 $0x1A880, s24  }
0x380: {  	s18 =	sor.u32 s0, s4;
	v29 =	vld [tilespmem:s7+$0x200];
	[tilespmem:$0x1FFB0] =	vst v1  }
0x381: {  	v1 =	vld [tilespmem:s18+$0x0];
	_ =	sdelay $0x4  }
0x382: {  	v30 =	vld [tilespmem:s8+$0x200];
	[tilespmem:$0x1FFC0] =	vst v1  }
0x383: {  	v31 =	vld [tilespmem:s5+$0x200]  }
0x384: {  	v32 =	vld [tilespmem:s7+$0x280]  }
0x385: {  	v33 =	vld [tilespmem:s8+$0x280]  }
0x386: {  	v34 =	vld [tilespmem:s5+$0x280]  }
0x387: {  	v35 =	vld [tilespmem:s7+$0x300]  }
0x388: {  	v36 =	vld [tilespmem:s8+$0x300]  }
0x389: {  	v37 =	vld [tilespmem:s5+$0x300]  }
0x38a: {  	v38 =	vld [tilespmem:s7+$0x380]  }
0x38b: {  	v39 =	vld [tilespmem:s8+$0x380]  }
0x38c: {  	s19 =	sor.u32 s3, s9;
	v40 =	vld [tilespmem:s5+$0x380]  }
0x38d: {  	s20 =	sor.u32 s2, s9;
	v41 =	vld [tilespmem:s19+$0x0]  }
0x38e: {  	s21 =	sor.u32 s15, s9;
	v42 =	vld [tilespmem:s20+$0x0]  }
0x38f: {  	s22 =	sor.u32 s3, s10;
	v43 =	vld [tilespmem:s21+$0x0]  }
0x390: {  	s23 =	sor.u32 s2, s10;
	v44 =	vld [tilespmem:s22+$0x0]  }
0x391: {  	s24 =	sor.u32 s15, s10;
	v45 =	vld [tilespmem:s23+$0x0]  }
0x392: {  	s25 =	sor.u32 s3, s11;
	v46 =	vld [tilespmem:s24+$0x0]  }
0x393: {  	s26 =	sor.u32 s2, s11;
	v47 =	vld [tilespmem:s25+$0x0]  }
0x394: {  	s28 =	sor.u32 s15, s11;
	v48 =	vld [tilespmem:s26+$0x0]  }
0x395: {  	s29 =	sor.u32 s3, s12;
	v49 =	vld [tilespmem:s28+$0x0]  }
0x396: {  	s30 =	sor.u32 s2, s12;
	v50 =	vld [tilespmem:s29+$0x0]  }
0x397: {  	s31 =	sor.u32 s15, s12;
	v51 =	vld [tilespmem:s30+$0x0]  }
0x398: {  	s9 =	sor.u32 s15, s13;
	v52 =	vld [tilespmem:s31+$0x0]  }
0x399: {  	s10 =	sor.u32 s3, s14;
	v55 =	vld [tilespmem:s9+$0x0]  }
0x39a: {  	s11 =	sor.u32 s2, s14;
	v56 =	vld [tilespmem:s10+$0x0]  }
0x39b: {  	s12 =	sor.u32 s15, s14;
	v10 =	vadd.f32 v11, v10;
	v57 =	vld [tilespmem:s11+$0x0]  }
0x39c: {  	s14 =	sor.u32 s2, s16;
	v58 =	vld [tilespmem:s12+$0x0]  }
0x39d: {  	v10 =	vadd.f32 v13, v10;
	s18 =	sor.u32 s2, s4;
	v60 =	vld [tilespmem:s14+$0x0]  }
0x39e: {  	s7 =	sor.u32 s3, s13;
	v63 =	vld [tilespmem:s18+$0x0]  }
0x39f: {  	v10 =	vadd.f32 v15, v10;
	s8 =	sor.u32 s2, s13;
	v53 =	vld [tilespmem:s7+$0x0]  }
0x3a0: {  	s13 =	sor.u32 s3, s16;
	v54 =	vld [tilespmem:s8+$0x0]  }
0x3a1: {  	s17 =	simm.s32 $0x200;
	v10 =	vadd.f32 v17, v10;
	s16 =	sor.u32 s15, s16;
	v59 =	vld [tilespmem:s13+$0x0]  }
0x3a2: {  	s3 =	sor.u32 s3, s4;
	s5 =	sand.u32 $0x1C00, s17;
	v61 =	vld [tilespmem:s16+$0x0];
	s7 =	simm.s32 $0x40  }
0x3a3: {  	v16 =	vadd.f32 v18, v16;
	v10 =	vadd.f32 v19, v10;
	s4 =	sor.u32 s15, s4;
	v62 =	vld [tilespmem:s3+$0x0];
	s19 =	sadd.s32 $0x19100, s5;
	s9 =	sand.u32 $0x40, s7  }
0x3a4: {  	v19 =	vadd.f32 v22, v20;
	v3 =	vld [tilespmem:s4+$0x0];
	s21 =	sor.u32 s9, s19  }
0x3a5: {  	v16 =	vadd.f32 v24, v16;
	v10 =	vadd.f32 v21, v10;
	v2 =	vld [tilespmem:s21+$0x0]  }
0x3a6: {  	v19 =	vadd.f32 v25, v19;
	v25 =	vld [tilespmem:s21+$0x80]  }
0x3a7: {  	v9 =	vadd.f32 v9, v10;
	v10 =	vadd.f32 v27, v16;
	s6 =	sor.u32 $0x30, s9;
	v27 =	vld [tilespmem:s21+$0x100]  }
0x3a8: {  	v19 =	vadd.f32 v28, v19;
	s20 =	sor.u32 s6, s19;
	v28 =	vld [tilespmem:s21+$0x180]  }
0x3a9: {  	v11 =	vld [tilespmem:s20+$0x0]  }
0x3aa: {  	v13 =	vld [tilespmem:s20+$0x80]  }
0x3ab: {  	v15 =	vld [tilespmem:s20+$0x100]  }
0x3ac: {  	v12 =	vadd.f32 v14, v12;
	v1 =	vld [tilespmem:s20+$0x180]  }
0x3ad: {  	v17 =	vld [tilespmem:s20+$0x200]  }
0x3ae: {  	v12 =	vadd.f32 v23, v12;
	v14 =	vld [tilespmem:s20+$0x280]  }
0x3af: {  	s26 =	sadd.s32 $0x1A500, s5;
	v18 =	vld [tilespmem:s20+$0x300]  }
0x3b0: {  	v12 =	vadd.f32 v26, v12;
	s25 =	sadd.s32 $0x1A580, s5;
	s22 =	sor.u32 s6, s26;
	v20 =	vld [tilespmem:s20+$0x380]  }
0x3b1: {  	s24 =	sadd.s32 $0x1A600, s5;
	s23 =	sor.u32 s6, s25;
	v21 =	vld [tilespmem:s22+$0x0]  }
0x3b2: {  	v29 =	vadd.f32 v29, v12;
	v8 =	vadd.f32 v8, v9;
	s13 =	sadd.s32 $0x1A800, s5;
	s28 =	sor.u32 s6, s24;
	v22 =	vld [tilespmem:s23+$0x0]  }
0x3b3: {  	s14 =	sor.u32 $0x10, s9;
	s10 =	sor.u32 s6, s13;
	v16 =	vld [tilespmem:s28+$0x0]  }
0x3b4: {  	s11 =	sor.u32 s14, s19;
	v23 =	vadd.f32 v32, v29;
	v32 =	vadd.f32 v4, v8;
	v8 =	vld [tilespmem:s10+$0x0]  }
0x3b5: {  	v30 =	vadd.f32 v30, v10;
	v26 =	vld [tilespmem:s11+$0x0]  }
0x3b6: {  	v19 =	vadd.f32 v31, v19;
	v29 =	vld [tilespmem:s11+$0x180]  }
0x3b7: {  	v24 =	vadd.f32 v33, v30;
	v30 =	vld [tilespmem:s21+$0x200]  }
0x3b8: {  	s12 =	sadd.s32 $0x1A880, s5;
	s23 =	sadd.s32 $0x1A680, s5;
	v31 =	vld [tilespmem:s11+$0x200];
	v19 =	vadd.f32 v34, v19;
	v23 =	vadd.f32 v35, v23  }
0x3b9: {  	s22 =	sadd.s32 $0x1A700, s5;
	s20 =	sadd.s32 $0x1A780, s5;
	s5 =	sor.u32 s6, s12;
	v33 =	vld [tilespmem:s11+$0x280];
	v7 =	vadd.f32 v7, v32;
	v24 =	vadd.f32 v36, v24  }
0x3ba: {  	s29 =	sor.u32 s6, s23;
	v4 =	vld [tilespmem:s5+$0x0];
	v19 =	vadd.f32 v37, v19;
	v23 =	vadd.f32 v38, v23  }
0x3bb: {  	s30 =	sor.u32 s6, s22;
	v12 =	vld [tilespmem:s29+$0x0];
	v6 =	vadd.f32 v6, v7;
	v7 =	vadd.f32 v39, v24  }
0x3bc: {  	v10 =	vld [tilespmem:s30+$0x0];
	v2 =	vadd.f32 v25, v2;
	v11 =	vadd.f32 v13, v11  }
0x3bd: {  	v37 =	vld [tilespmem:$0x1FFA0];
	v19 =	vadd.f32 v40, v19;
	v23 =	vadd.f32 v41, v23  }
0x3be: {  	s31 =	sor.u32 s6, s20;
	v24 =	vld [tilespmem:s11+$0x80];
	v5 =	vadd.f32 v5, v6;
	v6 =	vadd.f32 v42, v7  }
0x3bf: {  	v9 =	vld [tilespmem:s31+$0x0];
	v2 =	vadd.f32 v27, v2;
	v11 =	vadd.f32 v15, v11  }
0x3c0: {  	v38 =	vld [tilespmem:$0x1FFB0];
	v19 =	vadd.f32 v43, v19;
	v23 =	vadd.f32 v44, v23  }
0x3c1: {  	v7 =	vld [tilespmem:s11+$0x100];
	v6 =	vadd.f32 v45, v6;
	v2 =	vadd.f32 v28, v2  }
0x3c2: {  	v32 =	vld [tilespmem:s21+$0x280];
	v5 =	vadd.f32 v37, v5;
	v1 =	vadd.f32 v1, v11  }
0x3c3: {  	v34 =	vld [tilespmem:s21+$0x300];
	v24 =	vadd.f32 v24, v26;
	v19 =	vadd.f32 v46, v19  }
0x3c4: {  	s30 =	sor.u32 $0x20, s9;
	v39 =	vld [tilespmem:$0x1FFC0];
	v23 =	vadd.f32 v47, v23;
	v6 =	vadd.f32 v48, v6  }
0x3c5: {  	v35 =	vld [tilespmem:s11+$0x300];
	s3 =	sor.u32 s30, s19;
	v2 =	vadd.f32 v30, v2;
	v5 =	vadd.f32 v38, v5  }
0x3c6: {  	v43 =	vld [tilespmem:s3+$0x0];
	v1 =	vadd.f32 v17, v1;
	v7 =	vadd.f32 v7, v24  }
0x3c7: {  	v11 =	vld [tilespmem:s3+$0x80];
	v19 =	vadd.f32 v49, v19;
	v23 =	vadd.f32 v50, v23  }
0x3c8: {  	v13 =	vld [tilespmem:s21+$0x380];
	v6 =	vadd.f32 v51, v6;
	v2 =	vadd.f32 v32, v2  }
0x3c9: {  	v40 =	vld [tilespmem:s11+$0x380];
	v5 =	vadd.f32 v39, v5;
	v1 =	vadd.f32 v14, v1  }
0x3ca: {  	v44 =	vld [tilespmem:s3+$0x100];
	v7 =	vadd.f32 v29, v7;
	v19 =	vadd.f32 v52, v19  }
0x3cb: {  	v45 =	vld [tilespmem:s3+$0x180];
	v23 =	vadd.f32 v53, v23;
	v6 =	vadd.f32 v54, v6  }
0x3cc: {  	v46 =	vld [tilespmem:s3+$0x200];
	v11 =	vadd.f32 v11, v43;
	v2 =	vadd.f32 v34, v2  }
0x3cd: {  	v47 =	vld [tilespmem:s3+$0x280];
	v1 =	vadd.f32 v18, v1;
	v7 =	vadd.f32 v31, v7  }
0x3ce: {  	s16 =	sor.u32 s9, s26;
	v48 =	vld [tilespmem:s3+$0x300];
	v19 =	vadd.f32 v55, v19;
	v23 =	vadd.f32 v56, v23  }
0x3cf: {  	v50 =	vld [tilespmem:s16+$0x0];
	v6 =	vadd.f32 v57, v6;
	v11 =	vadd.f32 v44, v11  }
0x3d0: {  	s17 =	sor.u32 s14, s26;
	v49 =	vld [tilespmem:s3+$0x380];
	v2 =	vadd.f32 v13, v2;
	v1 =	vadd.f32 v20, v1  }
0x3d1: {  	s18 =	sor.u32 s30, s26;
	v51 =	vld [tilespmem:s17+$0x0];
	v7 =	vadd.f32 v33, v7;
	v41 =	vadd.f32 v58, v19  }
0x3d2: {  	s19 =	sor.u32 s9, s25;
	v52 =	vld [tilespmem:s18+$0x0];
	v42 =	vadd.f32 v59, v23;
	v11 =	vadd.f32 v45, v11  }
0x3d3: {  	s21 =	sor.u32 s14, s25;
	v53 =	vld [tilespmem:s19+$0x0];
	v6 =	vadd.f32 v60, v6;
	v1 =	vadd.f32 v21, v1  }
0x3d4: {  	s26 =	sor.u32 s30, s25;
	v54 =	vld [tilespmem:s21+$0x0];
	v2 =	vadd.f32 v50, v2;
	v11 =	vadd.f32 v46, v11  }
0x3d5: {  	s28 =	sor.u32 s9, s24;
	v55 =	vld [tilespmem:s26+$0x0];
	v7 =	vadd.f32 v35, v7;
	v1 =	vadd.f32 v22, v1  }
0x3d6: {  	s29 =	sor.u32 s14, s24;
	v56 =	vld [tilespmem:s28+$0x0];
	v15 =	vadd.f32 v61, v41;
	v11 =	vadd.f32 v47, v11  }
0x3d7: {  	s31 =	sor.u32 s30, s24;
	v57 =	vld [tilespmem:s29+$0x0];
	v19 =	vadd.f32 v62, v42;
	v1 =	vadd.f32 v16, v1  }
0x3d8: {  	s4 =	sor.u32 s9, s23;
	v58 =	vld [tilespmem:s31+$0x0];
	v6 =	vadd.f32 v63, v6;
	v11 =	vadd.f32 v48, v11  }
0x3d9: {  	s5 =	sor.u32 s14, s23;
	v59 =	vld [tilespmem:s4+$0x0];
	v7 =	vadd.f32 v40, v7;
	v1 =	vadd.f32 v12, v1  }
0x3da: {  	s10 =	sor.u32 s9, s22;
	v60 =	vld [tilespmem:s5+$0x0];
	v2 =	vadd.f32 v53, v2;
	v11 =	vadd.f32 v49, v11  }
0x3db: {  	s1 =	sand.u32 $0x380, s1;
	s11 =	sor.u32 s14, s22;
	v61 =	vld [tilespmem:s10+$0x0];
	v7 =	vadd.f32 v51, v7;
	v1 =	vadd.f32 v10, v1  }
0x3dc: {  	s1 =	sadd.s32 $0x18E80, s1;
	s8 =	sor.u32 s30, s23;
	v62 =	vld [tilespmem:s11+$0x0];
	v3 =	vadd.f32 v3, v15;
	v11 =	vadd.f32 v52, v11  }
0x3dd: {  	s2 =	sor.u32 s2, s1;
	s18 =	sor.u32 s9, s20;
	v7 =	vadd.f32 v54, v7;
	v10 =	vld [tilespmem:s8+$0x0];
	v1 =	vadd.f32 v9, v1  }
0x3de: {  	s16 =	sor.u32 s30, s22;
	s17 =	sor.u32 s15, s1;
	s1 =	sor.u32 s0, s1;
	v63 =	vld [tilespmem:s18+$0x0];
	v2 =	vadd.f32 v56, v2;
	v9 =	vadd.f32 v55, v11  }
0x3df: {  	s23 =	sor.u32 s14, s13;
	s22 =	sor.u32 s9, s13;
	[tilespmem:s1+$0x0] =	vst v5;
	v7 =	vadd.f32 v57, v7;
	v11 =	vld [tilespmem:s16+$0x0];
	v8 =	vadd.f32 v8, v1  }
0x3e0: {  	s24 =	sor.u32 s30, s12;
	s25 =	sor.u32 s9, s12;
	s19 =	sor.u32 s14, s20;
	[tilespmem:s17+$0x0] =	vst v3;
	v3 =	vld [tilespmem:s22+$0x0];
	v5 =	vadd.f32 v58, v9;
	v9 =	vadd.f32 v59, v2  }
0x3e1: {  	s0 =	simm.s32 $0x18E80;
	s21 =	sor.u32 s30, s20;
	s29 =	sand.u32 $0x380, s7;
	[tilespmem:s2+$0x0] =	vst v6;
	v2 =	vld [tilespmem:s19+$0x0];
	v6 =	vadd.f32 v4, v8;
	v4 =	vadd.f32 v60, v7  }
0x3e2: {  	s15 =	simm.s32 $0x80;
	s28 =	sor.u32 s30, s13;
	s1 =	sadd.s32 $0x18E80, s29;
	v1 =	vld [tilespmem:s21+$0x0];
	v5 =	vadd.f32 v10, v5;
	v9 =	vadd.f32 v61, v9  }
0x3e3: {  	s26 =	sor.u32 s14, s12;
	s31 =	sor.u32 s6, s1;
	[tilespmem:s0+$0x0] =	vst v19;
	s2 =	simm.s32 $0x400;
	v8 =	vadd.f32 v62, v4;
	v4 =	vld [tilespmem:s23+$0x0]  }
0x3e4: {  	s22 =	sor.u32 s14, s1;
	s14 =	sor.u32 s30, s1;
	s1 =	simm.s32 $0x4;
	[tilespmem:s31+$0x0] =	vst v6;
	v7 =	vadd.f32 v11, v5;
	v6 =	vadd.f32 v63, v9;
	v5 =	vld [tilespmem:s28+$0x0]  }
.LBB2_31:
0x3e5: {  	s23 =	sand.u32 $0x40, s15;
	s30 =	sand.u32 $0x1C00, s2;
	v9 =	vld [tilespmem:s25+$0x0]  }
0x3e6: {  	s3 =	sadd.s32 $0x19100, s30;
	s6 =	sor.u32 $0x30, s23;
	v2 =	vadd.f32 v2, v8;
	v8 =	vld [tilespmem:s26+$0x0]  }
0x3e7: {  	s4 =	sor.u32 s6, s3;
	v3 =	vadd.f32 v3, v6;
	v6 =	vld [tilespmem:s24+$0x0]  }
0x3e8: {  	v1 =	vadd.f32 v1, v7;
	v7 =	vld [tilespmem:s4+$0x0]  }
0x3e9: {  	s12 =	sor.u32 s23, s3;
	v2 =	vadd.f32 v4, v2;
	v4 =	vld [tilespmem:s4+$0x80]  }
0x3ea: {  	v1 =	vadd.f32 v5, v1;
	v5 =	vld [tilespmem:s12+$0x0]  }
0x3eb: {  	v3 =	vadd.f32 v9, v3;
	v9 =	vld [tilespmem:s4+$0x100]  }
0x3ec: {  	s0 =	sadd.s32 $0x40, s0;
	v2 =	vadd.f32 v8, v2;
	v8 =	vld [tilespmem:s12+$0x80];
	v1 =	vadd.f32 v6, v1  }
0x3ed: {  	[tilespmem:s0+$0x0] =	vst v3;
	v3 =	vld [tilespmem:s4+$0x180]  }
0x3ee: {  	s13 =	sor.u32 $0x10, s23;
	[tilespmem:s14+$0x0] =	vst v1;
	v1 =	vld [tilespmem:s4+$0x200]  }
0x3ef: {  	s7 =	sor.u32 s13, s3;
	[tilespmem:s22+$0x0] =	vst v2;
	v4 =	vadd.f32 v4, v7;
	v7 =	vld [tilespmem:s4+$0x280]  }
0x3f0: {  	v2 =	vld [tilespmem:s7+$0x0]  }
0x3f1: {  	s20 =	sor.u32 $0x20, s23;
	v6 =	vld [tilespmem:s7+$0x80]  }
0x3f2: {  	s9 =	sor.u32 s20, s3;
	v10 =	vld [tilespmem:s7+$0x100];
	v4 =	vadd.f32 v9, v4  }
0x3f3: {  	v9 =	vld [tilespmem:s9+$0x80]  }
0x3f4: {  	v5 =	vadd.f32 v8, v5;
	v8 =	vld [tilespmem:s9+$0x0];
	v3 =	vadd.f32 v3, v4  }
0x3f5: {  	v4 =	vld [tilespmem:s4+$0x300]  }
0x3f6: {  	s17 =	sadd.s32 $0x1A500, s30;
	v1 =	vadd.f32 v1, v3;
	v3 =	vld [tilespmem:s4+$0x380]  }
0x3f7: {  	s21 =	sor.u32 s6, s17;
	v2 =	vadd.f32 v6, v2;
	v6 =	vld [tilespmem:s12+$0x100]  }
0x3f8: {  	v1 =	vadd.f32 v7, v1;
	v7 =	vld [tilespmem:s21+$0x0]  }
0x3f9: {  	s5 =	sadd.s32 $0x1A580, s30;
	v2 =	vadd.f32 v10, v2;
	v10 =	vld [tilespmem:s7+$0x180]  }
0x3fa: {  	s25 =	sor.u32 s6, s5;
	v1 =	vadd.f32 v4, v1;
	v4 =	vadd.f32 v9, v8;
	v9 =	vld [tilespmem:s9+$0x100]  }
0x3fb: {  	s8 =	sadd.s32 $0x1A680, s30;
	s31 =	sor.u32 s20, s5;
	s26 =	sadd.s32 $0x1A600, s30;
	v8 =	vld [tilespmem:s25+$0x0]  }
0x3fc: {  	s24 =	sor.u32 s13, s5;
	s22 =	sor.u32 s23, s5;
	s5 =	sor.u32 s6, s26;
	v1 =	vadd.f32 v3, v1;
	v3 =	vadd.f32 v6, v5;
	v6 =	vld [tilespmem:s12+$0x180]  }
0x3fd: {  	s18 =	sor.u32 s23, s17;
	s10 =	sor.u32 s6, s8;
	v5 =	vld [tilespmem:s5+$0x0]  }
0x3fe: {  	s11 =	sadd.s32 $0x1A700, s30;
	s19 =	sor.u32 s13, s17;
	[dreg:$0xf] =	wrdreg s18;
	v1 =	vadd.f32 v7, v1;
	v7 =	vld [tilespmem:s10+$0x0]  }
0x3ff: {  	s3 =	sor.u32 s20, s17;
	[dreg:$0x7] =	wrdreg s19;
	s14 =	sor.u32 s6, s11;
	v4 =	vadd.f32 v9, v4;
	v9 =	vld [tilespmem:s9+$0x180]  }
0x400: {  	s16 =	sor.u32 s23, s8;
	s17 =	sor.u32 s13, s8;
	[dreg:$0xa] =	wrdreg s24;
	v1 =	vadd.f32 v8, v1;
	v8 =	vld [tilespmem:s14+$0x0]  }
0x401: {  	s19 =	sor.u32 s13, s11;
	[dreg:$0x10] =	wrdreg s22;
	s22 =	sadd.s32 $0x1A780, s30;
	v3 =	vadd.f32 v6, v3;
	v6 =	vld [tilespmem:s12+$0x200]  }
0x402: {  	s29 =	sor.u32 s23, s26;
	s24 =	sor.u32 s6, s22;
	s25 =	sadd.s32 $0x1A800, s30;
	v2 =	vadd.f32 v10, v2;
	v10 =	vld [tilespmem:s7+$0x200];
	v1 =	vadd.f32 v5, v1  }
0x403: {  	s28 =	sor.u32 s13, s26;
	s18 =	sor.u32 s20, s26;
	s26 =	sor.u32 s6, s25;
	v5 =	vld [tilespmem:s24+$0x0]  }
0x404: {  	[dreg:$0x11] =	wrdreg s28;
	s28 =	sor.u32 s20, s8;
	s8 =	sor.u32 s23, s22;
	v1 =	vadd.f32 v7, v1;
	v7 =	vld [tilespmem:s26+$0x0]  }
0x405: {  	s4 =	sor.u32 s20, s22;
	s21 =	sor.u32 s23, s11;
	s24 =	sadd.s32 $0x1A880, s30;
	v4 =	vadd.f32 v9, v4;
	v9 =	vld [tilespmem:s9+$0x200]  }
0x406: {  	s10 =	sor.u32 s20, s11;
	s11 =	sor.u32 s13, s22;
	s22 =	sor.u32 s6, s24;
	v1 =	vadd.f32 v8, v1;
	v3 =	vadd.f32 v6, v3;
	v6 =	vld [tilespmem:s7+$0x280]  }
0x407: {  	v8 =	vld [tilespmem:s22+$0x0]  }
0x408: {  	v1 =	vadd.f32 v5, v1;
	v5 =	vld [tilespmem:s12+$0x280]  }
0x409: {  	v2 =	vadd.f32 v10, v2;
	v10 =	vld [tilespmem:s12+$0x300]  }
0x40a: {  	[dreg:$0xb] =	wrdreg s3;
	s3 =	sor.u32 s23, s25;
	s5 =	sor.u32 s13, s25;
	v1 =	vadd.f32 v7, v1;
	v7 =	vld [tilespmem:s9+$0x280]  }
0x40b: {  	s30 =	sor.u32 s20, s25;
	s25 =	sor.u32 s23, s24;
	s23 =	sand.u32 $0x380, s15;
	v2 =	vadd.f32 v6, v2;
	v6 =	vld [tilespmem:s7+$0x380]  }
0x40c: {  	s23 =	sadd.s32 $0x18E80, s23;
	v1 =	vadd.f32 v8, v1;
	v8 =	vld [tilespmem:s7+$0x300]  }
0x40d: {  	s6 =	sor.u32 s6, s23;
	v4 =	vadd.f32 v9, v4;
	v3 =	vadd.f32 v5, v3;
	v5 =	vld [tilespmem:s9+$0x300]  }
0x40e: {  	[tilespmem:s6+$0x0] =	vst v1;
	v1 =	vld [tilespmem:s12+$0x380]  }
0x40f: {  	v4 =	vadd.f32 v7, v4;
	v7 =	vld [tilespmem:s9+$0x380]  }
0x410: {  	v3 =	vadd.f32 v10, v3;
	s9 =	rddreg [dreg:$0xf];
	v10 =	vld [tilespmem:s8+$0x0]  }
0x411: {  	s26 =	sor.u32 s13, s24;
	s12 =	rddreg [dreg:$0x7];
	v9 =	vld [tilespmem:s9+$0x0]  }
0x412: {  	s24 =	sor.u32 s20, s24;
	s14 =	sor.u32 s20, s23;
	s20 =	rddreg [dreg:$0x10];
	v2 =	vadd.f32 v8, v2;
	v8 =	vld [tilespmem:s12+$0x0]  }
0x413: {  	s22 =	sor.u32 s13, s23;
	s13 =	rddreg [dreg:$0xb];
	v4 =	vadd.f32 v5, v4;
	v5 =	vld [tilespmem:s20+$0x0]  }
0x414: {  	s23 =	rddreg [dreg:$0xa];
	v1 =	vadd.f32 v1, v3;
	v3 =	vld [tilespmem:s13+$0x0]  }
0x415: {  	v2 =	vadd.f32 v6, v2;
	v6 =	vld [tilespmem:s23+$0x0]  }
0x416: {  	v4 =	vadd.f32 v7, v4;
	v7 =	vld [tilespmem:s31+$0x0]  }
0x417: {  	s31 =	rddreg [dreg:$0x11];
	v1 =	vadd.f32 v9, v1;
	v9 =	vld [tilespmem:s29+$0x0]  }
0x418: {  	v2 =	vadd.f32 v8, v2;
	v8 =	vld [tilespmem:s31+$0x0]  }
0x419: {  	v1 =	vadd.f32 v5, v1;
	v5 =	vld [tilespmem:s16+$0x0]  }
0x41a: {  	v3 =	vadd.f32 v3, v4;
	v4 =	vld [tilespmem:s18+$0x0]  }
0x41b: {  	v2 =	vadd.f32 v6, v2;
	v6 =	vld [tilespmem:s17+$0x0]  }
0x41c: {  	v1 =	vadd.f32 v9, v1;
	v9 =	vld [tilespmem:s21+$0x0]  }
0x41d: {  	v3 =	vadd.f32 v7, v3;
	v7 =	vld [tilespmem:s28+$0x0]  }
0x41e: {  	s1 =	sadd.s32 $0x4, s1;
	v2 =	vadd.f32 v8, v2;
	v8 =	vld [tilespmem:s19+$0x0]  }
0x41f: {  	p5 =	slt.u32 s1, $0x24;
	v1 =	vadd.f32 v5, v1;
	v5 =	vld [tilespmem:s10+$0x0]  }
.Ltmp16:
0x420: {  	v3 =	vadd.f32 v4, v3;
	v4 =	vadd.f32 v6, v2;
	v2 =	vld [tilespmem:s11+$0x0];
	(pc) =	sbr.rel @p5 .LBB2_31-.Ltmp16, $4  }
0x421: {  	v9 =	vadd.f32 v9, v1;
	v1 =	vld [tilespmem:s4+$0x0]  }
0x422: {  	v6 =	vadd.f32 v7, v3;
	v3 =	vld [tilespmem:s3+$0x0]  }
0x423: {  	v8 =	vadd.f32 v8, v4;
	v4 =	vld [tilespmem:s5+$0x0]  }
0x424: {  	s2 =	sadd.s32 $0x200, s2;
	s15 =	sadd.s32 $0x40, s15;
	v7 =	vadd.f32 v5, v6;
	v6 =	vadd.f32 v10, v9;
	v5 =	vld [tilespmem:s30+$0x0]  }
0x425: {  	v9 =	vld [tilespmem:s25+$0x0]  }
0x426: {  	v10 =	vld [tilespmem:s26+$0x0]  }
0x427: {  	v2 =	vadd.f32 v2, v8;
	v63 =	vld [tilespmem:s24+$0x0]  }
0x428: {  	v1 =	vadd.f32 v1, v7;
	v3 =	vadd.f32 v3, v6  }
0x429: {  	v2 =	vadd.f32 v4, v2  }
0x42a: {  	v1 =	vadd.f32 v5, v1;
	v3 =	vadd.f32 v9, v3  }
0x42b: {  	s0 =	sadd.s32 $0x40, s0;
	v2 =	vadd.f32 v10, v2  }
0x42c: {  	v1 =	vadd.f32 v63, v1;
	[tilespmem:s0+$0x0] =	vst v3  }
0x42d: {  	[tilespmem:s22+$0x0] =	vst v2  }
0x42e: {  	s17 =	simm.s32 $0x80;
	s3 =	simm.s32 $0x100;
	[tilespmem:s14+$0x0] =	vst v1  }
0x42f: {  	s1 =	simm.s32 $0x18E80;
	s18 =	simm.s32 $0x2;
	s0 =	rddreg [dreg:$0x1b]  }
0x430: {  	[hbm4b:s0+s17] =	stream.strided.scatter [tilespmem:s1], [sflag:$0x2], $0x280, s3, s17, $0x38;
	[tilespmem:$0x1E380] =	vst v63  }
0x431: {  	_ =	swait.ge [sflag:s18], $0x280  }
0x432: {  	s30 =	rddreg [dreg:$0x1d]  }
0x433: {  	s31 =	rddreg [dreg:$0x1c];
	s1 =	sadd.s32 $0x1, s30  }
0x434: {  	p2 =	sne.s32 s1, s31  }
.Ltmp17:
0x435: {  	_ = 	snop;
	(pc) =	sbr.rel @p2 .LBB2_1-.Ltmp17, $3  }
0x436: {  	_ =	sdelay $0x1  }
0x437: {  	s12 =	simm.s32 $0x0;
	s4 =	simm.s32 $0x2800;
	[sflag:s18] =	ssyncset.done $0x0  }
0x438: {  	s19 =	simm.s32 $0x13B80;
	s16 =	rddreg [dreg:$0x16];
	[sflag:s18] =	ssyncadd.s32 $0xFFFFFD80  }
0x439: {  	_ =	sfence.sel $0x180000  }
0x43a: {  	[bflag:$0x0] =	sbarrier.arrive $0xFFFF  }
0x43b: {  	_ =	strace $0x90000047  }
0x43c: {  	s0 =	stileid.u32;
	[bflag:$0x2] =	sbarrier.arrive $0xFFFF  }
0x43d: {  	p0 =	sne.s32 s0, $0x0;
	s0 =	rddreg [dreg:$0x5]  }
0x43e: {  	s0 =	sadd.s32 @!p0 $0x100000, s0  }
0x43f: {  	[sflag:s0] =	ssyncadd.tile.s32 @!p0 $0x1;
	_ =	shalt  }
.Lfunc_end2:
_tile_overlayer_lowered:
.L_overlay_start_2:
0x440: {  	(tag) =	ssettag $0x2  }
0x441: {  	s0 =	rddreg [dreg:$0x0];
	s2 =	stileid.u32  }
0x442: {  	s1 =	rddreg [dreg:$0x1];
	p0 =	sne.s32 s2, $0x0  }
0x443: {  	s3 =	rddreg [dreg:$0x2];
	[bflag:$0x3] =	sbarrier.arrive $0xFFFF;
	s2 =	simm.s32 @!p0 $0x1C02  }
0x444: {  	[timem:s3], [sflag:s2] =	dma.local @!p0 [hbm:s0], s1  }
0x445: {  	s0 =	simm.s32 @!p0 $0x2  }
0x446: {  	_ =	swait.ge @!p0 [sflag:s0], s1  }
0x447: {  	s1 =	ssub.s32 @!p0 $0x0, s1;
	[sflag:s0] =	ssyncset.done @!p0 $0x0  }
0x448: {  	[sflag:s0] =	ssyncadd.s32 @!p0 s1  }
0x449: {  	[bflag:$0x3] =	sbarrier.arrive $0xFFFF  }
0x44a: {  	_ =	shalt  }

</sc_bundles>
